<compile_context>
chip_gen: v7x
topology: tpu7x:2x2x1
jax: 0.10.2.dev20260603
libtpu: 0.0.44.dev20260713+nightly
codegen_flags: <defaults>
</compile_context>

<pallas_src>
import functools

import jax
import jax.numpy as jnp
from jax import lax
from jax.experimental import pallas as pl
from jax.experimental.pallas import tpu as pltpu
from jax.experimental.pallas import tpu_sc as plsc

B = 8
GB = 32
N = 2048
S = 512
NS = 64
R2 = 0.25
C0 = 131
C1 = 128
C2 = 256
C3 = 512
EPS = 1e-5
ROWS = B * S
PIX = ROWS * NS
HIGH = jax.lax.Precision.HIGHEST


def _fps_body(xyz_ref, newxyz_ref):
    x = xyz_ref[:, 0, :]
    y = xyz_ref[:, 1, :]
    z = xyz_ref[:, 2, :]
    iota_n = lax.broadcasted_iota(jnp.int32, (B, N), 1)
    iota_s = lax.broadcasted_iota(jnp.int32, (B, S), 1)

    def step(i, state):
        distance, farthest, ax, ay, az = state
        oh = iota_n == farthest
        cx = jnp.sum(jnp.where(oh, x, 0.0), axis=1, keepdims=True)
        cy = jnp.sum(jnp.where(oh, y, 0.0), axis=1, keepdims=True)
        cz = jnp.sum(jnp.where(oh, z, 0.0), axis=1, keepdims=True)
        sel = iota_s == i
        ax = jnp.where(sel, cx, ax)
        ay = jnp.where(sel, cy, ay)
        az = jnp.where(sel, cz, az)
        dx = x - cx
        dy = y - cy
        dz = z - cz
        dist = dy * dy + (dx * dx + dz * dz)
        distance = jnp.minimum(distance, dist)
        m = jnp.max(distance, axis=1, keepdims=True)
        cand = jnp.where(distance == m, iota_n, N)
        farthest = jnp.min(cand, axis=1, keepdims=True)
        return distance, farthest, ax, ay, az

    distance0 = jnp.full((B, N), 1e10, dtype=jnp.float32)
    farthest0 = jnp.zeros((B, 1), dtype=jnp.int32)
    acc0 = jnp.zeros((B, S), dtype=jnp.float32)
    _, _, ax, ay, az = lax.fori_loop(
        0, S, step, (distance0, farthest0, acc0, acc0, acc0))
    newxyz_ref[:, 0, :] = ax
    newxyz_ref[:, 1, :] = ay
    newxyz_ref[:, 2, :] = az


def _fps(xyz):
    return pl.pallas_call(
        _fps_body,
        out_shape=jax.ShapeDtypeStruct((B, 3, S), jnp.float32),
    )(xyz)


def _prep_body(xyz_ref, pts_ref, nxy_ref, w0_ref, b0_ref, dist_ref, y1_ref,
               v_ref):
    x = xyz_ref[0]
    nx = nxy_ref[0]
    sq_d = (x[0] * x[0] + x[1] * x[1]) + x[2] * x[2]
    sq_s = (nx[0] * nx[0] + nx[1] * nx[1]) + nx[2] * nx[2]
    prod = lax.dot_general(nx, x, (((0,), (0,)), ((), ())))
    dist = (-2.0 * prod + sq_s[:, None]) + sq_d[None, :]
    dist_ref[0] = dist
    feat = jnp.concatenate([x, pts_ref[0]], axis=0)
    w0 = w0_ref[...]
    y1 = lax.dot_general(feat, w0, (((0,), (1,)), ((), ())),
                         precision=HIGH)
    y1_ref[0] = y1 + b0_ref[...]
    v = lax.dot_general(nx, w0[:, :3], (((0,), (1,)), ((), ())),
                        precision=HIGH)
    v_ref[0] = v


def _prep(xyz, pts, newxyz, w0, b0):
    return pl.pallas_call(
        _prep_body,
        grid=(B,),
        in_specs=[
            pl.BlockSpec((1, 3, N), lambda b: (b, 0, 0)),
            pl.BlockSpec((1, C1, N), lambda b: (b, 0, 0)),
            pl.BlockSpec((1, 3, S), lambda b: (b, 0, 0)),
            pl.BlockSpec((C1, C0), lambda b: (0, 0)),
            pl.BlockSpec((1, C1), lambda b: (0, 0)),
        ],
        out_specs=[
            pl.BlockSpec((1, S, N), lambda b: (b, 0, 0)),
            pl.BlockSpec((1, N, C1), lambda b: (b, 0, 0)),
            pl.BlockSpec((1, S, C1), lambda b: (b, 0, 0)),
        ],
        out_shape=[
            jax.ShapeDtypeStruct((B, S, N), jnp.float32),
            jax.ShapeDtypeStruct((B, N, C1), jnp.float32),
            jax.ShapeDtypeStruct((B, S, C1), jnp.float32),
        ],
    )(xyz, pts, newxyz, w0, b0)


_NC = 2
_NSUB = 16
_NW = _NC * _NSUB
_ROWS_PER_W = ROWS // _NW


def _sc_group_body(dist_hbm, nid_hbm, y1_hbm, zraw_hbm, nidx_v, dv0, dv1,
                   buf_v, idx0, idx1, rw0, rw1, sd0, sd1, sg, ss0, ss1):
    wid = lax.axis_index("s") * _NC + lax.axis_index("c")
    row0 = wid * _ROWS_PER_W
    rend = row0 + _ROWS_PER_W
    lane = lax.broadcasted_iota(jnp.int32, (16,), 0)
    pltpu.sync_copy(nid_hbm.at[pl.ds((wid // (S // _ROWS_PER_W)) * N, N)],
                    nidx_v)
    bufs = ((dv0, idx0, rw0, sd0, ss0), (dv1, idx1, rw1, sd1, ss1))
    pltpu.async_copy(dist_hbm.at[row0], dv0, sd0)

    def compact(dv, idx):
        def chunk4(i, off_vec):
            for u in range(4):
                k16 = (i * 4 + u) * 16
                d = dv[pl.ds(k16, 16)]
                m = d <= R2
                rank = plsc.cumsum(jnp.where(m, 1, 0))
                cand = nidx_v[pl.ds(k16, 16)]
                plsc.store_scatter(buf_v, [off_vec + rank - 1], cand, mask=m)
                off_vec = off_vec + plsc.all_reduce_population_count(m)
            return off_vec

        off = lax.fori_loop(0, N // 64, chunk4, jnp.zeros((16,), jnp.int32))
        for j in range(NS // 16):
            posc = lane + j * 16
            pos = jnp.where(posc < off, posc, 0)
            idx[pl.ds(j * 16, 16)] = plsc.load_gather(buf_v, [pos])

    pltpu.make_async_copy(dist_hbm.at[row0], dv0, sd0).wait()
    pltpu.async_copy(dist_hbm.at[row0 + 1], dv1, sd1)
    compact(dv0, idx0)

    def step(r, cur, nxt, ss_wait, fire_dist, do_compact):
        dv, idx, rw, sd, ss = cur
        dvn, idxn, _, sdn, _ = nxt
        if ss_wait:
            pltpu.make_async_copy(
                rw, zraw_hbm.at[pl.ds((r - 2) * NS, NS)], ss).wait()
        h = pltpu.async_copy(y1_hbm.at[idx], rw, sg)
        if do_compact:
            pltpu.make_async_copy(dist_hbm.at[r + 1], dvn, sdn).wait()
            if fire_dist:
                pltpu.async_copy(dist_hbm.at[r + 2], dv, sd)
            compact(dvn, idxn)
        h.wait()
        pltpu.async_copy(rw, zraw_hbm.at[pl.ds(r * NS, NS)], ss)

    step(row0, bufs[0], bufs[1], False, True, True)
    step(row0 + 1, bufs[1], bufs[0], False, True, True)

    def pair_body(i, carry):
        r = row0 + 2 * i
        step(r, bufs[0], bufs[1], True, True, True)
        step(r + 1, bufs[1], bufs[0], True, True, True)
        return carry

    lax.fori_loop(1, _ROWS_PER_W // 2 - 1, pair_body, 0)
    step(rend - 2, bufs[0], bufs[1], True, False, True)
    step(rend - 1, bufs[1], bufs[0], True, False, False)
    pltpu.make_async_copy(rw0, zraw_hbm.at[pl.ds((rend - 2) * NS, NS)],
                          ss0).wait()
    pltpu.make_async_copy(rw1, zraw_hbm.at[pl.ds((rend - 1) * NS, NS)],
                          ss1).wait()


def _sc_group(dist, y1flat):
    mesh = plsc.VectorSubcoreMesh(core_axis_name="c", subcore_axis_name="s")
    f = functools.partial(
        pl.kernel,
        mesh=mesh,
        compiler_params=pltpu.CompilerParams(needs_layout_passes=False),
        out_type=jax.ShapeDtypeStruct((PIX, C1), jnp.float32),
        scratch_types=[
            pltpu.VMEM((N,), jnp.int32),
            pltpu.VMEM((N,), jnp.float32),
            pltpu.VMEM((N,), jnp.float32),
            pltpu.VMEM((N + 16,), jnp.int32),
            pltpu.VMEM((NS,), jnp.int32),
            pltpu.VMEM((NS,), jnp.int32),
            pltpu.VMEM((NS, C1), jnp.float32),
            pltpu.VMEM((NS, C1), jnp.float32),
            pltpu.SemaphoreType.DMA,
            pltpu.SemaphoreType.DMA,
            pltpu.SemaphoreType.DMA,
            pltpu.SemaphoreType.DMA,
            pltpu.SemaphoreType.DMA,
        ],
    )(_sc_group_body)
    nid = jnp.arange(B * N, dtype=jnp.int32)
    return f(dist, nid, y1flat)


def _stats1_body(zraw_ref, v_ref, out_ref):
    @pl.when(pl.program_id(0) == 0)
    def _():
        out_ref[...] = jnp.zeros_like(out_ref)

    z = zraw_ref[...].reshape(GB, NS, C1) - v_ref[...][:, None, :]
    s = jnp.sum(z, axis=(0, 1))
    s2 = jnp.sum(z * z, axis=(0, 1))
    out_ref[0, :] += s
    out_ref[1, :] += s2


def _stats1(zraw, vflat):
    g = ROWS // GB
    return pl.pallas_call(
        _stats1_body,
        grid=(g,),
        in_specs=[
            pl.BlockSpec((GB * NS, C1), lambda i: (i, 0)),
            pl.BlockSpec((GB, C1), lambda i: (i, 0)),
        ],
        out_specs=pl.BlockSpec((2, C1), lambda i: (0, 0)),
        out_shape=jax.ShapeDtypeStruct((2, C1), jnp.float32),
    )(zraw, vflat)


def _l2_body(zraw_ref, v_ref, s1_ref, w1_ref, b1_ref, out_ref):
    @pl.when(pl.program_id(0) == 0)
    def _():
        out_ref[...] = jnp.zeros_like(out_ref)

    z = zraw_ref[...].reshape(GB, NS, C1) - v_ref[...][:, None, :]
    x1 = jnp.maximum(z * s1_ref[0][None, None, :] + s1_ref[1][None, None, :],
                     0.0).reshape(GB * NS, C1).astype(jnp.bfloat16)
    z2 = lax.dot_general(x1, w1_ref[...].astype(jnp.bfloat16),
                         (((1,), (1,)), ((), ())),
                         preferred_element_type=jnp.float32) + b1_ref[...]
    out_ref[0, :] += jnp.sum(z2, axis=0)
    out_ref[1, :] += jnp.sum(z2 * z2, axis=0)


def _l2stats(zraw, vflat, s1, w1, b1):
    g = ROWS // GB
    return pl.pallas_call(
        _l2_body,
        grid=(g,),
        in_specs=[
            pl.BlockSpec((GB * NS, C1), lambda i: (i, 0)),
            pl.BlockSpec((GB, C1), lambda i: (i, 0)),
            pl.BlockSpec((2, C1), lambda i: (0, 0)),
            pl.BlockSpec((C2, C1), lambda i: (0, 0)),
            pl.BlockSpec((1, C2), lambda i: (0, 0)),
        ],
        out_specs=pl.BlockSpec((2, C2), lambda i: (0, 0)),
        out_shape=jax.ShapeDtypeStruct((2, C2), jnp.float32),
    )(zraw, vflat, s1, w1, b1)


def _l3_body(zraw_ref, v_ref, s1_ref, w1_ref, b1_ref, s2_ref, w2_ref, b2_ref,
             zmax_ref, zmin_ref, st3_ref):
    @pl.when(pl.program_id(0) == 0)
    def _():
        st3_ref[...] = jnp.zeros_like(st3_ref)

    z = zraw_ref[...].reshape(GB, NS, C1) - v_ref[...][:, None, :]
    x1 = jnp.maximum(z * s1_ref[0][None, None, :] + s1_ref[1][None, None, :],
                     0.0).reshape(GB * NS, C1).astype(jnp.bfloat16)
    z2 = lax.dot_general(x1, w1_ref[...].astype(jnp.bfloat16),
                         (((1,), (1,)), ((), ())),
                         preferred_element_type=jnp.float32) + b1_ref[...]
    x2 = jnp.maximum(z2 * s2_ref[0][None, :] + s2_ref[1][None, :],
                     0.0).astype(jnp.bfloat16)
    z3 = lax.dot_general(x2, w2_ref[...].astype(jnp.bfloat16),
                         (((1,), (1,)), ((), ())),
                         preferred_element_type=jnp.float32) + b2_ref[...]
    st3_ref[0, :] += jnp.sum(z3, axis=0)
    st3_ref[1, :] += jnp.sum(z3 * z3, axis=0)
    z3g = z3.reshape(GB, NS, C3)
    zmax_ref[...] = jnp.max(z3g, axis=1)
    zmin_ref[...] = jnp.min(z3g, axis=1)


def _l3pool(zraw, vflat, s1, w1, b1, s2, w2, b2):
    g = ROWS // GB
    return pl.pallas_call(
        _l3_body,
        grid=(g,),
        in_specs=[
            pl.BlockSpec((GB * NS, C1), lambda i: (i, 0)),
            pl.BlockSpec((GB, C1), lambda i: (i, 0)),
            pl.BlockSpec((2, C1), lambda i: (0, 0)),
            pl.BlockSpec((C2, C1), lambda i: (0, 0)),
            pl.BlockSpec((1, C2), lambda i: (0, 0)),
            pl.BlockSpec((2, C2), lambda i: (0, 0)),
            pl.BlockSpec((C3, C2), lambda i: (0, 0)),
            pl.BlockSpec((1, C3), lambda i: (0, 0)),
        ],
        out_specs=[
            pl.BlockSpec((GB, C3), lambda i: (i, 0)),
            pl.BlockSpec((GB, C3), lambda i: (i, 0)),
            pl.BlockSpec((2, C3), lambda i: (0, 0)),
        ],
        out_shape=[
            jax.ShapeDtypeStruct((ROWS, C3), jnp.float32),
            jax.ShapeDtypeStruct((ROWS, C3), jnp.float32),
            jax.ShapeDtypeStruct((2, C3), jnp.float32),
        ],
    )(zraw, vflat, s1, w1, b1, s2, w2, b2)


def _fin_body(zmax_ref, zmin_ref, s3_ref, out_ref):
    sc = s3_ref[0][None, :]
    sh = s3_ref[1][None, :]
    z = jnp.where(sc > 0.0, zmax_ref[...], zmin_ref[...])
    y = jnp.maximum(z * sc + sh, 0.0)
    out_ref[0] = y.T


def _finalize(zmax, zmin, s3):
    return pl.pallas_call(
        _fin_body,
        grid=(B,),
        in_specs=[
            pl.BlockSpec((S, C3), lambda b: (b, 0)),
            pl.BlockSpec((S, C3), lambda b: (b, 0)),
            pl.BlockSpec((2, C3), lambda b: (0, 0)),
        ],
        out_specs=pl.BlockSpec((1, C3, S), lambda b: (b, 0, 0)),
        out_shape=jax.ShapeDtypeStruct((B, C3, S), jnp.float32),
    )(zmax, zmin, s3)


def _bn_coeffs(sums, gamma, beta, count):
    mean = sums[0] / count
    var = sums[1] / count - mean * mean
    sc = gamma * lax.rsqrt(var + EPS)
    sh = beta - mean * sc
    return jnp.stack([sc, sh])


def kernel(xyz, points, W0, b0, gamma0, beta0, W1, b1, gamma1, beta1,
           W2, b2, gamma2, beta2):
    newxyz = _fps(xyz)
    dist, y1, v = _prep(xyz, points, newxyz, W0,
                        b0.reshape(1, C1))
    zraw = _sc_group(dist.reshape(ROWS, N), y1.reshape(B * N, C1))
    vflat = v.reshape(ROWS, C1)
    st1 = _stats1(zraw, vflat)
    s1 = _bn_coeffs(st1, gamma0, beta0, float(PIX))
    st2 = _l2stats(zraw, vflat, s1, W1, b1.reshape(1, C2))
    s2 = _bn_coeffs(st2, gamma1, beta1, float(PIX))
    zmax, zmin, st3 = _l3pool(zraw, vflat, s1, W1, b1.reshape(1, C2),
                              s2, W2, b2.reshape(1, C3))
    s3 = _bn_coeffs(st3, gamma2, beta2, float(PIX))
    new_points = _finalize(zmax, zmin, s3)
    return newxyz, new_points

# --- scband reference (transcript-rebuilt; emitter-appended) ---
"""Pipeline reference for scband-point-net-set-abstraction-3427383902464 (READ-ONLY COPY).

The authoritative reference and input builder live on the scoring server;
editing this copy changes nothing except your own understanding.
"""

import jax, jax.numpy as jnp
import numpy as np

B = 8; N = 2048; NPOINT = 512; NSAMPLE = 64; RADIUS = 0.5
IN_CH = 131; MLP = [128, 256, 512]; EPS = 1e-5


def square_distance(src, dst):
    dist = -2.0 * jnp.matmul(src, jnp.swapaxes(dst, 1, 2))
    dist = dist + jnp.sum(src ** 2, -1)[..., None]
    dist = dist + jnp.sum(dst ** 2, -1)[:, None, :]
    return dist


def farthest_point_sample(xyz, npoint):
    b, n, _ = xyz.shape
    batch_idx = jnp.arange(b)

    def body(i, state):
        centroids, distance, farthest = state
        centroids = centroids.at[:, i].set(farthest)
        centroid = xyz[batch_idx, farthest, :][:, None, :]
        dist = jnp.sum((xyz - centroid) ** 2, -1)
        distance = jnp.minimum(distance, dist)
        farthest = jnp.argmax(distance, -1).astype(jnp.int32)
        return centroids, distance, farthest

    centroids0 = jnp.zeros((b, npoint), dtype=jnp.int32)
    distance0 = jnp.full((b, n), 1e10, dtype=jnp.float32)
    farthest0 = jnp.zeros((b,), dtype=jnp.int32)
    centroids, _, _ = jax.lax.fori_loop(0, npoint, body, (centroids0, distance0, farthest0))
    return centroids


def query_ball_point(radius, nsample, xyz, new_xyz):
    b, n, _ = xyz.shape
    s = new_xyz.shape[1]
    group_idx = jnp.broadcast_to(jnp.arange(n, dtype=jnp.int32), (b, s, n))
    sqrdists = square_distance(new_xyz, xyz)
    group_idx = jnp.where(sqrdists > radius ** 2, n, group_idx)
    group_idx = jnp.sort(group_idx, axis=-1)[:, :, :nsample]
    group_first = jnp.broadcast_to(group_idx[:, :, :1], group_idx.shape)
    group_idx = jnp.where(group_idx == n, group_first, group_idx)
    return group_idx


def setup_inputs(seed: int = 0):
    key = jax.random.key(seed)
    ks = jax.random.split(key, 16)
    inp = {}
    inp["xyz"] = jax.random.normal(ks[0], (B, 3, N), dtype=jnp.float32)
    inp["points"] = jax.random.normal(ks[1], (B, 128, N), dtype=jnp.float32)
    last = IN_CH
    for i, oc in enumerate(MLP):
        inp[f"W{i}"] = jax.random.normal(ks[2 + i], (oc, last), dtype=jnp.float32) * np.sqrt(2.0 / last)
        inp[f"b{i}"] = jnp.zeros((oc,), dtype=jnp.float32)
        inp[f"gamma{i}"] = jnp.ones((oc,), dtype=jnp.float32)
        inp[f"beta{i}"] = jnp.zeros((oc,), dtype=jnp.float32)
        last = oc
    return inp


def reference(xyz, points, W0, b0, gamma0, beta0, W1, b1, gamma1, beta1, W2, b2, gamma2, beta2):
    xyz_t = jnp.swapaxes(xyz, 1, 2)      # [B, N, 3]
    pts_t = jnp.swapaxes(points, 1, 2)   # [B, N, D]
    fps_idx = farthest_point_sample(xyz_t, NPOINT)                      # [B, S]
    new_xyz = jnp.take_along_axis(xyz_t, fps_idx[..., None], axis=1)    # [B, S, 3]
    idx = query_ball_point(RADIUS, NSAMPLE, xyz_t, new_xyz)             # [B, S, ns]
    grouped_xyz = jax.vmap(lambda x, i: x[i])(xyz_t, idx)               # [B, S, ns, 3]
    grouped_xyz_norm = grouped_xyz - new_xyz[:, :, None, :]
    grouped_pts = jax.vmap(lambda p, i: p[i])(pts_t, idx)               # [B, S, ns, D]
    new_points = jnp.concatenate([grouped_xyz_norm, grouped_pts], axis=-1)  # [B, S, ns, 3+D]
    x = jnp.transpose(new_points, (0, 3, 2, 1))                         # [B, C, ns, S]
    for W, b, g, be in ((W0, b0, gamma0, beta0), (W1, b1, gamma1, beta1), (W2, b2, gamma2, beta2)):
        x = jnp.einsum('bchw,oc->bohw', x, W) + b[None, :, None, None]
        mean = jnp.mean(x, axis=(0, 2, 3), keepdims=True)
        var = jnp.var(x, axis=(0, 2, 3), keepdims=True)
        x = (x - mean) / jnp.sqrt(var + EPS)
        x = x * g[None, :, None, None] + be[None, :, None, None]
        x = jax.nn.relu(x)
    new_points_out = jnp.max(x, axis=2)          # [B, C_out, S]
    new_xyz_out = jnp.swapaxes(new_xyz, 1, 2)    # [B, 3, S]
    return new_xyz_out, new_points_out

if __name__ == "__main__":
    import jax
    _d = setup_inputs()
    print(jax.jit(kernel)(*tuple(_d.values())))

</pallas_src>

<mosaic_0001>
#map = affine_map<(d0, d1) -> (0, 0)>
#map1 = affine_map<(d0, d1) -> (0)>
module attributes {stable_mosaic.version = 14 : i64} {
  func.func @_sc_group_body(%arg0: i32, %arg1: i32, %arg2: memref<4096x2048xf32, #tpu.memory_space<hbm>>, %arg3: memref<16384xi32, #tpu.memory_space<hbm>>, %arg4: memref<16384x128xf32, #tpu.memory_space<hbm>>, %arg5: memref<262144x128xf32, #tpu.memory_space<hbm>>, %arg6: memref<2048xi32, #tpu.memory_space<vmem>>, %arg7: memref<2048xf32, #tpu.memory_space<vmem>>, %arg8: memref<2048xf32, #tpu.memory_space<vmem>>, %arg9: memref<2064xi32, #tpu.memory_space<vmem>>, %arg10: memref<64xi32, #tpu.memory_space<vmem>>, %arg11: memref<64xi32, #tpu.memory_space<vmem>>, %arg12: memref<64x128xf32, #tpu.memory_space<vmem>>, %arg13: memref<64x128xf32, #tpu.memory_space<vmem>>, %arg14: memref<!tpu.dma_semaphore, #tpu.memory_space<semaphore_mem>>, %arg15: memref<!tpu.dma_semaphore, #tpu.memory_space<semaphore_mem>>, %arg16: memref<!tpu.dma_semaphore, #tpu.memory_space<semaphore_mem>>, %arg17: memref<!tpu.dma_semaphore, #tpu.memory_space<semaphore_mem>>, %arg18: memref<!tpu.dma_semaphore, #tpu.memory_space<semaphore_mem>>) attributes {dimension_semantics = [#tpu.dimension_semantics<core_parallel>, #tpu.dimension_semantics<subcore_parallel>], iteration_bounds = array<i64: 2, 16>, scalar_prefetch = 0 : i64, scratch_operands = 13 : i64, tpu.core_type = #tpu.core_type<sc_vector_subcore>, window_params = [{transform_indices = #map}, {transform_indices = #map1}, {transform_indices = #map}, {transform_indices = #map}]} {
    %mul3A = arith.constant 2 : i32
    %mul3A_0 = arith.muli %arg1, %mul3A : i32
    %add3A = arith.addi %mul3A_0, %arg0 : i32
    %mul3A_1 = arith.constant 128 : i32
    %mul3A_2 = arith.muli %add3A, %mul3A_1 : i32
    %add3A_3 = arith.constant 128 : i32
    %add3A_4 = arith.addi %mul3A_2, %add3A_3 : i32
    %iota3A = tpu.iota {dimensions = array<i32: 0>} : vector<16xi32>
    %jit3A = arith.constant 4 : i32
    %div3A = arith.divsi %add3A, %jit3A : i32
    %sign3A = arith.constant 0 : i32
    %sign3A_5 = arith.cmpi sgt, %add3A, %sign3A : i32
    %sign3A_6 = arith.extui %sign3A_5 : i1 to i32
    %sign3A_7 = arith.constant 0 : i32
    %sign3A_8 = arith.cmpi slt, %add3A, %sign3A_7 : i32
    %sign3A_9 = arith.extui %sign3A_8 : i1 to i32
    %sign3A_10 = arith.subi %sign3A_6, %sign3A_9 : i32
    %sign3A_11 = arith.constant 0 : i32
    %sign3A_12 = arith.cmpi sgt, %jit3A, %sign3A_11 : i32
    %sign3A_13 = arith.extui %sign3A_12 : i1 to i32
    %sign3A_14 = arith.constant 0 : i32
    %sign3A_15 = arith.cmpi slt, %jit3A, %sign3A_14 : i32
    %sign3A_16 = arith.extui %sign3A_15 : i1 to i32
    %sign3A_17 = arith.subi %sign3A_13, %sign3A_16 : i32
    %ne3A = arith.cmpi ne, %sign3A_10, %sign3A_17 : i32
    %rem3A = arith.remsi %add3A, %jit3A : i32
    %ne3A_18 = arith.constant 0 : i32
    %ne3A_19 = arith.cmpi ne, %rem3A, %ne3A_18 : i32
    %and3A = arith.andi %ne3A, %ne3A_19 : i1
    %sub3A = arith.constant 1 : i32
    %sub3A_20 = arith.subi %div3A, %sub3A : i32
    %select_n3A = arith.select %and3A, %sub3A_20, %div3A : i32
    %mul3A_21 = arith.constant 2048 : i32
    %mul3A_22 = arith.muli %select_n3A, %mul3A_21 : i32
    "tpu.region"() ({
      %run_scoped3A = tpu.sem_alloc : memref<!tpu.dma_semaphore, #tpu.memory_space<semaphore_mem>>
      %dma_start3A_360 = tpu.memref_slice %arg3[%mul3A_22] : memref<16384xi32, #tpu.memory_space<hbm>> -> memref<2048xi32, #tpu.memory_space<hbm>>
      %dma_start3A_361 = tpu.memref_slice %arg3[%mul3A_22] : memref<16384xi32, #tpu.memory_space<hbm>> -> memref<2048xi32, #tpu.memory_space<hbm>>
      tpu.enqueue_dma source(%dma_start3A_361 : memref<2048xi32, #tpu.memory_space<hbm>>) target(%arg6 : memref<2048xi32, #tpu.memory_space<vmem>>) target_semaphore(%run_scoped3A : memref<!tpu.dma_semaphore, #tpu.memory_space<semaphore_mem>>)
      %dma_wait3A_362 = tpu.memref_slice %arg3[%mul3A_22] : memref<16384xi32, #tpu.memory_space<hbm>> -> memref<2048xi32, #tpu.memory_space<hbm>>
      %dma_wait3A_363 = tpu.memref_slice %arg3[%mul3A_22] : memref<16384xi32, #tpu.memory_space<hbm>> -> memref<2048xi32, #tpu.memory_space<hbm>>
      tpu.wait_dma2 semaphore(%run_scoped3A : memref<!tpu.dma_semaphore, #tpu.memory_space<semaphore_mem>>) src(%dma_wait3A_363 : memref<2048xi32, #tpu.memory_space<hbm>>) dst(%arg6 : memref<2048xi32, #tpu.memory_space<vmem>>)
      tpu.yield
    }) : () -> ()
    %dma_start3A = arith.constant 0 : i32
    %dma_start3A_23 = tpu.memref_slice %arg2[%mul3A_2, %dma_start3A] : memref<4096x2048xf32, #tpu.memory_space<hbm>> -> memref<1x2048xf32, #tpu.memory_space<hbm>>
    %dma_start3A_24 = tpu.memref_squeeze %dma_start3A_23 : memref<1x2048xf32, #tpu.memory_space<hbm>> -> memref<2048xf32, #tpu.memory_space<hbm>>
    %dma_start3A_25 = arith.constant 0 : i32
    %dma_start3A_26 = tpu.memref_slice %arg2[%mul3A_2, %dma_start3A_25] : memref<4096x2048xf32, #tpu.memory_space<hbm>> -> memref<1x2048xf32, #tpu.memory_space<hbm>>
    %dma_start3A_27 = tpu.memref_squeeze %dma_start3A_26 : memref<1x2048xf32, #tpu.memory_space<hbm>> -> memref<2048xf32, #tpu.memory_space<hbm>>
    tpu.enqueue_dma source(%dma_start3A_27 : memref<2048xf32, #tpu.memory_space<hbm>>) target(%arg7 : memref<2048xf32, #tpu.memory_space<vmem>>) target_semaphore(%arg14 : memref<!tpu.dma_semaphore, #tpu.memory_space<semaphore_mem>>)
    %dma_wait3A = arith.constant 0 : i32
    %dma_wait3A_28 = tpu.memref_slice %arg2[%mul3A_2, %dma_wait3A] : memref<4096x2048xf32, #tpu.memory_space<hbm>> -> memref<1x2048xf32, #tpu.memory_space<hbm>>
    %dma_wait3A_29 = tpu.memref_squeeze %dma_wait3A_28 : memref<1x2048xf32, #tpu.memory_space<hbm>> -> memref<2048xf32, #tpu.memory_space<hbm>>
    %dma_wait3A_30 = arith.constant 0 : i32
    %dma_wait3A_31 = tpu.memref_slice %arg2[%mul3A_2, %dma_wait3A_30] : memref<4096x2048xf32, #tpu.memory_space<hbm>> -> memref<1x2048xf32, #tpu.memory_space<hbm>>
    %dma_wait3A_32 = tpu.memref_squeeze %dma_wait3A_31 : memref<1x2048xf32, #tpu.memory_space<hbm>> -> memref<2048xf32, #tpu.memory_space<hbm>>
    tpu.wait_dma2 semaphore(%arg14 : memref<!tpu.dma_semaphore, #tpu.memory_space<semaphore_mem>>) src(%dma_wait3A_32 : memref<2048xf32, #tpu.memory_space<hbm>>) dst(%arg7 : memref<2048xf32, #tpu.memory_space<vmem>>)
    %add3A_33 = arith.constant 1 : i32
    %add3A_34 = arith.addi %mul3A_2, %add3A_33 : i32
    %dma_start3A_35 = arith.constant 0 : i32
    %dma_start3A_36 = tpu.memref_slice %arg2[%add3A_34, %dma_start3A_35] : memref<4096x2048xf32, #tpu.memory_space<hbm>> -> memref<1x2048xf32, #tpu.memory_space<hbm>>
    %dma_start3A_37 = tpu.memref_squeeze %dma_start3A_36 : memref<1x2048xf32, #tpu.memory_space<hbm>> -> memref<2048xf32, #tpu.memory_space<hbm>>
    %dma_start3A_38 = arith.constant 0 : i32
    %dma_start3A_39 = tpu.memref_slice %arg2[%add3A_34, %dma_start3A_38] : memref<4096x2048xf32, #tpu.memory_space<hbm>> -> memref<1x2048xf32, #tpu.memory_space<hbm>>
    %dma_start3A_40 = tpu.memref_squeeze %dma_start3A_39 : memref<1x2048xf32, #tpu.memory_space<hbm>> -> memref<2048xf32, #tpu.memory_space<hbm>>
    tpu.enqueue_dma source(%dma_start3A_40 : memref<2048xf32, #tpu.memory_space<hbm>>) target(%arg8 : memref<2048xf32, #tpu.memory_space<vmem>>) target_semaphore(%arg15 : memref<!tpu.dma_semaphore, #tpu.memory_space<semaphore_mem>>)
    %broadcast_in_dim3A = arith.constant 0 : i32
    %broadcast_in_dim3A_41 = vector.broadcast %broadcast_in_dim3A : i32 to vector<16xi32>
    %scan3A = arith.constant 0 : i32
    %scan3A_42 = arith.constant 32 : i32
    %scan3A_43 = arith.addi %scan3A, %scan3A_42 : i32
    %scan3A_44 = arith.constant 1 : i32
    %scan3A_45 = scf.for %scan3A_360 = %scan3A to %scan3A_43 step %scan3A_44 iter_args(%scan3A_361 = %broadcast_in_dim3A_41) -> (vector<16xi32>)  : i32 {
      %mul3A_362 = arith.constant 4 : i32
      %mul3A_363 = arith.muli %scan3A_360, %mul3A_362 : i32
      %add3A_364 = arith.constant 0 : i32
      %add3A_365 = arith.addi %mul3A_363, %add3A_364 : i32
      %mul3A_366 = arith.constant 16 : i32
      %mul3A_367 = arith.muli %add3A_365, %mul3A_366 : i32
      %get3A = arith.index_cast %mul3A_367 : i32 to index
      %get3A_368 = tpu.vector_load %arg7[%get3A] {strides = array<i32>} : memref<2048xf32, #tpu.memory_space<vmem>>, vector<16xf32>,
      %le3A = arith.constant 2.500000e-01 : f32
      %le3A_369 = vector.broadcast %le3A : f32 to vector<16xf32>
      %le3A_370 = arith.cmpf ole, %get3A_368, %le3A_369 : vector<16xf32>
      %jit3A_371 = arith.constant 1 : i32
      %jit3A_372 = arith.constant 0 : i32
      %broadcast_in_dim3A_373 = vector.broadcast %jit3A_371 : i32 to vector<16xi32>
      %broadcast_in_dim3A_374 = vector.broadcast %jit3A_372 : i32 to vector<16xi32>
      %select_n3A_375 = arith.select %le3A_370, %broadcast_in_dim3A_373, %broadcast_in_dim3A_374 : vector<16xi1>, vector<16xi32>
      %broadcast_in_dim3A_376 = arith.constant true
      %broadcast_in_dim3A_377 = vector.broadcast %broadcast_in_dim3A_376 : i1 to vector<16xi1>
      %masked_cumsum3A = tpu.scan <sum>, %select_n3A_375 masked %broadcast_in_dim3A_377 : vector<16xi32>, vector<16xi1> -> vector<16xi32>
      %get3A_378 = arith.index_cast %mul3A_367 : i32 to index
      %get3A_379 = tpu.vector_load %arg6[%get3A_378] {strides = array<i32>} : memref<2048xi32, #tpu.memory_space<vmem>>, vector<16xi32>,
      %add3A_380 = arith.addi %scan3A_361, %masked_cumsum3A : vector<16xi32>
      %sub3A_381 = arith.constant 1 : i32
      %sub3A_382 = vector.broadcast %sub3A_381 : i32 to vector<16xi32>
      %sub3A_383 = arith.subi %add3A_380, %sub3A_382 : vector<16xi32>
      tpu.vector_store_idx %arg9[%sub3A_383], %get3A_379 masked %le3A_370 : memref<2064xi32, #tpu.memory_space<vmem>>[vector<16xi32>], vector<16xi32>, vector<16xi1>
      %all_reduce_population_count3A = tpu.all_reduce %le3A_370 {dim = 0 : i64, kind = #tpu.reduction_kind<sum>} : vector<16xi1> -> vector<16xi32>
      %add3A_384 = arith.addi %scan3A_361, %all_reduce_population_count3A : vector<16xi32>
      %mul3A_385 = arith.constant 4 : i32
      %mul3A_386 = arith.muli %scan3A_360, %mul3A_385 : i32
      %add3A_387 = arith.constant 1 : i32
      %add3A_388 = arith.addi %mul3A_386, %add3A_387 : i32
      %mul3A_389 = arith.constant 16 : i32
      %mul3A_390 = arith.muli %add3A_388, %mul3A_389 : i32
      %get3A_391 = arith.index_cast %mul3A_390 : i32 to index
      %get3A_392 = tpu.vector_load %arg7[%get3A_391] {strides = array<i32>} : memref<2048xf32, #tpu.memory_space<vmem>>, vector<16xf32>,
      %le3A_393 = arith.constant 2.500000e-01 : f32
      %le3A_394 = vector.broadcast %le3A_393 : f32 to vector<16xf32>
      %le3A_395 = arith.cmpf ole, %get3A_392, %le3A_394 : vector<16xf32>
      %jit3A_396 = arith.constant 1 : i32
      %jit3A_397 = arith.constant 0 : i32
      %broadcast_in_dim3A_398 = vector.broadcast %jit3A_396 : i32 to vector<16xi32>
      %broadcast_in_dim3A_399 = vector.broadcast %jit3A_397 : i32 to vector<16xi32>
      %select_n3A_400 = arith.select %le3A_395, %broadcast_in_dim3A_398, %broadcast_in_dim3A_399 : vector<16xi1>, vector<16xi32>
      %broadcast_in_dim3A_401 = arith.constant true
      %broadcast_in_dim3A_402 = vector.broadcast %broadcast_in_dim3A_401 : i1 to vector<16xi1>
      %masked_cumsum3A_403 = tpu.scan <sum>, %select_n3A_400 masked %broadcast_in_dim3A_402 : vector<16xi32>, vector<16xi1> -> vector<16xi32>
      %get3A_404 = arith.index_cast %mul3A_390 : i32 to index
      %get3A_405 = tpu.vector_load %arg6[%get3A_404] {strides = array<i32>} : memref<2048xi32, #tpu.memory_space<vmem>>, vector<16xi32>,
      %add3A_406 = arith.addi %add3A_384, %masked_cumsum3A_403 : vector<16xi32>
      %sub3A_407 = arith.constant 1 : i32
      %sub3A_408 = vector.broadcast %sub3A_407 : i32 to vector<16xi32>
      %sub3A_409 = arith.subi %add3A_406, %sub3A_408 : vector<16xi32>
      tpu.vector_store_idx %arg9[%sub3A_409], %get3A_405 masked %le3A_395 : memref<2064xi32, #tpu.memory_space<vmem>>[vector<16xi32>], vector<16xi32>, vector<16xi1>
      %all_reduce_population_count3A_410 = tpu.all_reduce %le3A_395 {dim = 0 : i64, kind = #tpu.reduction_kind<sum>} : vector<16xi1> -> vector<16xi32>
      %add3A_411 = arith.addi %add3A_384, %all_reduce_population_count3A_410 : vector<16xi32>
      %mul3A_412 = arith.constant 4 : i32
      %mul3A_413 = arith.muli %scan3A_360, %mul3A_412 : i32
      %add3A_414 = arith.constant 2 : i32
      %add3A_415 = arith.addi %mul3A_413, %add3A_414 : i32
      %mul3A_416 = arith.constant 16 : i32
      %mul3A_417 = arith.muli %add3A_415, %mul3A_416 : i32
      %get3A_418 = arith.index_cast %mul3A_417 : i32 to index
      %get3A_419 = tpu.vector_load %arg7[%get3A_418] {strides = array<i32>} : memref<2048xf32, #tpu.memory_space<vmem>>, vector<16xf32>,
      %le3A_420 = arith.constant 2.500000e-01 : f32
      %le3A_421 = vector.broadcast %le3A_420 : f32 to vector<16xf32>
      %le3A_422 = arith.cmpf ole, %get3A_419, %le3A_421 : vector<16xf32>
      %jit3A_423 = arith.constant 1 : i32
      %jit3A_424 = arith.constant 0 : i32
      %broadcast_in_dim3A_425 = vector.broadcast %jit3A_423 : i32 to vector<16xi32>
      %broadcast_in_dim3A_426 = vector.broadcast %jit3A_424 : i32 to vector<16xi32>
      %select_n3A_427 = arith.select %le3A_422, %broadcast_in_dim3A_425, %broadcast_in_dim3A_426 : vector<16xi1>, vector<16xi32>
      %broadcast_in_dim3A_428 = arith.constant true
      %broadcast_in_dim3A_429 = vector.broadcast %broadcast_in_dim3A_428 : i1 to vector<16xi1>
      %masked_cumsum3A_430 = tpu.scan <sum>, %select_n3A_427 masked %broadcast_in_dim3A_429 : vector<16xi32>, vector<16xi1> -> vector<16xi32>
      %get3A_431 = arith.index_cast %mul3A_417 : i32 to index
      %get3A_432 = tpu.vector_load %arg6[%get3A_431] {strides = array<i32>} : memref<2048xi32, #tpu.memory_space<vmem>>, vector<16xi32>,
      %add3A_433 = arith.addi %add3A_411, %masked_cumsum3A_430 : vector<16xi32>
      %sub3A_434 = arith.constant 1 : i32
      %sub3A_435 = vector.broadcast %sub3A_434 : i32 to vector<16xi32>
      %sub3A_436 = arith.subi %add3A_433, %sub3A_435 : vector<16xi32>
      tpu.vector_store_idx %arg9[%sub3A_436], %get3A_432 masked %le3A_422 : memref<2064xi32, #tpu.memory_space<vmem>>[vector<16xi32>], vector<16xi32>, vector<16xi1>
      %all_reduce_population_count3A_437 = tpu.all_reduce %le3A_422 {dim = 0 : i64, kind = #tpu.reduction_kind<sum>} : vector<16xi1> -> vector<16xi32>
      %add3A_438 = arith.addi %add3A_411, %all_reduce_population_count3A_437 : vector<16xi32>
      %mul3A_439 = arith.constant 4 : i32
      %mul3A_440 = arith.muli %scan3A_360, %mul3A_439 : i32
      %add3A_441 = arith.constant 3 : i32
      %add3A_442 = arith.addi %mul3A_440, %add3A_441 : i32
      %mul3A_443 = arith.constant 16 : i32
      %mul3A_444 = arith.muli %add3A_442, %mul3A_443 : i32
      %get3A_445 = arith.index_cast %mul3A_444 : i32 to index
      %get3A_446 = tpu.vector_load %arg7[%get3A_445] {strides = array<i32>} : memref<2048xf32, #tpu.memory_space<vmem>>, vector<16xf32>,
      %le3A_447 = arith.constant 2.500000e-01 : f32
      %le3A_448 = vector.broadcast %le3A_447 : f32 to vector<16xf32>
      %le3A_449 = arith.cmpf ole, %get3A_446, %le3A_448 : vector<16xf32>
      %jit3A_450 = arith.constant 1 : i32
      %jit3A_451 = arith.constant 0 : i32
      %broadcast_in_dim3A_452 = vector.broadcast %jit3A_450 : i32 to vector<16xi32>
      %broadcast_in_dim3A_453 = vector.broadcast %jit3A_451 : i32 to vector<16xi32>
      %select_n3A_454 = arith.select %le3A_449, %broadcast_in_dim3A_452, %broadcast_in_dim3A_453 : vector<16xi1>, vector<16xi32>
      %broadcast_in_dim3A_455 = arith.constant true
      %broadcast_in_dim3A_456 = vector.broadcast %broadcast_in_dim3A_455 : i1 to vector<16xi1>
      %masked_cumsum3A_457 = tpu.scan <sum>, %select_n3A_454 masked %broadcast_in_dim3A_456 : vector<16xi32>, vector<16xi1> -> vector<16xi32>
      %get3A_458 = arith.index_cast %mul3A_444 : i32 to index
      %get3A_459 = tpu.vector_load %arg6[%get3A_458] {strides = array<i32>} : memref<2048xi32, #tpu.memory_space<vmem>>, vector<16xi32>,
      %add3A_460 = arith.addi %add3A_438, %masked_cumsum3A_457 : vector<16xi32>
      %sub3A_461 = arith.constant 1 : i32
      %sub3A_462 = vector.broadcast %sub3A_461 : i32 to vector<16xi32>
      %sub3A_463 = arith.subi %add3A_460, %sub3A_462 : vector<16xi32>
      tpu.vector_store_idx %arg9[%sub3A_463], %get3A_459 masked %le3A_449 : memref<2064xi32, #tpu.memory_space<vmem>>[vector<16xi32>], vector<16xi32>, vector<16xi1>
      %all_reduce_population_count3A_464 = tpu.all_reduce %le3A_449 {dim = 0 : i64, kind = #tpu.reduction_kind<sum>} : vector<16xi1> -> vector<16xi32>
      %add3A_465 = arith.addi %add3A_438, %all_reduce_population_count3A_464 : vector<16xi32>
      scf.yield %add3A_465 : vector<16xi32>
    }
    %scan3A_46 = arith.constant 32 : i32
    %add3A_47 = arith.constant 0 : i32
    %add3A_48 = vector.broadcast %add3A_47 : i32 to vector<16xi32>
    %add3A_49 = arith.addi %iota3A, %add3A_48 : vector<16xi32>
    %lt3A = arith.cmpi slt, %add3A_49, %scan3A_45 : vector<16xi32>
    %jit3A_50 = arith.constant 0 : i32
    %broadcast_in_dim3A_51 = vector.broadcast %jit3A_50 : i32 to vector<16xi32>
    %select_n3A_52 = arith.select %lt3A, %add3A_49, %broadcast_in_dim3A_51 : vector<16xi1>, vector<16xi32>
    %gather3A = tpu.vector_load_idx %arg9[%select_n3A_52] : memref<2064xi32, #tpu.memory_space<vmem>>[vector<16xi32>], vector<16xi32>,
    %swap3A = arith.constant 0 : index
    %swap3A_53 = tpu.vector_load %arg10[%swap3A] {strides = array<i32>} : memref<64xi32, #tpu.memory_space<vmem>>, vector<16xi32>,
    tpu.vector_store %arg10[%swap3A], %gather3A {strides = array<i32>} : memref<64xi32, #tpu.memory_space<vmem>>, vector<16xi32>,
    %add3A_54 = arith.constant 16 : i32
    %add3A_55 = vector.broadcast %add3A_54 : i32 to vector<16xi32>
    %add3A_56 = arith.addi %iota3A, %add3A_55 : vector<16xi32>
    %lt3A_57 = arith.cmpi slt, %add3A_56, %scan3A_45 : vector<16xi32>
    %jit3A_58 = arith.constant 0 : i32
    %broadcast_in_dim3A_59 = vector.broadcast %jit3A_58 : i32 to vector<16xi32>
    %select_n3A_60 = arith.select %lt3A_57, %add3A_56, %broadcast_in_dim3A_59 : vector<16xi1>, vector<16xi32>
    %gather3A_61 = tpu.vector_load_idx %arg9[%select_n3A_60] : memref<2064xi32, #tpu.memory_space<vmem>>[vector<16xi32>], vector<16xi32>,
    %swap3A_62 = arith.constant 16 : index
    %swap3A_63 = tpu.vector_load %arg10[%swap3A_62] {strides = array<i32>} : memref<64xi32, #tpu.memory_space<vmem>>, vector<16xi32>,
    tpu.vector_store %arg10[%swap3A_62], %gather3A_61 {strides = array<i32>} : memref<64xi32, #tpu.memory_space<vmem>>, vector<16xi32>,
    %add3A_64 = arith.constant 32 : i32
    %add3A_65 = vector.broadcast %add3A_64 : i32 to vector<16xi32>
    %add3A_66 = arith.addi %iota3A, %add3A_65 : vector<16xi32>
    %lt3A_67 = arith.cmpi slt, %add3A_66, %scan3A_45 : vector<16xi32>
    %jit3A_68 = arith.constant 0 : i32
    %broadcast_in_dim3A_69 = vector.broadcast %jit3A_68 : i32 to vector<16xi32>
    %select_n3A_70 = arith.select %lt3A_67, %add3A_66, %broadcast_in_dim3A_69 : vector<16xi1>, vector<16xi32>
    %gather3A_71 = tpu.vector_load_idx %arg9[%select_n3A_70] : memref<2064xi32, #tpu.memory_space<vmem>>[vector<16xi32>], vector<16xi32>,
    %swap3A_72 = arith.constant 32 : index
    %swap3A_73 = tpu.vector_load %arg10[%swap3A_72] {strides = array<i32>} : memref<64xi32, #tpu.memory_space<vmem>>, vector<16xi32>,
    tpu.vector_store %arg10[%swap3A_72], %gather3A_71 {strides = array<i32>} : memref<64xi32, #tpu.memory_space<vmem>>, vector<16xi32>,
    %add3A_74 = arith.constant 48 : i32
    %add3A_75 = vector.broadcast %add3A_74 : i32 to vector<16xi32>
    %add3A_76 = arith.addi %iota3A, %add3A_75 : vector<16xi32>
    %lt3A_77 = arith.cmpi slt, %add3A_76, %scan3A_45 : vector<16xi32>
    %jit3A_78 = arith.constant 0 : i32
    %broadcast_in_dim3A_79 = vector.broadcast %jit3A_78 : i32 to vector<16xi32>
    %select_n3A_80 = arith.select %lt3A_77, %add3A_76, %broadcast_in_dim3A_79 : vector<16xi1>, vector<16xi32>
    %gather3A_81 = tpu.vector_load_idx %arg9[%select_n3A_80] : memref<2064xi32, #tpu.memory_space<vmem>>[vector<16xi32>], vector<16xi32>,
    %swap3A_82 = arith.constant 48 : index
    %swap3A_83 = tpu.vector_load %arg10[%swap3A_82] {strides = array<i32>} : memref<64xi32, #tpu.memory_space<vmem>>, vector<16xi32>,
    tpu.vector_store %arg10[%swap3A_82], %gather3A_81 {strides = array<i32>} : memref<64xi32, #tpu.memory_space<vmem>>, vector<16xi32>,
    %dma_start3A_84 = arith.constant 0 : i32
    %dma_start3A_85 = arith.constant 0 : i32
    %dma_start3A_86 = tpu.memref_slice %arg4[%dma_start3A_84, %dma_start3A_85] : memref<16384x128xf32, #tpu.memory_space<hbm>> -> memref<16384x128xf32, #tpu.memory_space<hbm>>
    tpu.enqueue_indirect_dma source(%dma_start3A_86 : memref<16384x128xf32, #tpu.memory_space<hbm>>) target(%arg12 : memref<64x128xf32, #tpu.memory_space<vmem>>) offsets(%arg10 : memref<64xi32, #tpu.memory_space<vmem>>) semaphore(%arg16 : memref<!tpu.dma_semaphore, #tpu.memory_space<semaphore_mem>>)
    %add3A_87 = arith.constant 1 : i32
    %add3A_88 = arith.addi %mul3A_2, %add3A_87 : i32
    %dma_wait3A_89 = arith.constant 0 : i32
    %dma_wait3A_90 = tpu.memref_slice %arg2[%add3A_88, %dma_wait3A_89] : memref<4096x2048xf32, #tpu.memory_space<hbm>> -> memref<1x2048xf32, #tpu.memory_space<hbm>>
    %dma_wait3A_91 = tpu.memref_squeeze %dma_wait3A_90 : memref<1x2048xf32, #tpu.memory_space<hbm>> -> memref<2048xf32, #tpu.memory_space<hbm>>
    %dma_wait3A_92 = arith.constant 0 : i32
    %dma_wait3A_93 = tpu.memref_slice %arg2[%add3A_88, %dma_wait3A_92] : memref<4096x2048xf32, #tpu.memory_space<hbm>> -> memref<1x2048xf32, #tpu.memory_space<hbm>>
    %dma_wait3A_94 = tpu.memref_squeeze %dma_wait3A_93 : memref<1x2048xf32, #tpu.memory_space<hbm>> -> memref<2048xf32, #tpu.memory_space<hbm>>
    tpu.wait_dma2 semaphore(%arg15 : memref<!tpu.dma_semaphore, #tpu.memory_space<semaphore_mem>>) src(%dma_wait3A_94 : memref<2048xf32, #tpu.memory_space<hbm>>) dst(%arg8 : memref<2048xf32, #tpu.memory_space<vmem>>)
    %add3A_95 = arith.constant 2 : i32
    %add3A_96 = arith.addi %mul3A_2, %add3A_95 : i32
    %dma_start3A_97 = arith.constant 0 : i32
    %dma_start3A_98 = tpu.memref_slice %arg2[%add3A_96, %dma_start3A_97] : memref<4096x2048xf32, #tpu.memory_space<hbm>> -> memref<1x2048xf32, #tpu.memory_space<hbm>>
    %dma_start3A_99 = tpu.memref_squeeze %dma_start3A_98 : memref<1x2048xf32, #tpu.memory_space<hbm>> -> memref<2048xf32, #tpu.memory_space<hbm>>
    %dma_start3A_100 = arith.constant 0 : i32
    %dma_start3A_101 = tpu.memref_slice %arg2[%add3A_96, %dma_start3A_100] : memref<4096x2048xf32, #tpu.memory_space<hbm>> -> memref<1x2048xf32, #tpu.memory_space<hbm>>
    %dma_start3A_102 = tpu.memref_squeeze %dma_start3A_101 : memref<1x2048xf32, #tpu.memory_space<hbm>> -> memref<2048xf32, #tpu.memory_space<hbm>>
    tpu.enqueue_dma source(%dma_start3A_102 : memref<2048xf32, #tpu.memory_space<hbm>>) target(%arg7 : memref<2048xf32, #tpu.memory_space<vmem>>) target_semaphore(%arg14 : memref<!tpu.dma_semaphore, #tpu.memory_space<semaphore_mem>>)
    %broadcast_in_dim3A_103 = arith.constant 0 : i32
    %broadcast_in_dim3A_104 = vector.broadcast %broadcast_in_dim3A_103 : i32 to vector<16xi32>
    %scan3A_105 = arith.constant 0 : i32
    %scan3A_106 = arith.constant 32 : i32
    %scan3A_107 = arith.addi %scan3A_105, %scan3A_106 : i32
    %scan3A_108 = arith.constant 1 : i32
    %scan3A_109 = scf.for %scan3A_360 = %scan3A_105 to %scan3A_107 step %scan3A_108 iter_args(%scan3A_361 = %broadcast_in_dim3A_104) -> (vector<16xi32>)  : i32 {
      %mul3A_362 = arith.constant 4 : i32
      %mul3A_363 = arith.muli %scan3A_360, %mul3A_362 : i32
      %add3A_364 = arith.constant 0 : i32
      %add3A_365 = arith.addi %mul3A_363, %add3A_364 : i32
      %mul3A_366 = arith.constant 16 : i32
      %mul3A_367 = arith.muli %add3A_365, %mul3A_366 : i32
      %get3A = arith.index_cast %mul3A_367 : i32 to index
      %get3A_368 = tpu.vector_load %arg8[%get3A] {strides = array<i32>} : memref<2048xf32, #tpu.memory_space<vmem>>, vector<16xf32>,
      %le3A = arith.constant 2.500000e-01 : f32
      %le3A_369 = vector.broadcast %le3A : f32 to vector<16xf32>
      %le3A_370 = arith.cmpf ole, %get3A_368, %le3A_369 : vector<16xf32>
      %jit3A_371 = arith.constant 1 : i32
      %jit3A_372 = arith.constant 0 : i32
      %broadcast_in_dim3A_373 = vector.broadcast %jit3A_371 : i32 to vector<16xi32>
      %broadcast_in_dim3A_374 = vector.broadcast %jit3A_372 : i32 to vector<16xi32>
      %select_n3A_375 = arith.select %le3A_370, %broadcast_in_dim3A_373, %broadcast_in_dim3A_374 : vector<16xi1>, vector<16xi32>
      %broadcast_in_dim3A_376 = arith.constant true
      %broadcast_in_dim3A_377 = vector.broadcast %broadcast_in_dim3A_376 : i1 to vector<16xi1>
      %masked_cumsum3A = tpu.scan <sum>, %select_n3A_375 masked %broadcast_in_dim3A_377 : vector<16xi32>, vector<16xi1> -> vector<16xi32>
      %get3A_378 = arith.index_cast %mul3A_367 : i32 to index
      %get3A_379 = tpu.vector_load %arg6[%get3A_378] {strides = array<i32>} : memref<2048xi32, #tpu.memory_space<vmem>>, vector<16xi32>,
      %add3A_380 = arith.addi %scan3A_361, %masked_cumsum3A : vector<16xi32>
      %sub3A_381 = arith.constant 1 : i32
      %sub3A_382 = vector.broadcast %sub3A_381 : i32 to vector<16xi32>
      %sub3A_383 = arith.subi %add3A_380, %sub3A_382 : vector<16xi32>
      tpu.vector_store_idx %arg9[%sub3A_383], %get3A_379 masked %le3A_370 : memref<2064xi32, #tpu.memory_space<vmem>>[vector<16xi32>], vector<16xi32>, vector<16xi1>
      %all_reduce_population_count3A = tpu.all_reduce %le3A_370 {dim = 0 : i64, kind = #tpu.reduction_kind<sum>} : vector<16xi1> -> vector<16xi32>
      %add3A_384 = arith.addi %scan3A_361, %all_reduce_population_count3A : vector<16xi32>
      %mul3A_385 = arith.constant 4 : i32
      %mul3A_386 = arith.muli %scan3A_360, %mul3A_385 : i32
      %add3A_387 = arith.constant 1 : i32
      %add3A_388 = arith.addi %mul3A_386, %add3A_387 : i32
      %mul3A_389 = arith.constant 16 : i32
      %mul3A_390 = arith.muli %add3A_388, %mul3A_389 : i32
      %get3A_391 = arith.index_cast %mul3A_390 : i32 to index
      %get3A_392 = tpu.vector_load %arg8[%get3A_391] {strides = array<i32>} : memref<2048xf32, #tpu.memory_space<vmem>>, vector<16xf32>,
      %le3A_393 = arith.constant 2.500000e-01 : f32
      %le3A_394 = vector.broadcast %le3A_393 : f32 to vector<16xf32>
      %le3A_395 = arith.cmpf ole, %get3A_392, %le3A_394 : vector<16xf32>
      %jit3A_396 = arith.constant 1 : i32
      %jit3A_397 = arith.constant 0 : i32
      %broadcast_in_dim3A_398 = vector.broadcast %jit3A_396 : i32 to vector<16xi32>
      %broadcast_in_dim3A_399 = vector.broadcast %jit3A_397 : i32 to vector<16xi32>
      %select_n3A_400 = arith.select %le3A_395, %broadcast_in_dim3A_398, %broadcast_in_dim3A_399 : vector<16xi1>, vector<16xi32>
      %broadcast_in_dim3A_401 = arith.constant true
      %broadcast_in_dim3A_402 = vector.broadcast %broadcast_in_dim3A_401 : i1 to vector<16xi1>
      %masked_cumsum3A_403 = tpu.scan <sum>, %select_n3A_400 masked %broadcast_in_dim3A_402 : vector<16xi32>, vector<16xi1> -> vector<16xi32>
      %get3A_404 = arith.index_cast %mul3A_390 : i32 to index
      %get3A_405 = tpu.vector_load %arg6[%get3A_404] {strides = array<i32>} : memref<2048xi32, #tpu.memory_space<vmem>>, vector<16xi32>,
      %add3A_406 = arith.addi %add3A_384, %masked_cumsum3A_403 : vector<16xi32>
      %sub3A_407 = arith.constant 1 : i32
      %sub3A_408 = vector.broadcast %sub3A_407 : i32 to vector<16xi32>
      %sub3A_409 = arith.subi %add3A_406, %sub3A_408 : vector<16xi32>
      tpu.vector_store_idx %arg9[%sub3A_409], %get3A_405 masked %le3A_395 : memref<2064xi32, #tpu.memory_space<vmem>>[vector<16xi32>], vector<16xi32>, vector<16xi1>
      %all_reduce_population_count3A_410 = tpu.all_reduce %le3A_395 {dim = 0 : i64, kind = #tpu.reduction_kind<sum>} : vector<16xi1> -> vector<16xi32>
      %add3A_411 = arith.addi %add3A_384, %all_reduce_population_count3A_410 : vector<16xi32>
      %mul3A_412 = arith.constant 4 : i32
      %mul3A_413 = arith.muli %scan3A_360, %mul3A_412 : i32
      %add3A_414 = arith.constant 2 : i32
      %add3A_415 = arith.addi %mul3A_413, %add3A_414 : i32
      %mul3A_416 = arith.constant 16 : i32
      %mul3A_417 = arith.muli %add3A_415, %mul3A_416 : i32
      %get3A_418 = arith.index_cast %mul3A_417 : i32 to index
      %get3A_419 = tpu.vector_load %arg8[%get3A_418] {strides = array<i32>} : memref<2048xf32, #tpu.memory_space<vmem>>, vector<16xf32>,
      %le3A_420 = arith.constant 2.500000e-01 : f32
      %le3A_421 = vector.broadcast %le3A_420 : f32 to vector<16xf32>
      %le3A_422 = arith.cmpf ole, %get3A_419, %le3A_421 : vector<16xf32>
      %jit3A_423 = arith.constant 1 : i32
      %jit3A_424 = arith.constant 0 : i32
      %broadcast_in_dim3A_425 = vector.broadcast %jit3A_423 : i32 to vector<16xi32>
      %broadcast_in_dim3A_426 = vector.broadcast %jit3A_424 : i32 to vector<16xi32>
      %select_n3A_427 = arith.select %le3A_422, %broadcast_in_dim3A_425, %broadcast_in_dim3A_426 : vector<16xi1>, vector<16xi32>
      %broadcast_in_dim3A_428 = arith.constant true
      %broadcast_in_dim3A_429 = vector.broadcast %broadcast_in_dim3A_428 : i1 to vector<16xi1>
      %masked_cumsum3A_430 = tpu.scan <sum>, %select_n3A_427 masked %broadcast_in_dim3A_429 : vector<16xi32>, vector<16xi1> -> vector<16xi32>
      %get3A_431 = arith.index_cast %mul3A_417 : i32 to index
      %get3A_432 = tpu.vector_load %arg6[%get3A_431] {strides = array<i32>} : memref<2048xi32, #tpu.memory_space<vmem>>, vector<16xi32>,
      %add3A_433 = arith.addi %add3A_411, %masked_cumsum3A_430 : vector<16xi32>
      %sub3A_434 = arith.constant 1 : i32
      %sub3A_435 = vector.broadcast %sub3A_434 : i32 to vector<16xi32>
      %sub3A_436 = arith.subi %add3A_433, %sub3A_435 : vector<16xi32>
      tpu.vector_store_idx %arg9[%sub3A_436], %get3A_432 masked %le3A_422 : memref<2064xi32, #tpu.memory_space<vmem>>[vector<16xi32>], vector<16xi32>, vector<16xi1>
      %all_reduce_population_count3A_437 = tpu.all_reduce %le3A_422 {dim = 0 : i64, kind = #tpu.reduction_kind<sum>} : vector<16xi1> -> vector<16xi32>
      %add3A_438 = arith.addi %add3A_411, %all_reduce_population_count3A_437 : vector<16xi32>
      %mul3A_439 = arith.constant 4 : i32
      %mul3A_440 = arith.muli %scan3A_360, %mul3A_439 : i32
      %add3A_441 = arith.constant 3 : i32
      %add3A_442 = arith.addi %mul3A_440, %add3A_441 : i32
      %mul3A_443 = arith.constant 16 : i32
      %mul3A_444 = arith.muli %add3A_442, %mul3A_443 : i32
      %get3A_445 = arith.index_cast %mul3A_444 : i32 to index
      %get3A_446 = tpu.vector_load %arg8[%get3A_445] {strides = array<i32>} : memref<2048xf32, #tpu.memory_space<vmem>>, vector<16xf32>,
      %le3A_447 = arith.constant 2.500000e-01 : f32
      %le3A_448 = vector.broadcast %le3A_447 : f32 to vector<16xf32>
      %le3A_449 = arith.cmpf ole, %get3A_446, %le3A_448 : vector<16xf32>
      %jit3A_450 = arith.constant 1 : i32
      %jit3A_451 = arith.constant 0 : i32
      %broadcast_in_dim3A_452 = vector.broadcast %jit3A_450 : i32 to vector<16xi32>
      %broadcast_in_dim3A_453 = vector.broadcast %jit3A_451 : i32 to vector<16xi32>
      %select_n3A_454 = arith.select %le3A_449, %broadcast_in_dim3A_452, %broadcast_in_dim3A_453 : vector<16xi1>, vector<16xi32>
      %broadcast_in_dim3A_455 = arith.constant true
      %broadcast_in_dim3A_456 = vector.broadcast %broadcast_in_dim3A_455 : i1 to vector<16xi1>
      %masked_cumsum3A_457 = tpu.scan <sum>, %select_n3A_454 masked %broadcast_in_dim3A_456 : vector<16xi32>, vector<16xi1> -> vector<16xi32>
      %get3A_458 = arith.index_cast %mul3A_444 : i32 to index
      %get3A_459 = tpu.vector_load %arg6[%get3A_458] {strides = array<i32>} : memref<2048xi32, #tpu.memory_space<vmem>>, vector<16xi32>,
      %add3A_460 = arith.addi %add3A_438, %masked_cumsum3A_457 : vector<16xi32>
      %sub3A_461 = arith.constant 1 : i32
      %sub3A_462 = vector.broadcast %sub3A_461 : i32 to vector<16xi32>
      %sub3A_463 = arith.subi %add3A_460, %sub3A_462 : vector<16xi32>
      tpu.vector_store_idx %arg9[%sub3A_463], %get3A_459 masked %le3A_449 : memref<2064xi32, #tpu.memory_space<vmem>>[vector<16xi32>], vector<16xi32>, vector<16xi1>
      %all_reduce_population_count3A_464 = tpu.all_reduce %le3A_449 {dim = 0 : i64, kind = #tpu.reduction_kind<sum>} : vector<16xi1> -> vector<16xi32>
      %add3A_465 = arith.addi %add3A_438, %all_reduce_population_count3A_464 : vector<16xi32>
      scf.yield %add3A_465 : vector<16xi32>
    }
    %scan3A_110 = arith.constant 32 : i32
    %add3A_111 = arith.constant 0 : i32
    %add3A_112 = vector.broadcast %add3A_111 : i32 to vector<16xi32>
    %add3A_113 = arith.addi %iota3A, %add3A_112 : vector<16xi32>
    %lt3A_114 = arith.cmpi slt, %add3A_113, %scan3A_109 : vector<16xi32>
    %jit3A_115 = arith.constant 0 : i32
    %broadcast_in_dim3A_116 = vector.broadcast %jit3A_115 : i32 to vector<16xi32>
    %select_n3A_117 = arith.select %lt3A_114, %add3A_113, %broadcast_in_dim3A_116 : vector<16xi1>, vector<16xi32>
    %gather3A_118 = tpu.vector_load_idx %arg9[%select_n3A_117] : memref<2064xi32, #tpu.memory_space<vmem>>[vector<16xi32>], vector<16xi32>,
    %swap3A_119 = arith.constant 0 : index
    %swap3A_120 = tpu.vector_load %arg11[%swap3A_119] {strides = array<i32>} : memref<64xi32, #tpu.memory_space<vmem>>, vector<16xi32>,
    tpu.vector_store %arg11[%swap3A_119], %gather3A_118 {strides = array<i32>} : memref<64xi32, #tpu.memory_space<vmem>>, vector<16xi32>,
    %add3A_121 = arith.constant 16 : i32
    %add3A_122 = vector.broadcast %add3A_121 : i32 to vector<16xi32>
    %add3A_123 = arith.addi %iota3A, %add3A_122 : vector<16xi32>
    %lt3A_124 = arith.cmpi slt, %add3A_123, %scan3A_109 : vector<16xi32>
    %jit3A_125 = arith.constant 0 : i32
    %broadcast_in_dim3A_126 = vector.broadcast %jit3A_125 : i32 to vector<16xi32>
    %select_n3A_127 = arith.select %lt3A_124, %add3A_123, %broadcast_in_dim3A_126 : vector<16xi1>, vector<16xi32>
    %gather3A_128 = tpu.vector_load_idx %arg9[%select_n3A_127] : memref<2064xi32, #tpu.memory_space<vmem>>[vector<16xi32>], vector<16xi32>,
    %swap3A_129 = arith.constant 16 : index
    %swap3A_130 = tpu.vector_load %arg11[%swap3A_129] {strides = array<i32>} : memref<64xi32, #tpu.memory_space<vmem>>, vector<16xi32>,
    tpu.vector_store %arg11[%swap3A_129], %gather3A_128 {strides = array<i32>} : memref<64xi32, #tpu.memory_space<vmem>>, vector<16xi32>,
    %add3A_131 = arith.constant 32 : i32
    %add3A_132 = vector.broadcast %add3A_131 : i32 to vector<16xi32>
    %add3A_133 = arith.addi %iota3A, %add3A_132 : vector<16xi32>
    %lt3A_134 = arith.cmpi slt, %add3A_133, %scan3A_109 : vector<16xi32>
    %jit3A_135 = arith.constant 0 : i32
    %broadcast_in_dim3A_136 = vector.broadcast %jit3A_135 : i32 to vector<16xi32>
    %select_n3A_137 = arith.select %lt3A_134, %add3A_133, %broadcast_in_dim3A_136 : vector<16xi1>, vector<16xi32>
    %gather3A_138 = tpu.vector_load_idx %arg9[%select_n3A_137] : memref<2064xi32, #tpu.memory_space<vmem>>[vector<16xi32>], vector<16xi32>,
    %swap3A_139 = arith.constant 32 : index
    %swap3A_140 = tpu.vector_load %arg11[%swap3A_139] {strides = array<i32>} : memref<64xi32, #tpu.memory_space<vmem>>, vector<16xi32>,
    tpu.vector_store %arg11[%swap3A_139], %gather3A_138 {strides = array<i32>} : memref<64xi32, #tpu.memory_space<vmem>>, vector<16xi32>,
    %add3A_141 = arith.constant 48 : i32
    %add3A_142 = vector.broadcast %add3A_141 : i32 to vector<16xi32>
    %add3A_143 = arith.addi %iota3A, %add3A_142 : vector<16xi32>
    %lt3A_144 = arith.cmpi slt, %add3A_143, %scan3A_109 : vector<16xi32>
    %jit3A_145 = arith.constant 0 : i32
    %broadcast_in_dim3A_146 = vector.broadcast %jit3A_145 : i32 to vector<16xi32>
    %select_n3A_147 = arith.select %lt3A_144, %add3A_143, %broadcast_in_dim3A_146 : vector<16xi1>, vector<16xi32>
    %gather3A_148 = tpu.vector_load_idx %arg9[%select_n3A_147] : memref<2064xi32, #tpu.memory_space<vmem>>[vector<16xi32>], vector<16xi32>,
    %swap3A_149 = arith.constant 48 : index
    %swap3A_150 = tpu.vector_load %arg11[%swap3A_149] {strides = array<i32>} : memref<64xi32, #tpu.memory_space<vmem>>, vector<16xi32>,
    tpu.vector_store %arg11[%swap3A_149], %gather3A_148 {strides = array<i32>} : memref<64xi32, #tpu.memory_space<vmem>>, vector<16xi32>,
    %dma_wait3A_151 = arith.constant 0 : i32
    %dma_wait3A_152 = arith.constant 0 : i32
    %dma_wait3A_153 = tpu.memref_slice %arg4[%dma_wait3A_151, %dma_wait3A_152] : memref<16384x128xf32, #tpu.memory_space<hbm>> -> memref<16384x128xf32, #tpu.memory_space<hbm>>
    tpu.wait_indirect_dma semaphore(%arg16 : memref<!tpu.dma_semaphore, #tpu.memory_space<semaphore_mem>>) src(%dma_wait3A_153 : memref<16384x128xf32, #tpu.memory_space<hbm>>) dst(%arg12 : memref<64x128xf32, #tpu.memory_space<vmem>>)
    %mul3A_154 = arith.constant 64 : i32
    %mul3A_155 = arith.muli %mul3A_2, %mul3A_154 : i32
    %dma_start3A_156 = arith.constant 0 : i32
    %dma_start3A_157 = tpu.memref_slice %arg5[%mul3A_155, %dma_start3A_156] : memref<262144x128xf32, #tpu.memory_space<hbm>> -> memref<64x128xf32, #tpu.memory_space<hbm>>
    %dma_start3A_158 = arith.constant 0 : i32
    %dma_start3A_159 = tpu.memref_slice %arg5[%mul3A_155, %dma_start3A_158] : memref<262144x128xf32, #tpu.memory_space<hbm>> -> memref<64x128xf32, #tpu.memory_space<hbm>>
    tpu.enqueue_dma source(%arg12 : memref<64x128xf32, #tpu.memory_space<vmem>>) target(%dma_start3A_159 : memref<64x128xf32, #tpu.memory_space<hbm>>) target_semaphore(%arg17 : memref<!tpu.dma_semaphore, #tpu.memory_space<semaphore_mem>>)
    %add3A_160 = arith.constant 1 : i32
    %add3A_161 = arith.addi %mul3A_2, %add3A_160 : i32
    %dma_start3A_162 = arith.constant 0 : i32
    %dma_start3A_163 = arith.constant 0 : i32
    %dma_start3A_164 = tpu.memref_slice %arg4[%dma_start3A_162, %dma_start3A_163] : memref<16384x128xf32, #tpu.memory_space<hbm>> -> memref<16384x128xf32, #tpu.memory_space<hbm>>
    tpu.enqueue_indirect_dma source(%dma_start3A_164 : memref<16384x128xf32, #tpu.memory_space<hbm>>) target(%arg13 : memref<64x128xf32, #tpu.memory_space<vmem>>) offsets(%arg11 : memref<64xi32, #tpu.memory_space<vmem>>) semaphore(%arg16 : memref<!tpu.dma_semaphore, #tpu.memory_space<semaphore_mem>>)
    %add3A_165 = arith.constant 1 : i32
    %add3A_166 = arith.addi %add3A_161, %add3A_165 : i32
    %dma_wait3A_167 = arith.constant 0 : i32
    %dma_wait3A_168 = tpu.memref_slice %arg2[%add3A_166, %dma_wait3A_167] : memref<4096x2048xf32, #tpu.memory_space<hbm>> -> memref<1x2048xf32, #tpu.memory_space<hbm>>
    %dma_wait3A_169 = tpu.memref_squeeze %dma_wait3A_168 : memref<1x2048xf32, #tpu.memory_space<hbm>> -> memref<2048xf32, #tpu.memory_space<hbm>>
    %dma_wait3A_170 = arith.constant 0 : i32
    %dma_wait3A_171 = tpu.memref_slice %arg2[%add3A_166, %dma_wait3A_170] : memref<4096x2048xf32, #tpu.memory_space<hbm>> -> memref<1x2048xf32, #tpu.memory_space<hbm>>
    %dma_wait3A_172 = tpu.memref_squeeze %dma_wait3A_171 : memref<1x2048xf32, #tpu.memory_space<hbm>> -> memref<2048xf32, #tpu.memory_space<hbm>>
    tpu.wait_dma2 semaphore(%arg14 : memref<!tpu.dma_semaphore, #tpu.memory_space<semaphore_mem>>) src(%dma_wait3A_172 : memref<2048xf32, #tpu.memory_space<hbm>>) dst(%arg7 : memref<2048xf32, #tpu.memory_space<vmem>>)
    %add3A_173 = arith.constant 2 : i32
    %add3A_174 = arith.addi %add3A_161, %add3A_173 : i32
    %dma_start3A_175 = arith.constant 0 : i32
    %dma_start3A_176 = tpu.memref_slice %arg2[%add3A_174, %dma_start3A_175] : memref<4096x2048xf32, #tpu.memory_space<hbm>> -> memref<1x2048xf32, #tpu.memory_space<hbm>>
    %dma_start3A_177 = tpu.memref_squeeze %dma_start3A_176 : memref<1x2048xf32, #tpu.memory_space<hbm>> -> memref<2048xf32, #tpu.memory_space<hbm>>
    %dma_start3A_178 = arith.constant 0 : i32
    %dma_start3A_179 = tpu.memref_slice %arg2[%add3A_174, %dma_start3A_178] : memref<4096x2048xf32, #tpu.memory_space<hbm>> -> memref<1x2048xf32, #tpu.memory_space<hbm>>
    %dma_start3A_180 = tpu.memref_squeeze %dma_start3A_179 : memref<1x2048xf32, #tpu.memory_space<hbm>> -> memref<2048xf32, #tpu.memory_space<hbm>>
    tpu.enqueue_dma source(%dma_start3A_180 : memref<2048xf32, #tpu.memory_space<hbm>>) target(%arg8 : memref<2048xf32, #tpu.memory_space<vmem>>) target_semaphore(%arg15 : memref<!tpu.dma_semaphore, #tpu.memory_space<semaphore_mem>>)
    %broadcast_in_dim3A_181 = arith.constant 0 : i32
    %broadcast_in_dim3A_182 = vector.broadcast %broadcast_in_dim3A_181 : i32 to vector<16xi32>
    %scan3A_183 = arith.constant 0 : i32
    %scan3A_184 = arith.constant 32 : i32
    %scan3A_185 = arith.addi %scan3A_183, %scan3A_184 : i32
    %scan3A_186 = arith.constant 1 : i32
    %scan3A_187 = scf.for %scan3A_360 = %scan3A_183 to %scan3A_185 step %scan3A_186 iter_args(%scan3A_361 = %broadcast_in_dim3A_182) -> (vector<16xi32>)  : i32 {
      %mul3A_362 = arith.constant 4 : i32
      %mul3A_363 = arith.muli %scan3A_360, %mul3A_362 : i32
      %add3A_364 = arith.constant 0 : i32
      %add3A_365 = arith.addi %mul3A_363, %add3A_364 : i32
      %mul3A_366 = arith.constant 16 : i32
      %mul3A_367 = arith.muli %add3A_365, %mul3A_366 : i32
      %get3A = arith.index_cast %mul3A_367 : i32 to index
      %get3A_368 = tpu.vector_load %arg7[%get3A] {strides = array<i32>} : memref<2048xf32, #tpu.memory_space<vmem>>, vector<16xf32>,
      %le3A = arith.constant 2.500000e-01 : f32
      %le3A_369 = vector.broadcast %le3A : f32 to vector<16xf32>
      %le3A_370 = arith.cmpf ole, %get3A_368, %le3A_369 : vector<16xf32>
      %jit3A_371 = arith.constant 1 : i32
      %jit3A_372 = arith.constant 0 : i32
      %broadcast_in_dim3A_373 = vector.broadcast %jit3A_371 : i32 to vector<16xi32>
      %broadcast_in_dim3A_374 = vector.broadcast %jit3A_372 : i32 to vector<16xi32>
      %select_n3A_375 = arith.select %le3A_370, %broadcast_in_dim3A_373, %broadcast_in_dim3A_374 : vector<16xi1>, vector<16xi32>
      %broadcast_in_dim3A_376 = arith.constant true
      %broadcast_in_dim3A_377 = vector.broadcast %broadcast_in_dim3A_376 : i1 to vector<16xi1>
      %masked_cumsum3A = tpu.scan <sum>, %select_n3A_375 masked %broadcast_in_dim3A_377 : vector<16xi32>, vector<16xi1> -> vector<16xi32>
      %get3A_378 = arith.index_cast %mul3A_367 : i32 to index
      %get3A_379 = tpu.vector_load %arg6[%get3A_378] {strides = array<i32>} : memref<2048xi32, #tpu.memory_space<vmem>>, vector<16xi32>,
      %add3A_380 = arith.addi %scan3A_361, %masked_cumsum3A : vector<16xi32>
      %sub3A_381 = arith.constant 1 : i32
      %sub3A_382 = vector.broadcast %sub3A_381 : i32 to vector<16xi32>
      %sub3A_383 = arith.subi %add3A_380, %sub3A_382 : vector<16xi32>
      tpu.vector_store_idx %arg9[%sub3A_383], %get3A_379 masked %le3A_370 : memref<2064xi32, #tpu.memory_space<vmem>>[vector<16xi32>], vector<16xi32>, vector<16xi1>
      %all_reduce_population_count3A = tpu.all_reduce %le3A_370 {dim = 0 : i64, kind = #tpu.reduction_kind<sum>} : vector<16xi1> -> vector<16xi32>
      %add3A_384 = arith.addi %scan3A_361, %all_reduce_population_count3A : vector<16xi32>
      %mul3A_385 = arith.constant 4 : i32
      %mul3A_386 = arith.muli %scan3A_360, %mul3A_385 : i32
      %add3A_387 = arith.constant 1 : i32
      %add3A_388 = arith.addi %mul3A_386, %add3A_387 : i32
      %mul3A_389 = arith.constant 16 : i32
      %mul3A_390 = arith.muli %add3A_388, %mul3A_389 : i32
      %get3A_391 = arith.index_cast %mul3A_390 : i32 to index
      %get3A_392 = tpu.vector_load %arg7[%get3A_391] {strides = array<i32>} : memref<2048xf32, #tpu.memory_space<vmem>>, vector<16xf32>,
      %le3A_393 = arith.constant 2.500000e-01 : f32
      %le3A_394 = vector.broadcast %le3A_393 : f32 to vector<16xf32>
      %le3A_395 = arith.cmpf ole, %get3A_392, %le3A_394 : vector<16xf32>
      %jit3A_396 = arith.constant 1 : i32
      %jit3A_397 = arith.constant 0 : i32
      %broadcast_in_dim3A_398 = vector.broadcast %jit3A_396 : i32 to vector<16xi32>
      %broadcast_in_dim3A_399 = vector.broadcast %jit3A_397 : i32 to vector<16xi32>
      %select_n3A_400 = arith.select %le3A_395, %broadcast_in_dim3A_398, %broadcast_in_dim3A_399 : vector<16xi1>, vector<16xi32>
      %broadcast_in_dim3A_401 = arith.constant true
      %broadcast_in_dim3A_402 = vector.broadcast %broadcast_in_dim3A_401 : i1 to vector<16xi1>
      %masked_cumsum3A_403 = tpu.scan <sum>, %select_n3A_400 masked %broadcast_in_dim3A_402 : vector<16xi32>, vector<16xi1> -> vector<16xi32>
      %get3A_404 = arith.index_cast %mul3A_390 : i32 to index
      %get3A_405 = tpu.vector_load %arg6[%get3A_404] {strides = array<i32>} : memref<2048xi32, #tpu.memory_space<vmem>>, vector<16xi32>,
      %add3A_406 = arith.addi %add3A_384, %masked_cumsum3A_403 : vector<16xi32>
      %sub3A_407 = arith.constant 1 : i32
      %sub3A_408 = vector.broadcast %sub3A_407 : i32 to vector<16xi32>
      %sub3A_409 = arith.subi %add3A_406, %sub3A_408 : vector<16xi32>
      tpu.vector_store_idx %arg9[%sub3A_409], %get3A_405 masked %le3A_395 : memref<2064xi32, #tpu.memory_space<vmem>>[vector<16xi32>], vector<16xi32>, vector<16xi1>
      %all_reduce_population_count3A_410 = tpu.all_reduce %le3A_395 {dim = 0 : i64, kind = #tpu.reduction_kind<sum>} : vector<16xi1> -> vector<16xi32>
      %add3A_411 = arith.addi %add3A_384, %all_reduce_population_count3A_410 : vector<16xi32>
      %mul3A_412 = arith.constant 4 : i32
      %mul3A_413 = arith.muli %scan3A_360, %mul3A_412 : i32
      %add3A_414 = arith.constant 2 : i32
      %add3A_415 = arith.addi %mul3A_413, %add3A_414 : i32
      %mul3A_416 = arith.constant 16 : i32
      %mul3A_417 = arith.muli %add3A_415, %mul3A_416 : i32
      %get3A_418 = arith.index_cast %mul3A_417 : i32 to index
      %get3A_419 = tpu.vector_load %arg7[%get3A_418] {strides = array<i32>} : memref<2048xf32, #tpu.memory_space<vmem>>, vector<16xf32>,
      %le3A_420 = arith.constant 2.500000e-01 : f32
      %le3A_421 = vector.broadcast %le3A_420 : f32 to vector<16xf32>
      %le3A_422 = arith.cmpf ole, %get3A_419, %le3A_421 : vector<16xf32>
      %jit3A_423 = arith.constant 1 : i32
      %jit3A_424 = arith.constant 0 : i32
      %broadcast_in_dim3A_425 = vector.broadcast %jit3A_423 : i32 to vector<16xi32>
      %broadcast_in_dim3A_426 = vector.broadcast %jit3A_424 : i32 to vector<16xi32>
      %select_n3A_427 = arith.select %le3A_422, %broadcast_in_dim3A_425, %broadcast_in_dim3A_426 : vector<16xi1>, vector<16xi32>
      %broadcast_in_dim3A_428 = arith.constant true
      %broadcast_in_dim3A_429 = vector.broadcast %broadcast_in_dim3A_428 : i1 to vector<16xi1>
      %masked_cumsum3A_430 = tpu.scan <sum>, %select_n3A_427 masked %broadcast_in_dim3A_429 : vector<16xi32>, vector<16xi1> -> vector<16xi32>
      %get3A_431 = arith.index_cast %mul3A_417 : i32 to index
      %get3A_432 = tpu.vector_load %arg6[%get3A_431] {strides = array<i32>} : memref<2048xi32, #tpu.memory_space<vmem>>, vector<16xi32>,
      %add3A_433 = arith.addi %add3A_411, %masked_cumsum3A_430 : vector<16xi32>
      %sub3A_434 = arith.constant 1 : i32
      %sub3A_435 = vector.broadcast %sub3A_434 : i32 to vector<16xi32>
      %sub3A_436 = arith.subi %add3A_433, %sub3A_435 : vector<16xi32>
      tpu.vector_store_idx %arg9[%sub3A_436], %get3A_432 masked %le3A_422 : memref<2064xi32, #tpu.memory_space<vmem>>[vector<16xi32>], vector<16xi32>, vector<16xi1>
      %all_reduce_population_count3A_437 = tpu.all_reduce %le3A_422 {dim = 0 : i64, kind = #tpu.reduction_kind<sum>} : vector<16xi1> -> vector<16xi32>
      %add3A_438 = arith.addi %add3A_411, %all_reduce_population_count3A_437 : vector<16xi32>
      %mul3A_439 = arith.constant 4 : i32
      %mul3A_440 = arith.muli %scan3A_360, %mul3A_439 : i32
      %add3A_441 = arith.constant 3 : i32
      %add3A_442 = arith.addi %mul3A_440, %add3A_441 : i32
      %mul3A_443 = arith.constant 16 : i32
      %mul3A_444 = arith.muli %add3A_442, %mul3A_443 : i32
      %get3A_445 = arith.index_cast %mul3A_444 : i32 to index
      %get3A_446 = tpu.vector_load %arg7[%get3A_445] {strides = array<i32>} : memref<2048xf32, #tpu.memory_space<vmem>>, vector<16xf32>,
      %le3A_447 = arith.constant 2.500000e-01 : f32
      %le3A_448 = vector.broadcast %le3A_447 : f32 to vector<16xf32>
      %le3A_449 = arith.cmpf ole, %get3A_446, %le3A_448 : vector<16xf32>
      %jit3A_450 = arith.constant 1 : i32
      %jit3A_451 = arith.constant 0 : i32
      %broadcast_in_dim3A_452 = vector.broadcast %jit3A_450 : i32 to vector<16xi32>
      %broadcast_in_dim3A_453 = vector.broadcast %jit3A_451 : i32 to vector<16xi32>
      %select_n3A_454 = arith.select %le3A_449, %broadcast_in_dim3A_452, %broadcast_in_dim3A_453 : vector<16xi1>, vector<16xi32>
      %broadcast_in_dim3A_455 = arith.constant true
      %broadcast_in_dim3A_456 = vector.broadcast %broadcast_in_dim3A_455 : i1 to vector<16xi1>
      %masked_cumsum3A_457 = tpu.scan <sum>, %select_n3A_454 masked %broadcast_in_dim3A_456 : vector<16xi32>, vector<16xi1> -> vector<16xi32>
      %get3A_458 = arith.index_cast %mul3A_444 : i32 to index
      %get3A_459 = tpu.vector_load %arg6[%get3A_458] {strides = array<i32>} : memref<2048xi32, #tpu.memory_space<vmem>>, vector<16xi32>,
      %add3A_460 = arith.addi %add3A_438, %masked_cumsum3A_457 : vector<16xi32>
      %sub3A_461 = arith.constant 1 : i32
      %sub3A_462 = vector.broadcast %sub3A_461 : i32 to vector<16xi32>
      %sub3A_463 = arith.subi %add3A_460, %sub3A_462 : vector<16xi32>
      tpu.vector_store_idx %arg9[%sub3A_463], %get3A_459 masked %le3A_449 : memref<2064xi32, #tpu.memory_space<vmem>>[vector<16xi32>], vector<16xi32>, vector<16xi1>
      %all_reduce_population_count3A_464 = tpu.all_reduce %le3A_449 {dim = 0 : i64, kind = #tpu.reduction_kind<sum>} : vector<16xi1> -> vector<16xi32>
      %add3A_465 = arith.addi %add3A_438, %all_reduce_population_count3A_464 : vector<16xi32>
      scf.yield %add3A_465 : vector<16xi32>
    }
    %scan3A_188 = arith.constant 32 : i32
    %add3A_189 = arith.constant 0 : i32
    %add3A_190 = vector.broadcast %add3A_189 : i32 to vector<16xi32>
    %add3A_191 = arith.addi %iota3A, %add3A_190 : vector<16xi32>
    %lt3A_192 = arith.cmpi slt, %add3A_191, %scan3A_187 : vector<16xi32>
    %jit3A_193 = arith.constant 0 : i32
    %broadcast_in_dim3A_194 = vector.broadcast %jit3A_193 : i32 to vector<16xi32>
    %select_n3A_195 = arith.select %lt3A_192, %add3A_191, %broadcast_in_dim3A_194 : vector<16xi1>, vector<16xi32>
    %gather3A_196 = tpu.vector_load_idx %arg9[%select_n3A_195] : memref<2064xi32, #tpu.memory_space<vmem>>[vector<16xi32>], vector<16xi32>,
    %swap3A_197 = arith.constant 0 : index
    %swap3A_198 = tpu.vector_load %arg10[%swap3A_197] {strides = array<i32>} : memref<64xi32, #tpu.memory_space<vmem>>, vector<16xi32>,
    tpu.vector_store %arg10[%swap3A_197], %gather3A_196 {strides = array<i32>} : memref<64xi32, #tpu.memory_space<vmem>>, vector<16xi32>,
    %add3A_199 = arith.constant 16 : i32
    %add3A_200 = vector.broadcast %add3A_199 : i32 to vector<16xi32>
    %add3A_201 = arith.addi %iota3A, %add3A_200 : vector<16xi32>
    %lt3A_202 = arith.cmpi slt, %add3A_201, %scan3A_187 : vector<16xi32>
    %jit3A_203 = arith.constant 0 : i32
    %broadcast_in_dim3A_204 = vector.broadcast %jit3A_203 : i32 to vector<16xi32>
    %select_n3A_205 = arith.select %lt3A_202, %add3A_201, %broadcast_in_dim3A_204 : vector<16xi1>, vector<16xi32>
    %gather3A_206 = tpu.vector_load_idx %arg9[%select_n3A_205] : memref<2064xi32, #tpu.memory_space<vmem>>[vector<16xi32>], vector<16xi32>,
    %swap3A_207 = arith.constant 16 : index
    %swap3A_208 = tpu.vector_load %arg10[%swap3A_207] {strides = array<i32>} : memref<64xi32, #tpu.memory_space<vmem>>, vector<16xi32>,
    tpu.vector_store %arg10[%swap3A_207], %gather3A_206 {strides = array<i32>} : memref<64xi32, #tpu.memory_space<vmem>>, vector<16xi32>,
    %add3A_209 = arith.constant 32 : i32
    %add3A_210 = vector.broadcast %add3A_209 : i32 to vector<16xi32>
    %add3A_211 = arith.addi %iota3A, %add3A_210 : vector<16xi32>
    %lt3A_212 = arith.cmpi slt, %add3A_211, %scan3A_187 : vector<16xi32>
    %jit3A_213 = arith.constant 0 : i32
    %broadcast_in_dim3A_214 = vector.broadcast %jit3A_213 : i32 to vector<16xi32>
    %select_n3A_215 = arith.select %lt3A_212, %add3A_211, %broadcast_in_dim3A_214 : vector<16xi1>, vector<16xi32>
    %gather3A_216 = tpu.vector_load_idx %arg9[%select_n3A_215] : memref<2064xi32, #tpu.memory_space<vmem>>[vector<16xi32>], vector<16xi32>,
    %swap3A_217 = arith.constant 32 : index
    %swap3A_218 = tpu.vector_load %arg10[%swap3A_217] {strides = array<i32>} : memref<64xi32, #tpu.memory_space<vmem>>, vector<16xi32>,
    tpu.vector_store %arg10[%swap3A_217], %gather3A_216 {strides = array<i32>} : memref<64xi32, #tpu.memory_space<vmem>>, vector<16xi32>,
    %add3A_219 = arith.constant 48 : i32
    %add3A_220 = vector.broadcast %add3A_219 : i32 to vector<16xi32>
    %add3A_221 = arith.addi %iota3A, %add3A_220 : vector<16xi32>
    %lt3A_222 = arith.cmpi slt, %add3A_221, %scan3A_187 : vector<16xi32>
    %jit3A_223 = arith.constant 0 : i32
    %broadcast_in_dim3A_224 = vector.broadcast %jit3A_223 : i32 to vector<16xi32>
    %select_n3A_225 = arith.select %lt3A_222, %add3A_221, %broadcast_in_dim3A_224 : vector<16xi1>, vector<16xi32>
    %gather3A_226 = tpu.vector_load_idx %arg9[%select_n3A_225] : memref<2064xi32, #tpu.memory_space<vmem>>[vector<16xi32>], vector<16xi32>,
    %swap3A_227 = arith.constant 48 : index
    %swap3A_228 = tpu.vector_load %arg10[%swap3A_227] {strides = array<i32>} : memref<64xi32, #tpu.memory_space<vmem>>, vector<16xi32>,
    tpu.vector_store %arg10[%swap3A_227], %gather3A_226 {strides = array<i32>} : memref<64xi32, #tpu.memory_space<vmem>>, vector<16xi32>,
    %dma_wait3A_229 = arith.constant 0 : i32
    %dma_wait3A_230 = arith.constant 0 : i32
    %dma_wait3A_231 = tpu.memref_slice %arg4[%dma_wait3A_229, %dma_wait3A_230] : memref<16384x128xf32, #tpu.memory_space<hbm>> -> memref<16384x128xf32, #tpu.memory_space<hbm>>
    tpu.wait_indirect_dma semaphore(%arg16 : memref<!tpu.dma_semaphore, #tpu.memory_space<semaphore_mem>>) src(%dma_wait3A_231 : memref<16384x128xf32, #tpu.memory_space<hbm>>) dst(%arg13 : memref<64x128xf32, #tpu.memory_space<vmem>>)
    %mul3A_232 = arith.constant 64 : i32
    %mul3A_233 = arith.muli %add3A_161, %mul3A_232 : i32
    %dma_start3A_234 = arith.constant 0 : i32
    %dma_start3A_235 = tpu.memref_slice %arg5[%mul3A_233, %dma_start3A_234] : memref<262144x128xf32, #tpu.memory_space<hbm>> -> memref<64x128xf32, #tpu.memory_space<hbm>>
    %dma_start3A_236 = arith.constant 0 : i32
    %dma_start3A_237 = tpu.memref_slice %arg5[%mul3A_233, %dma_start3A_236] : memref<262144x128xf32, #tpu.memory_space<hbm>> -> memref<64x128xf32, #tpu.memory_space<hbm>>
    tpu.enqueue_dma source(%arg13 : memref<64x128xf32, #tpu.memory_space<vmem>>) target(%dma_start3A_237 : memref<64x128xf32, #tpu.memory_space<hbm>>) target_semaphore(%arg18 : memref<!tpu.dma_semaphore, #tpu.memory_space<semaphore_mem>>)
    %scan3A_238 = arith.constant 0 : i32
    %scan3A_239 = arith.constant 1 : i32
    %scan3A_240 = arith.constant 62 : i32
    %scan3A_241 = arith.addi %scan3A_239, %scan3A_240 : i32
    %scan3A_242 = arith.constant 1 : i32
    scf.for %scan3A_360 = %scan3A_239 to %scan3A_241 step %scan3A_242  : i32 {
      %mul3A_361 = arith.constant 2 : i32
      %mul3A_362 = arith.muli %mul3A_361, %scan3A_360 : i32
      %add3A_363 = arith.addi %mul3A_2, %mul3A_362 : i32
      %sub3A_364 = arith.constant 2 : i32
      %sub3A_365 = arith.subi %add3A_363, %sub3A_364 : i32
      %mul3A_366 = arith.constant 64 : i32
      %mul3A_367 = arith.muli %sub3A_365, %mul3A_366 : i32
      %dma_wait3A_368 = arith.constant 0 : i32
      %dma_wait3A_369 = tpu.memref_slice %arg5[%mul3A_367, %dma_wait3A_368] : memref<262144x128xf32, #tpu.memory_space<hbm>> -> memref<64x128xf32, #tpu.memory_space<hbm>>
      %dma_wait3A_370 = arith.constant 0 : i32
      %dma_wait3A_371 = tpu.memref_slice %arg5[%mul3A_367, %dma_wait3A_370] : memref<262144x128xf32, #tpu.memory_space<hbm>> -> memref<64x128xf32, #tpu.memory_space<hbm>>
      tpu.wait_dma2 semaphore(%arg17 : memref<!tpu.dma_semaphore, #tpu.memory_space<semaphore_mem>>) src(%arg12 : memref<64x128xf32, #tpu.memory_space<vmem>>) dst(%dma_wait3A_371 : memref<64x128xf32, #tpu.memory_space<hbm>>)
      %dma_start3A_372 = arith.constant 0 : i32
      %dma_start3A_373 = arith.constant 0 : i32
      %dma_start3A_374 = tpu.memref_slice %arg4[%dma_start3A_372, %dma_start3A_373] : memref<16384x128xf32, #tpu.memory_space<hbm>> -> memref<16384x128xf32, #tpu.memory_space<hbm>>
      tpu.enqueue_indirect_dma source(%dma_start3A_374 : memref<16384x128xf32, #tpu.memory_space<hbm>>) target(%arg12 : memref<64x128xf32, #tpu.memory_space<vmem>>) offsets(%arg10 : memref<64xi32, #tpu.memory_space<vmem>>) semaphore(%arg16 : memref<!tpu.dma_semaphore, #tpu.memory_space<semaphore_mem>>)
      %add3A_375 = arith.constant 1 : i32
      %add3A_376 = arith.addi %add3A_363, %add3A_375 : i32
      %dma_wait3A_377 = arith.constant 0 : i32
      %dma_wait3A_378 = tpu.memref_slice %arg2[%add3A_376, %dma_wait3A_377] : memref<4096x2048xf32, #tpu.memory_space<hbm>> -> memref<1x2048xf32, #tpu.memory_space<hbm>>
      %dma_wait3A_379 = tpu.memref_squeeze %dma_wait3A_378 : memref<1x2048xf32, #tpu.memory_space<hbm>> -> memref<2048xf32, #tpu.memory_space<hbm>>
      %dma_wait3A_380 = arith.constant 0 : i32
      %dma_wait3A_381 = tpu.memref_slice %arg2[%add3A_376, %dma_wait3A_380] : memref<4096x2048xf32, #tpu.memory_space<hbm>> -> memref<1x2048xf32, #tpu.memory_space<hbm>>
      %dma_wait3A_382 = tpu.memref_squeeze %dma_wait3A_381 : memref<1x2048xf32, #tpu.memory_space<hbm>> -> memref<2048xf32, #tpu.memory_space<hbm>>
      tpu.wait_dma2 semaphore(%arg15 : memref<!tpu.dma_semaphore, #tpu.memory_space<semaphore_mem>>) src(%dma_wait3A_382 : memref<2048xf32, #tpu.memory_space<hbm>>) dst(%arg8 : memref<2048xf32, #tpu.memory_space<vmem>>)
      %add3A_383 = arith.constant 2 : i32
      %add3A_384 = arith.addi %add3A_363, %add3A_383 : i32
      %dma_start3A_385 = arith.constant 0 : i32
      %dma_start3A_386 = tpu.memref_slice %arg2[%add3A_384, %dma_start3A_385] : memref<4096x2048xf32, #tpu.memory_space<hbm>> -> memref<1x2048xf32, #tpu.memory_space<hbm>>
      %dma_start3A_387 = tpu.memref_squeeze %dma_start3A_386 : memref<1x2048xf32, #tpu.memory_space<hbm>> -> memref<2048xf32, #tpu.memory_space<hbm>>
      %dma_start3A_388 = arith.constant 0 : i32
      %dma_start3A_389 = tpu.memref_slice %arg2[%add3A_384, %dma_start3A_388] : memref<4096x2048xf32, #tpu.memory_space<hbm>> -> memref<1x2048xf32, #tpu.memory_space<hbm>>
      %dma_start3A_390 = tpu.memref_squeeze %dma_start3A_389 : memref<1x2048xf32, #tpu.memory_space<hbm>> -> memref<2048xf32, #tpu.memory_space<hbm>>
      tpu.enqueue_dma source(%dma_start3A_390 : memref<2048xf32, #tpu.memory_space<hbm>>) target(%arg7 : memref<2048xf32, #tpu.memory_space<vmem>>) target_semaphore(%arg14 : memref<!tpu.dma_semaphore, #tpu.memory_space<semaphore_mem>>)
      %broadcast_in_dim3A_391 = arith.constant 0 : i32
      %broadcast_in_dim3A_392 = vector.broadcast %broadcast_in_dim3A_391 : i32 to vector<16xi32>
      %scan3A_393 = arith.constant 0 : i32
      %scan3A_394 = arith.constant 32 : i32
      %scan3A_395 = arith.addi %scan3A_393, %scan3A_394 : i32
      %scan3A_396 = arith.constant 1 : i32
      %scan3A_397 = scf.for %scan3A_534 = %scan3A_393 to %scan3A_395 step %scan3A_396 iter_args(%scan3A_535 = %broadcast_in_dim3A_392) -> (vector<16xi32>)  : i32 {
        %mul3A_536 = arith.constant 4 : i32
        %mul3A_537 = arith.muli %scan3A_534, %mul3A_536 : i32
        %add3A_538 = arith.constant 0 : i32
        %add3A_539 = arith.addi %mul3A_537, %add3A_538 : i32
        %mul3A_540 = arith.constant 16 : i32
        %mul3A_541 = arith.muli %add3A_539, %mul3A_540 : i32
        %get3A = arith.index_cast %mul3A_541 : i32 to index
        %get3A_542 = tpu.vector_load %arg8[%get3A] {strides = array<i32>} : memref<2048xf32, #tpu.memory_space<vmem>>, vector<16xf32>,
        %le3A = arith.constant 2.500000e-01 : f32
        %le3A_543 = vector.broadcast %le3A : f32 to vector<16xf32>
        %le3A_544 = arith.cmpf ole, %get3A_542, %le3A_543 : vector<16xf32>
        %jit3A_545 = arith.constant 1 : i32
        %jit3A_546 = arith.constant 0 : i32
        %broadcast_in_dim3A_547 = vector.broadcast %jit3A_545 : i32 to vector<16xi32>
        %broadcast_in_dim3A_548 = vector.broadcast %jit3A_546 : i32 to vector<16xi32>
        %select_n3A_549 = arith.select %le3A_544, %broadcast_in_dim3A_547, %broadcast_in_dim3A_548 : vector<16xi1>, vector<16xi32>
        %broadcast_in_dim3A_550 = arith.constant true
        %broadcast_in_dim3A_551 = vector.broadcast %broadcast_in_dim3A_550 : i1 to vector<16xi1>
        %masked_cumsum3A = tpu.scan <sum>, %select_n3A_549 masked %broadcast_in_dim3A_551 : vector<16xi32>, vector<16xi1> -> vector<16xi32>
        %get3A_552 = arith.index_cast %mul3A_541 : i32 to index
        %get3A_553 = tpu.vector_load %arg6[%get3A_552] {strides = array<i32>} : memref<2048xi32, #tpu.memory_space<vmem>>, vector<16xi32>,
        %add3A_554 = arith.addi %scan3A_535, %masked_cumsum3A : vector<16xi32>
        %sub3A_555 = arith.constant 1 : i32
        %sub3A_556 = vector.broadcast %sub3A_555 : i32 to vector<16xi32>
        %sub3A_557 = arith.subi %add3A_554, %sub3A_556 : vector<16xi32>
        tpu.vector_store_idx %arg9[%sub3A_557], %get3A_553 masked %le3A_544 : memref<2064xi32, #tpu.memory_space<vmem>>[vector<16xi32>], vector<16xi32>, vector<16xi1>
        %all_reduce_population_count3A = tpu.all_reduce %le3A_544 {dim = 0 : i64, kind = #tpu.reduction_kind<sum>} : vector<16xi1> -> vector<16xi32>
        %add3A_558 = arith.addi %scan3A_535, %all_reduce_population_count3A : vector<16xi32>
        %mul3A_559 = arith.constant 4 : i32
        %mul3A_560 = arith.muli %scan3A_534, %mul3A_559 : i32
        %add3A_561 = arith.constant 1 : i32
        %add3A_562 = arith.addi %mul3A_560, %add3A_561 : i32
        %mul3A_563 = arith.constant 16 : i32
        %mul3A_564 = arith.muli %add3A_562, %mul3A_563 : i32
        %get3A_565 = arith.index_cast %mul3A_564 : i32 to index
        %get3A_566 = tpu.vector_load %arg8[%get3A_565] {strides = array<i32>} : memref<2048xf32, #tpu.memory_space<vmem>>, vector<16xf32>,
        %le3A_567 = arith.constant 2.500000e-01 : f32
        %le3A_568 = vector.broadcast %le3A_567 : f32 to vector<16xf32>
        %le3A_569 = arith.cmpf ole, %get3A_566, %le3A_568 : vector<16xf32>
        %jit3A_570 = arith.constant 1 : i32
        %jit3A_571 = arith.constant 0 : i32
        %broadcast_in_dim3A_572 = vector.broadcast %jit3A_570 : i32 to vector<16xi32>
        %broadcast_in_dim3A_573 = vector.broadcast %jit3A_571 : i32 to vector<16xi32>
        %select_n3A_574 = arith.select %le3A_569, %broadcast_in_dim3A_572, %broadcast_in_dim3A_573 : vector<16xi1>, vector<16xi32>
        %broadcast_in_dim3A_575 = arith.constant true
        %broadcast_in_dim3A_576 = vector.broadcast %broadcast_in_dim3A_575 : i1 to vector<16xi1>
        %masked_cumsum3A_577 = tpu.scan <sum>, %select_n3A_574 masked %broadcast_in_dim3A_576 : vector<16xi32>, vector<16xi1> -> vector<16xi32>
        %get3A_578 = arith.index_cast %mul3A_564 : i32 to index
        %get3A_579 = tpu.vector_load %arg6[%get3A_578] {strides = array<i32>} : memref<2048xi32, #tpu.memory_space<vmem>>, vector<16xi32>,
        %add3A_580 = arith.addi %add3A_558, %masked_cumsum3A_577 : vector<16xi32>
        %sub3A_581 = arith.constant 1 : i32
        %sub3A_582 = vector.broadcast %sub3A_581 : i32 to vector<16xi32>
        %sub3A_583 = arith.subi %add3A_580, %sub3A_582 : vector<16xi32>
        tpu.vector_store_idx %arg9[%sub3A_583], %get3A_579 masked %le3A_569 : memref<2064xi32, #tpu.memory_space<vmem>>[vector<16xi32>], vector<16xi32>, vector<16xi1>
        %all_reduce_population_count3A_584 = tpu.all_reduce %le3A_569 {dim = 0 : i64, kind = #tpu.reduction_kind<sum>} : vector<16xi1> -> vector<16xi32>
        %add3A_585 = arith.addi %add3A_558, %all_reduce_population_count3A_584 : vector<16xi32>
        %mul3A_586 = arith.constant 4 : i32
        %mul3A_587 = arith.muli %scan3A_534, %mul3A_586 : i32
        %add3A_588 = arith.constant 2 : i32
        %add3A_589 = arith.addi %mul3A_587, %add3A_588 : i32
        %mul3A_590 = arith.constant 16 : i32
        %mul3A_591 = arith.muli %add3A_589, %mul3A_590 : i32
        %get3A_592 = arith.index_cast %mul3A_591 : i32 to index
        %get3A_593 = tpu.vector_load %arg8[%get3A_592] {strides = array<i32>} : memref<2048xf32, #tpu.memory_space<vmem>>, vector<16xf32>,
        %le3A_594 = arith.constant 2.500000e-01 : f32
        %le3A_595 = vector.broadcast %le3A_594 : f32 to vector<16xf32>
        %le3A_596 = arith.cmpf ole, %get3A_593, %le3A_595 : vector<16xf32>
        %jit3A_597 = arith.constant 1 : i32
        %jit3A_598 = arith.constant 0 : i32
        %broadcast_in_dim3A_599 = vector.broadcast %jit3A_597 : i32 to vector<16xi32>
        %broadcast_in_dim3A_600 = vector.broadcast %jit3A_598 : i32 to vector<16xi32>
        %select_n3A_601 = arith.select %le3A_596, %broadcast_in_dim3A_599, %broadcast_in_dim3A_600 : vector<16xi1>, vector<16xi32>
        %broadcast_in_dim3A_602 = arith.constant true
        %broadcast_in_dim3A_603 = vector.broadcast %broadcast_in_dim3A_602 : i1 to vector<16xi1>
        %masked_cumsum3A_604 = tpu.scan <sum>, %select_n3A_601 masked %broadcast_in_dim3A_603 : vector<16xi32>, vector<16xi1> -> vector<16xi32>
        %get3A_605 = arith.index_cast %mul3A_591 : i32 to index
        %get3A_606 = tpu.vector_load %arg6[%get3A_605] {strides = array<i32>} : memref<2048xi32, #tpu.memory_space<vmem>>, vector<16xi32>,
        %add3A_607 = arith.addi %add3A_585, %masked_cumsum3A_604 : vector<16xi32>
        %sub3A_608 = arith.constant 1 : i32
        %sub3A_609 = vector.broadcast %sub3A_608 : i32 to vector<16xi32>
        %sub3A_610 = arith.subi %add3A_607, %sub3A_609 : vector<16xi32>
        tpu.vector_store_idx %arg9[%sub3A_610], %get3A_606 masked %le3A_596 : memref<2064xi32, #tpu.memory_space<vmem>>[vector<16xi32>], vector<16xi32>, vector<16xi1>
        %all_reduce_population_count3A_611 = tpu.all_reduce %le3A_596 {dim = 0 : i64, kind = #tpu.reduction_kind<sum>} : vector<16xi1> -> vector<16xi32>
        %add3A_612 = arith.addi %add3A_585, %all_reduce_population_count3A_611 : vector<16xi32>
        %mul3A_613 = arith.constant 4 : i32
        %mul3A_614 = arith.muli %scan3A_534, %mul3A_613 : i32
        %add3A_615 = arith.constant 3 : i32
        %add3A_616 = arith.addi %mul3A_614, %add3A_615 : i32
        %mul3A_617 = arith.constant 16 : i32
        %mul3A_618 = arith.muli %add3A_616, %mul3A_617 : i32
        %get3A_619 = arith.index_cast %mul3A_618 : i32 to index
        %get3A_620 = tpu.vector_load %arg8[%get3A_619] {strides = array<i32>} : memref<2048xf32, #tpu.memory_space<vmem>>, vector<16xf32>,
        %le3A_621 = arith.constant 2.500000e-01 : f32
        %le3A_622 = vector.broadcast %le3A_621 : f32 to vector<16xf32>
        %le3A_623 = arith.cmpf ole, %get3A_620, %le3A_622 : vector<16xf32>
        %jit3A_624 = arith.constant 1 : i32
        %jit3A_625 = arith.constant 0 : i32
        %broadcast_in_dim3A_626 = vector.broadcast %jit3A_624 : i32 to vector<16xi32>
        %broadcast_in_dim3A_627 = vector.broadcast %jit3A_625 : i32 to vector<16xi32>
        %select_n3A_628 = arith.select %le3A_623, %broadcast_in_dim3A_626, %broadcast_in_dim3A_627 : vector<16xi1>, vector<16xi32>
        %broadcast_in_dim3A_629 = arith.constant true
        %broadcast_in_dim3A_630 = vector.broadcast %broadcast_in_dim3A_629 : i1 to vector<16xi1>
        %masked_cumsum3A_631 = tpu.scan <sum>, %select_n3A_628 masked %broadcast_in_dim3A_630 : vector<16xi32>, vector<16xi1> -> vector<16xi32>
        %get3A_632 = arith.index_cast %mul3A_618 : i32 to index
        %get3A_633 = tpu.vector_load %arg6[%get3A_632] {strides = array<i32>} : memref<2048xi32, #tpu.memory_space<vmem>>, vector<16xi32>,
        %add3A_634 = arith.addi %add3A_612, %masked_cumsum3A_631 : vector<16xi32>
        %sub3A_635 = arith.constant 1 : i32
        %sub3A_636 = vector.broadcast %sub3A_635 : i32 to vector<16xi32>
        %sub3A_637 = arith.subi %add3A_634, %sub3A_636 : vector<16xi32>
        tpu.vector_store_idx %arg9[%sub3A_637], %get3A_633 masked %le3A_623 : memref<2064xi32, #tpu.memory_space<vmem>>[vector<16xi32>], vector<16xi32>, vector<16xi1>
        %all_reduce_population_count3A_638 = tpu.all_reduce %le3A_623 {dim = 0 : i64, kind = #tpu.reduction_kind<sum>} : vector<16xi1> -> vector<16xi32>
        %add3A_639 = arith.addi %add3A_612, %all_reduce_population_count3A_638 : vector<16xi32>
        scf.yield %add3A_639 : vector<16xi32>
      }
      %scan3A_398 = arith.constant 32 : i32
      %add3A_399 = arith.constant 0 : i32
      %add3A_400 = vector.broadcast %add3A_399 : i32 to vector<16xi32>
      %add3A_401 = arith.addi %iota3A, %add3A_400 : vector<16xi32>
      %lt3A_402 = arith.cmpi slt, %add3A_401, %scan3A_397 : vector<16xi32>
      %jit3A_403 = arith.constant 0 : i32
      %broadcast_in_dim3A_404 = vector.broadcast %jit3A_403 : i32 to vector<16xi32>
      %select_n3A_405 = arith.select %lt3A_402, %add3A_401, %broadcast_in_dim3A_404 : vector<16xi1>, vector<16xi32>
      %gather3A_406 = tpu.vector_load_idx %arg9[%select_n3A_405] : memref<2064xi32, #tpu.memory_space<vmem>>[vector<16xi32>], vector<16xi32>,
      %swap3A_407 = arith.constant 0 : index
      %swap3A_408 = tpu.vector_load %arg11[%swap3A_407] {strides = array<i32>} : memref<64xi32, #tpu.memory_space<vmem>>, vector<16xi32>,
      tpu.vector_store %arg11[%swap3A_407], %gather3A_406 {strides = array<i32>} : memref<64xi32, #tpu.memory_space<vmem>>, vector<16xi32>,
      %add3A_409 = arith.constant 16 : i32
      %add3A_410 = vector.broadcast %add3A_409 : i32 to vector<16xi32>
      %add3A_411 = arith.addi %iota3A, %add3A_410 : vector<16xi32>
      %lt3A_412 = arith.cmpi slt, %add3A_411, %scan3A_397 : vector<16xi32>
      %jit3A_413 = arith.constant 0 : i32
      %broadcast_in_dim3A_414 = vector.broadcast %jit3A_413 : i32 to vector<16xi32>
      %select_n3A_415 = arith.select %lt3A_412, %add3A_411, %broadcast_in_dim3A_414 : vector<16xi1>, vector<16xi32>
      %gather3A_416 = tpu.vector_load_idx %arg9[%select_n3A_415] : memref<2064xi32, #tpu.memory_space<vmem>>[vector<16xi32>], vector<16xi32>,
      %swap3A_417 = arith.constant 16 : index
      %swap3A_418 = tpu.vector_load %arg11[%swap3A_417] {strides = array<i32>} : memref<64xi32, #tpu.memory_space<vmem>>, vector<16xi32>,
      tpu.vector_store %arg11[%swap3A_417], %gather3A_416 {strides = array<i32>} : memref<64xi32, #tpu.memory_space<vmem>>, vector<16xi32>,
      %add3A_419 = arith.constant 32 : i32
      %add3A_420 = vector.broadcast %add3A_419 : i32 to vector<16xi32>
      %add3A_421 = arith.addi %iota3A, %add3A_420 : vector<16xi32>
      %lt3A_422 = arith.cmpi slt, %add3A_421, %scan3A_397 : vector<16xi32>
      %jit3A_423 = arith.constant 0 : i32
      %broadcast_in_dim3A_424 = vector.broadcast %jit3A_423 : i32 to vector<16xi32>
      %select_n3A_425 = arith.select %lt3A_422, %add3A_421, %broadcast_in_dim3A_424 : vector<16xi1>, vector<16xi32>
      %gather3A_426 = tpu.vector_load_idx %arg9[%select_n3A_425] : memref<2064xi32, #tpu.memory_space<vmem>>[vector<16xi32>], vector<16xi32>,
      %swap3A_427 = arith.constant 32 : index
      %swap3A_428 = tpu.vector_load %arg11[%swap3A_427] {strides = array<i32>} : memref<64xi32, #tpu.memory_space<vmem>>, vector<16xi32>,
      tpu.vector_store %arg11[%swap3A_427], %gather3A_426 {strides = array<i32>} : memref<64xi32, #tpu.memory_space<vmem>>, vector<16xi32>,
      %add3A_429 = arith.constant 48 : i32
      %add3A_430 = vector.broadcast %add3A_429 : i32 to vector<16xi32>
      %add3A_431 = arith.addi %iota3A, %add3A_430 : vector<16xi32>
      %lt3A_432 = arith.cmpi slt, %add3A_431, %scan3A_397 : vector<16xi32>
      %jit3A_433 = arith.constant 0 : i32
      %broadcast_in_dim3A_434 = vector.broadcast %jit3A_433 : i32 to vector<16xi32>
      %select_n3A_435 = arith.select %lt3A_432, %add3A_431, %broadcast_in_dim3A_434 : vector<16xi1>, vector<16xi32>
      %gather3A_436 = tpu.vector_load_idx %arg9[%select_n3A_435] : memref<2064xi32, #tpu.memory_space<vmem>>[vector<16xi32>], vector<16xi32>,
      %swap3A_437 = arith.constant 48 : index
      %swap3A_438 = tpu.vector_load %arg11[%swap3A_437] {strides = array<i32>} : memref<64xi32, #tpu.memory_space<vmem>>, vector<16xi32>,
      tpu.vector_store %arg11[%swap3A_437], %gather3A_436 {strides = array<i32>} : memref<64xi32, #tpu.memory_space<vmem>>, vector<16xi32>,
      %dma_wait3A_439 = arith.constant 0 : i32
      %dma_wait3A_440 = arith.constant 0 : i32
      %dma_wait3A_441 = tpu.memref_slice %arg4[%dma_wait3A_439, %dma_wait3A_440] : memref<16384x128xf32, #tpu.memory_space<hbm>> -> memref<16384x128xf32, #tpu.memory_space<hbm>>
      tpu.wait_indirect_dma semaphore(%arg16 : memref<!tpu.dma_semaphore, #tpu.memory_space<semaphore_mem>>) src(%dma_wait3A_441 : memref<16384x128xf32, #tpu.memory_space<hbm>>) dst(%arg12 : memref<64x128xf32, #tpu.memory_space<vmem>>)
      %mul3A_442 = arith.constant 64 : i32
      %mul3A_443 = arith.muli %add3A_363, %mul3A_442 : i32
      %dma_start3A_444 = arith.constant 0 : i32
      %dma_start3A_445 = tpu.memref_slice %arg5[%mul3A_443, %dma_start3A_444] : memref<262144x128xf32, #tpu.memory_space<hbm>> -> memref<64x128xf32, #tpu.memory_space<hbm>>
      %dma_start3A_446 = arith.constant 0 : i32
      %dma_start3A_447 = tpu.memref_slice %arg5[%mul3A_443, %dma_start3A_446] : memref<262144x128xf32, #tpu.memory_space<hbm>> -> memref<64x128xf32, #tpu.memory_space<hbm>>
      tpu.enqueue_dma source(%arg12 : memref<64x128xf32, #tpu.memory_space<vmem>>) target(%dma_start3A_447 : memref<64x128xf32, #tpu.memory_space<hbm>>) target_semaphore(%arg17 : memref<!tpu.dma_semaphore, #tpu.memory_space<semaphore_mem>>)
      %add3A_448 = arith.constant 1 : i32
      %add3A_449 = arith.addi %add3A_363, %add3A_448 : i32
      %sub3A_450 = arith.constant 2 : i32
      %sub3A_451 = arith.subi %add3A_449, %sub3A_450 : i32
      %mul3A_452 = arith.constant 64 : i32
      %mul3A_453 = arith.muli %sub3A_451, %mul3A_452 : i32
      %dma_wait3A_454 = arith.constant 0 : i32
      %dma_wait3A_455 = tpu.memref_slice %arg5[%mul3A_453, %dma_wait3A_454] : memref<262144x128xf32, #tpu.memory_space<hbm>> -> memref<64x128xf32, #tpu.memory_space<hbm>>
      %dma_wait3A_456 = arith.constant 0 : i32
      %dma_wait3A_457 = tpu.memref_slice %arg5[%mul3A_453, %dma_wait3A_456] : memref<262144x128xf32, #tpu.memory_space<hbm>> -> memref<64x128xf32, #tpu.memory_space<hbm>>
      tpu.wait_dma2 semaphore(%arg18 : memref<!tpu.dma_semaphore, #tpu.memory_space<semaphore_mem>>) src(%arg13 : memref<64x128xf32, #tpu.memory_space<vmem>>) dst(%dma_wait3A_457 : memref<64x128xf32, #tpu.memory_space<hbm>>)
      %dma_start3A_458 = arith.constant 0 : i32
      %dma_start3A_459 = arith.constant 0 : i32
      %dma_start3A_460 = tpu.memref_slice %arg4[%dma_start3A_458, %dma_start3A_459] : memref<16384x128xf32, #tpu.memory_space<hbm>> -> memref<16384x128xf32, #tpu.memory_space<hbm>>
      tpu.enqueue_indirect_dma source(%dma_start3A_460 : memref<16384x128xf32, #tpu.memory_space<hbm>>) target(%arg13 : memref<64x128xf32, #tpu.memory_space<vmem>>) offsets(%arg11 : memref<64xi32, #tpu.memory_space<vmem>>) semaphore(%arg16 : memref<!tpu.dma_semaphore, #tpu.memory_space<semaphore_mem>>)
      %add3A_461 = arith.constant 1 : i32
      %add3A_462 = arith.addi %add3A_449, %add3A_461 : i32
      %dma_wait3A_463 = arith.constant 0 : i32
      %dma_wait3A_464 = tpu.memref_slice %arg2[%add3A_462, %dma_wait3A_463] : memref<4096x2048xf32, #tpu.memory_space<hbm>> -> memref<1x2048xf32, #tpu.memory_space<hbm>>
      %dma_wait3A_465 = tpu.memref_squeeze %dma_wait3A_464 : memref<1x2048xf32, #tpu.memory_space<hbm>> -> memref<2048xf32, #tpu.memory_space<hbm>>
      %dma_wait3A_466 = arith.constant 0 : i32
      %dma_wait3A_467 = tpu.memref_slice %arg2[%add3A_462, %dma_wait3A_466] : memref<4096x2048xf32, #tpu.memory_space<hbm>> -> memref<1x2048xf32, #tpu.memory_space<hbm>>
      %dma_wait3A_468 = tpu.memref_squeeze %dma_wait3A_467 : memref<1x2048xf32, #tpu.memory_space<hbm>> -> memref<2048xf32, #tpu.memory_space<hbm>>
      tpu.wait_dma2 semaphore(%arg14 : memref<!tpu.dma_semaphore, #tpu.memory_space<semaphore_mem>>) src(%dma_wait3A_468 : memref<2048xf32, #tpu.memory_space<hbm>>) dst(%arg7 : memref<2048xf32, #tpu.memory_space<vmem>>)
      %add3A_469 = arith.constant 2 : i32
      %add3A_470 = arith.addi %add3A_449, %add3A_469 : i32
      %dma_start3A_471 = arith.constant 0 : i32
      %dma_start3A_472 = tpu.memref_slice %arg2[%add3A_470, %dma_start3A_471] : memref<4096x2048xf32, #tpu.memory_space<hbm>> -> memref<1x2048xf32, #tpu.memory_space<hbm>>
      %dma_start3A_473 = tpu.memref_squeeze %dma_start3A_472 : memref<1x2048xf32, #tpu.memory_space<hbm>> -> memref<2048xf32, #tpu.memory_space<hbm>>
      %dma_start3A_474 = arith.constant 0 : i32
      %dma_start3A_475 = tpu.memref_slice %arg2[%add3A_470, %dma_start3A_474] : memref<4096x2048xf32, #tpu.memory_space<hbm>> -> memref<1x2048xf32, #tpu.memory_space<hbm>>
      %dma_start3A_476 = tpu.memref_squeeze %dma_start3A_475 : memref<1x2048xf32, #tpu.memory_space<hbm>> -> memref<2048xf32, #tpu.memory_space<hbm>>
      tpu.enqueue_dma source(%dma_start3A_476 : memref<2048xf32, #tpu.memory_space<hbm>>) target(%arg8 : memref<2048xf32, #tpu.memory_space<vmem>>) target_semaphore(%arg15 : memref<!tpu.dma_semaphore, #tpu.memory_space<semaphore_mem>>)
      %broadcast_in_dim3A_477 = arith.constant 0 : i32
      %broadcast_in_dim3A_478 = vector.broadcast %broadcast_in_dim3A_477 : i32 to vector<16xi32>
      %scan3A_479 = arith.constant 0 : i32
      %scan3A_480 = arith.constant 32 : i32
      %scan3A_481 = arith.addi %scan3A_479, %scan3A_480 : i32
      %scan3A_482 = arith.constant 1 : i32
      %scan3A_483 = scf.for %scan3A_534 = %scan3A_479 to %scan3A_481 step %scan3A_482 iter_args(%scan3A_535 = %broadcast_in_dim3A_478) -> (vector<16xi32>)  : i32 {
        %mul3A_536 = arith.constant 4 : i32
        %mul3A_537 = arith.muli %scan3A_534, %mul3A_536 : i32
        %add3A_538 = arith.constant 0 : i32
        %add3A_539 = arith.addi %mul3A_537, %add3A_538 : i32
        %mul3A_540 = arith.constant 16 : i32
        %mul3A_541 = arith.muli %add3A_539, %mul3A_540 : i32
        %get3A = arith.index_cast %mul3A_541 : i32 to index
        %get3A_542 = tpu.vector_load %arg7[%get3A] {strides = array<i32>} : memref<2048xf32, #tpu.memory_space<vmem>>, vector<16xf32>,
        %le3A = arith.constant 2.500000e-01 : f32
        %le3A_543 = vector.broadcast %le3A : f32 to vector<16xf32>
        %le3A_544 = arith.cmpf ole, %get3A_542, %le3A_543 : vector<16xf32>
        %jit3A_545 = arith.constant 1 : i32
        %jit3A_546 = arith.constant 0 : i32
        %broadcast_in_dim3A_547 = vector.broadcast %jit3A_545 : i32 to vector<16xi32>
        %broadcast_in_dim3A_548 = vector.broadcast %jit3A_546 : i32 to vector<16xi32>
        %select_n3A_549 = arith.select %le3A_544, %broadcast_in_dim3A_547, %broadcast_in_dim3A_548 : vector<16xi1>, vector<16xi32>
        %broadcast_in_dim3A_550 = arith.constant true
        %broadcast_in_dim3A_551 = vector.broadcast %broadcast_in_dim3A_550 : i1 to vector<16xi1>
        %masked_cumsum3A = tpu.scan <sum>, %select_n3A_549 masked %broadcast_in_dim3A_551 : vector<16xi32>, vector<16xi1> -> vector<16xi32>
        %get3A_552 = arith.index_cast %mul3A_541 : i32 to index
        %get3A_553 = tpu.vector_load %arg6[%get3A_552] {strides = array<i32>} : memref<2048xi32, #tpu.memory_space<vmem>>, vector<16xi32>,
        %add3A_554 = arith.addi %scan3A_535, %masked_cumsum3A : vector<16xi32>
        %sub3A_555 = arith.constant 1 : i32
        %sub3A_556 = vector.broadcast %sub3A_555 : i32 to vector<16xi32>
        %sub3A_557 = arith.subi %add3A_554, %sub3A_556 : vector<16xi32>
        tpu.vector_store_idx %arg9[%sub3A_557], %get3A_553 masked %le3A_544 : memref<2064xi32, #tpu.memory_space<vmem>>[vector<16xi32>], vector<16xi32>, vector<16xi1>
        %all_reduce_population_count3A = tpu.all_reduce %le3A_544 {dim = 0 : i64, kind = #tpu.reduction_kind<sum>} : vector<16xi1> -> vector<16xi32>
        %add3A_558 = arith.addi %scan3A_535, %all_reduce_population_count3A : vector<16xi32>
        %mul3A_559 = arith.constant 4 : i32
        %mul3A_560 = arith.muli %scan3A_534, %mul3A_559 : i32
        %add3A_561 = arith.constant 1 : i32
        %add3A_562 = arith.addi %mul3A_560, %add3A_561 : i32
        %mul3A_563 = arith.constant 16 : i32
        %mul3A_564 = arith.muli %add3A_562, %mul3A_563 : i32
        %get3A_565 = arith.index_cast %mul3A_564 : i32 to index
        %get3A_566 = tpu.vector_load %arg7[%get3A_565] {strides = array<i32>} : memref<2048xf32, #tpu.memory_space<vmem>>, vector<16xf32>,
        %le3A_567 = arith.constant 2.500000e-01 : f32
        %le3A_568 = vector.broadcast %le3A_567 : f32 to vector<16xf32>
        %le3A_569 = arith.cmpf ole, %get3A_566, %le3A_568 : vector<16xf32>
        %jit3A_570 = arith.constant 1 : i32
        %jit3A_571 = arith.constant 0 : i32
        %broadcast_in_dim3A_572 = vector.broadcast %jit3A_570 : i32 to vector<16xi32>
        %broadcast_in_dim3A_573 = vector.broadcast %jit3A_571 : i32 to vector<16xi32>
        %select_n3A_574 = arith.select %le3A_569, %broadcast_in_dim3A_572, %broadcast_in_dim3A_573 : vector<16xi1>, vector<16xi32>
        %broadcast_in_dim3A_575 = arith.constant true
        %broadcast_in_dim3A_576 = vector.broadcast %broadcast_in_dim3A_575 : i1 to vector<16xi1>
        %masked_cumsum3A_577 = tpu.scan <sum>, %select_n3A_574 masked %broadcast_in_dim3A_576 : vector<16xi32>, vector<16xi1> -> vector<16xi32>
        %get3A_578 = arith.index_cast %mul3A_564 : i32 to index
        %get3A_579 = tpu.vector_load %arg6[%get3A_578] {strides = array<i32>} : memref<2048xi32, #tpu.memory_space<vmem>>, vector<16xi32>,
        %add3A_580 = arith.addi %add3A_558, %masked_cumsum3A_577 : vector<16xi32>
        %sub3A_581 = arith.constant 1 : i32
        %sub3A_582 = vector.broadcast %sub3A_581 : i32 to vector<16xi32>
        %sub3A_583 = arith.subi %add3A_580, %sub3A_582 : vector<16xi32>
        tpu.vector_store_idx %arg9[%sub3A_583], %get3A_579 masked %le3A_569 : memref<2064xi32, #tpu.memory_space<vmem>>[vector<16xi32>], vector<16xi32>, vector<16xi1>
        %all_reduce_population_count3A_584 = tpu.all_reduce %le3A_569 {dim = 0 : i64, kind = #tpu.reduction_kind<sum>} : vector<16xi1> -> vector<16xi32>
        %add3A_585 = arith.addi %add3A_558, %all_reduce_population_count3A_584 : vector<16xi32>
        %mul3A_586 = arith.constant 4 : i32
        %mul3A_587 = arith.muli %scan3A_534, %mul3A_586 : i32
        %add3A_588 = arith.constant 2 : i32
        %add3A_589 = arith.addi %mul3A_587, %add3A_588 : i32
        %mul3A_590 = arith.constant 16 : i32
        %mul3A_591 = arith.muli %add3A_589, %mul3A_590 : i32
        %get3A_592 = arith.index_cast %mul3A_591 : i32 to index
        %get3A_593 = tpu.vector_load %arg7[%get3A_592] {strides = array<i32>} : memref<2048xf32, #tpu.memory_space<vmem>>, vector<16xf32>,
        %le3A_594 = arith.constant 2.500000e-01 : f32
        %le3A_595 = vector.broadcast %le3A_594 : f32 to vector<16xf32>
        %le3A_596 = arith.cmpf ole, %get3A_593, %le3A_595 : vector<16xf32>
        %jit3A_597 = arith.constant 1 : i32
        %jit3A_598 = arith.constant 0 : i32
        %broadcast_in_dim3A_599 = vector.broadcast %jit3A_597 : i32 to vector<16xi32>
        %broadcast_in_dim3A_600 = vector.broadcast %jit3A_598 : i32 to vector<16xi32>
        %select_n3A_601 = arith.select %le3A_596, %broadcast_in_dim3A_599, %broadcast_in_dim3A_600 : vector<16xi1>, vector<16xi32>
        %broadcast_in_dim3A_602 = arith.constant true
        %broadcast_in_dim3A_603 = vector.broadcast %broadcast_in_dim3A_602 : i1 to vector<16xi1>
        %masked_cumsum3A_604 = tpu.scan <sum>, %select_n3A_601 masked %broadcast_in_dim3A_603 : vector<16xi32>, vector<16xi1> -> vector<16xi32>
        %get3A_605 = arith.index_cast %mul3A_591 : i32 to index
        %get3A_606 = tpu.vector_load %arg6[%get3A_605] {strides = array<i32>} : memref<2048xi32, #tpu.memory_space<vmem>>, vector<16xi32>,
        %add3A_607 = arith.addi %add3A_585, %masked_cumsum3A_604 : vector<16xi32>
        %sub3A_608 = arith.constant 1 : i32
        %sub3A_609 = vector.broadcast %sub3A_608 : i32 to vector<16xi32>
        %sub3A_610 = arith.subi %add3A_607, %sub3A_609 : vector<16xi32>
        tpu.vector_store_idx %arg9[%sub3A_610], %get3A_606 masked %le3A_596 : memref<2064xi32, #tpu.memory_space<vmem>>[vector<16xi32>], vector<16xi32>, vector<16xi1>
        %all_reduce_population_count3A_611 = tpu.all_reduce %le3A_596 {dim = 0 : i64, kind = #tpu.reduction_kind<sum>} : vector<16xi1> -> vector<16xi32>
        %add3A_612 = arith.addi %add3A_585, %all_reduce_population_count3A_611 : vector<16xi32>
        %mul3A_613 = arith.constant 4 : i32
        %mul3A_614 = arith.muli %scan3A_534, %mul3A_613 : i32
        %add3A_615 = arith.constant 3 : i32
        %add3A_616 = arith.addi %mul3A_614, %add3A_615 : i32
        %mul3A_617 = arith.constant 16 : i32
        %mul3A_618 = arith.muli %add3A_616, %mul3A_617 : i32
        %get3A_619 = arith.index_cast %mul3A_618 : i32 to index
        %get3A_620 = tpu.vector_load %arg7[%get3A_619] {strides = array<i32>} : memref<2048xf32, #tpu.memory_space<vmem>>, vector<16xf32>,
        %le3A_621 = arith.constant 2.500000e-01 : f32
        %le3A_622 = vector.broadcast %le3A_621 : f32 to vector<16xf32>
        %le3A_623 = arith.cmpf ole, %get3A_620, %le3A_622 : vector<16xf32>
        %jit3A_624 = arith.constant 1 : i32
        %jit3A_625 = arith.constant 0 : i32
        %broadcast_in_dim3A_626 = vector.broadcast %jit3A_624 : i32 to vector<16xi32>
        %broadcast_in_dim3A_627 = vector.broadcast %jit3A_625 : i32 to vector<16xi32>
        %select_n3A_628 = arith.select %le3A_623, %broadcast_in_dim3A_626, %broadcast_in_dim3A_627 : vector<16xi1>, vector<16xi32>
        %broadcast_in_dim3A_629 = arith.constant true
        %broadcast_in_dim3A_630 = vector.broadcast %broadcast_in_dim3A_629 : i1 to vector<16xi1>
        %masked_cumsum3A_631 = tpu.scan <sum>, %select_n3A_628 masked %broadcast_in_dim3A_630 : vector<16xi32>, vector<16xi1> -> vector<16xi32>
        %get3A_632 = arith.index_cast %mul3A_618 : i32 to index
        %get3A_633 = tpu.vector_load %arg6[%get3A_632] {strides = array<i32>} : memref<2048xi32, #tpu.memory_space<vmem>>, vector<16xi32>,
        %add3A_634 = arith.addi %add3A_612, %masked_cumsum3A_631 : vector<16xi32>
        %sub3A_635 = arith.constant 1 : i32
        %sub3A_636 = vector.broadcast %sub3A_635 : i32 to vector<16xi32>
        %sub3A_637 = arith.subi %add3A_634, %sub3A_636 : vector<16xi32>
        tpu.vector_store_idx %arg9[%sub3A_637], %get3A_633 masked %le3A_623 : memref<2064xi32, #tpu.memory_space<vmem>>[vector<16xi32>], vector<16xi32>, vector<16xi1>
        %all_reduce_population_count3A_638 = tpu.all_reduce %le3A_623 {dim = 0 : i64, kind = #tpu.reduction_kind<sum>} : vector<16xi1> -> vector<16xi32>
        %add3A_639 = arith.addi %add3A_612, %all_reduce_population_count3A_638 : vector<16xi32>
        scf.yield %add3A_639 : vector<16xi32>
      }
      %scan3A_484 = arith.constant 32 : i32
      %add3A_485 = arith.constant 0 : i32
      %add3A_486 = vector.broadcast %add3A_485 : i32 to vector<16xi32>
      %add3A_487 = arith.addi %iota3A, %add3A_486 : vector<16xi32>
      %lt3A_488 = arith.cmpi slt, %add3A_487, %scan3A_483 : vector<16xi32>
      %jit3A_489 = arith.constant 0 : i32
      %broadcast_in_dim3A_490 = vector.broadcast %jit3A_489 : i32 to vector<16xi32>
      %select_n3A_491 = arith.select %lt3A_488, %add3A_487, %broadcast_in_dim3A_490 : vector<16xi1>, vector<16xi32>
      %gather3A_492 = tpu.vector_load_idx %arg9[%select_n3A_491] : memref<2064xi32, #tpu.memory_space<vmem>>[vector<16xi32>], vector<16xi32>,
      %swap3A_493 = arith.constant 0 : index
      %swap3A_494 = tpu.vector_load %arg10[%swap3A_493] {strides = array<i32>} : memref<64xi32, #tpu.memory_space<vmem>>, vector<16xi32>,
      tpu.vector_store %arg10[%swap3A_493], %gather3A_492 {strides = array<i32>} : memref<64xi32, #tpu.memory_space<vmem>>, vector<16xi32>,
      %add3A_495 = arith.constant 16 : i32
      %add3A_496 = vector.broadcast %add3A_495 : i32 to vector<16xi32>
      %add3A_497 = arith.addi %iota3A, %add3A_496 : vector<16xi32>
      %lt3A_498 = arith.cmpi slt, %add3A_497, %scan3A_483 : vector<16xi32>
      %jit3A_499 = arith.constant 0 : i32
      %broadcast_in_dim3A_500 = vector.broadcast %jit3A_499 : i32 to vector<16xi32>
      %select_n3A_501 = arith.select %lt3A_498, %add3A_497, %broadcast_in_dim3A_500 : vector<16xi1>, vector<16xi32>
      %gather3A_502 = tpu.vector_load_idx %arg9[%select_n3A_501] : memref<2064xi32, #tpu.memory_space<vmem>>[vector<16xi32>], vector<16xi32>,
      %swap3A_503 = arith.constant 16 : index
      %swap3A_504 = tpu.vector_load %arg10[%swap3A_503] {strides = array<i32>} : memref<64xi32, #tpu.memory_space<vmem>>, vector<16xi32>,
      tpu.vector_store %arg10[%swap3A_503], %gather3A_502 {strides = array<i32>} : memref<64xi32, #tpu.memory_space<vmem>>, vector<16xi32>,
      %add3A_505 = arith.constant 32 : i32
      %add3A_506 = vector.broadcast %add3A_505 : i32 to vector<16xi32>
      %add3A_507 = arith.addi %iota3A, %add3A_506 : vector<16xi32>
      %lt3A_508 = arith.cmpi slt, %add3A_507, %scan3A_483 : vector<16xi32>
      %jit3A_509 = arith.constant 0 : i32
      %broadcast_in_dim3A_510 = vector.broadcast %jit3A_509 : i32 to vector<16xi32>
      %select_n3A_511 = arith.select %lt3A_508, %add3A_507, %broadcast_in_dim3A_510 : vector<16xi1>, vector<16xi32>
      %gather3A_512 = tpu.vector_load_idx %arg9[%select_n3A_511] : memref<2064xi32, #tpu.memory_space<vmem>>[vector<16xi32>], vector<16xi32>,
      %swap3A_513 = arith.constant 32 : index
      %swap3A_514 = tpu.vector_load %arg10[%swap3A_513] {strides = array<i32>} : memref<64xi32, #tpu.memory_space<vmem>>, vector<16xi32>,
      tpu.vector_store %arg10[%swap3A_513], %gather3A_512 {strides = array<i32>} : memref<64xi32, #tpu.memory_space<vmem>>, vector<16xi32>,
      %add3A_515 = arith.constant 48 : i32
      %add3A_516 = vector.broadcast %add3A_515 : i32 to vector<16xi32>
      %add3A_517 = arith.addi %iota3A, %add3A_516 : vector<16xi32>
      %lt3A_518 = arith.cmpi slt, %add3A_517, %scan3A_483 : vector<16xi32>
      %jit3A_519 = arith.constant 0 : i32
      %broadcast_in_dim3A_520 = vector.broadcast %jit3A_519 : i32 to vector<16xi32>
      %select_n3A_521 = arith.select %lt3A_518, %add3A_517, %broadcast_in_dim3A_520 : vector<16xi1>, vector<16xi32>
      %gather3A_522 = tpu.vector_load_idx %arg9[%select_n3A_521] : memref<2064xi32, #tpu.memory_space<vmem>>[vector<16xi32>], vector<16xi32>,
      %swap3A_523 = arith.constant 48 : index
      %swap3A_524 = tpu.vector_load %arg10[%swap3A_523] {strides = array<i32>} : memref<64xi32, #tpu.memory_space<vmem>>, vector<16xi32>,
      tpu.vector_store %arg10[%swap3A_523], %gather3A_522 {strides = array<i32>} : memref<64xi32, #tpu.memory_space<vmem>>, vector<16xi32>,
      %dma_wait3A_525 = arith.constant 0 : i32
      %dma_wait3A_526 = arith.constant 0 : i32
      %dma_wait3A_527 = tpu.memref_slice %arg4[%dma_wait3A_525, %dma_wait3A_526] : memref<16384x128xf32, #tpu.memory_space<hbm>> -> memref<16384x128xf32, #tpu.memory_space<hbm>>
      tpu.wait_indirect_dma semaphore(%arg16 : memref<!tpu.dma_semaphore, #tpu.memory_space<semaphore_mem>>) src(%dma_wait3A_527 : memref<16384x128xf32, #tpu.memory_space<hbm>>) dst(%arg13 : memref<64x128xf32, #tpu.memory_space<vmem>>)
      %mul3A_528 = arith.constant 64 : i32
      %mul3A_529 = arith.muli %add3A_449, %mul3A_528 : i32
      %dma_start3A_530 = arith.constant 0 : i32
      %dma_start3A_531 = tpu.memref_slice %arg5[%mul3A_529, %dma_start3A_530] : memref<262144x128xf32, #tpu.memory_space<hbm>> -> memref<64x128xf32, #tpu.memory_space<hbm>>
      %dma_start3A_532 = arith.constant 0 : i32
      %dma_start3A_533 = tpu.memref_slice %arg5[%mul3A_529, %dma_start3A_532] : memref<262144x128xf32, #tpu.memory_space<hbm>> -> memref<64x128xf32, #tpu.memory_space<hbm>>
      tpu.enqueue_dma source(%arg13 : memref<64x128xf32, #tpu.memory_space<vmem>>) target(%dma_start3A_533 : memref<64x128xf32, #tpu.memory_space<hbm>>) target_semaphore(%arg18 : memref<!tpu.dma_semaphore, #tpu.memory_space<semaphore_mem>>)
    }
    %scan3A_243 = arith.constant 62 : i32
    %sub3A_244 = arith.constant 2 : i32
    %sub3A_245 = arith.subi %add3A_4, %sub3A_244 : i32
    %sub3A_246 = arith.constant 2 : i32
    %sub3A_247 = arith.subi %sub3A_245, %sub3A_246 : i32
    %mul3A_248 = arith.constant 64 : i32
    %mul3A_249 = arith.muli %sub3A_247, %mul3A_248 : i32
    %dma_wait3A_250 = arith.constant 0 : i32
    %dma_wait3A_251 = tpu.memref_slice %arg5[%mul3A_249, %dma_wait3A_250] : memref<262144x128xf32, #tpu.memory_space<hbm>> -> memref<64x128xf32, #tpu.memory_space<hbm>>
    %dma_wait3A_252 = arith.constant 0 : i32
    %dma_wait3A_253 = tpu.memref_slice %arg5[%mul3A_249, %dma_wait3A_252] : memref<262144x128xf32, #tpu.memory_space<hbm>> -> memref<64x128xf32, #tpu.memory_space<hbm>>
    tpu.wait_dma2 semaphore(%arg17 : memref<!tpu.dma_semaphore, #tpu.memory_space<semaphore_mem>>) src(%arg12 : memref<64x128xf32, #tpu.memory_space<vmem>>) dst(%dma_wait3A_253 : memref<64x128xf32, #tpu.memory_space<hbm>>)
    %dma_start3A_254 = arith.constant 0 : i32
    %dma_start3A_255 = arith.constant 0 : i32
    %dma_start3A_256 = tpu.memref_slice %arg4[%dma_start3A_254, %dma_start3A_255] : memref<16384x128xf32, #tpu.memory_space<hbm>> -> memref<16384x128xf32, #tpu.memory_space<hbm>>
    tpu.enqueue_indirect_dma source(%dma_start3A_256 : memref<16384x128xf32, #tpu.memory_space<hbm>>) target(%arg12 : memref<64x128xf32, #tpu.memory_space<vmem>>) offsets(%arg10 : memref<64xi32, #tpu.memory_space<vmem>>) semaphore(%arg16 : memref<!tpu.dma_semaphore, #tpu.memory_space<semaphore_mem>>)
    %add3A_257 = arith.constant 1 : i32
    %add3A_258 = arith.addi %sub3A_245, %add3A_257 : i32
    %dma_wait3A_259 = arith.constant 0 : i32
    %dma_wait3A_260 = tpu.memref_slice %arg2[%add3A_258, %dma_wait3A_259] : memref<4096x2048xf32, #tpu.memory_space<hbm>> -> memref<1x2048xf32, #tpu.memory_space<hbm>>
    %dma_wait3A_261 = tpu.memref_squeeze %dma_wait3A_260 : memref<1x2048xf32, #tpu.memory_space<hbm>> -> memref<2048xf32, #tpu.memory_space<hbm>>
    %dma_wait3A_262 = arith.constant 0 : i32
    %dma_wait3A_263 = tpu.memref_slice %arg2[%add3A_258, %dma_wait3A_262] : memref<4096x2048xf32, #tpu.memory_space<hbm>> -> memref<1x2048xf32, #tpu.memory_space<hbm>>
    %dma_wait3A_264 = tpu.memref_squeeze %dma_wait3A_263 : memref<1x2048xf32, #tpu.memory_space<hbm>> -> memref<2048xf32, #tpu.memory_space<hbm>>
    tpu.wait_dma2 semaphore(%arg15 : memref<!tpu.dma_semaphore, #tpu.memory_space<semaphore_mem>>) src(%dma_wait3A_264 : memref<2048xf32, #tpu.memory_space<hbm>>) dst(%arg8 : memref<2048xf32, #tpu.memory_space<vmem>>)
    %broadcast_in_dim3A_265 = arith.constant 0 : i32
    %broadcast_in_dim3A_266 = vector.broadcast %broadcast_in_dim3A_265 : i32 to vector<16xi32>
    %scan3A_267 = arith.constant 0 : i32
    %scan3A_268 = arith.constant 32 : i32
    %scan3A_269 = arith.addi %scan3A_267, %scan3A_268 : i32
    %scan3A_270 = arith.constant 1 : i32
    %scan3A_271 = scf.for %scan3A_360 = %scan3A_267 to %scan3A_269 step %scan3A_270 iter_args(%scan3A_361 = %broadcast_in_dim3A_266) -> (vector<16xi32>)  : i32 {
      %mul3A_362 = arith.constant 4 : i32
      %mul3A_363 = arith.muli %scan3A_360, %mul3A_362 : i32
      %add3A_364 = arith.constant 0 : i32
      %add3A_365 = arith.addi %mul3A_363, %add3A_364 : i32
      %mul3A_366 = arith.constant 16 : i32
      %mul3A_367 = arith.muli %add3A_365, %mul3A_366 : i32
      %get3A = arith.index_cast %mul3A_367 : i32 to index
      %get3A_368 = tpu.vector_load %arg8[%get3A] {strides = array<i32>} : memref<2048xf32, #tpu.memory_space<vmem>>, vector<16xf32>,
      %le3A = arith.constant 2.500000e-01 : f32
      %le3A_369 = vector.broadcast %le3A : f32 to vector<16xf32>
      %le3A_370 = arith.cmpf ole, %get3A_368, %le3A_369 : vector<16xf32>
      %jit3A_371 = arith.constant 1 : i32
      %jit3A_372 = arith.constant 0 : i32
      %broadcast_in_dim3A_373 = vector.broadcast %jit3A_371 : i32 to vector<16xi32>
      %broadcast_in_dim3A_374 = vector.broadcast %jit3A_372 : i32 to vector<16xi32>
      %select_n3A_375 = arith.select %le3A_370, %broadcast_in_dim3A_373, %broadcast_in_dim3A_374 : vector<16xi1>, vector<16xi32>
      %broadcast_in_dim3A_376 = arith.constant true
      %broadcast_in_dim3A_377 = vector.broadcast %broadcast_in_dim3A_376 : i1 to vector<16xi1>
      %masked_cumsum3A = tpu.scan <sum>, %select_n3A_375 masked %broadcast_in_dim3A_377 : vector<16xi32>, vector<16xi1> -> vector<16xi32>
      %get3A_378 = arith.index_cast %mul3A_367 : i32 to index
      %get3A_379 = tpu.vector_load %arg6[%get3A_378] {strides = array<i32>} : memref<2048xi32, #tpu.memory_space<vmem>>, vector<16xi32>,
      %add3A_380 = arith.addi %scan3A_361, %masked_cumsum3A : vector<16xi32>
      %sub3A_381 = arith.constant 1 : i32
      %sub3A_382 = vector.broadcast %sub3A_381 : i32 to vector<16xi32>
      %sub3A_383 = arith.subi %add3A_380, %sub3A_382 : vector<16xi32>
      tpu.vector_store_idx %arg9[%sub3A_383], %get3A_379 masked %le3A_370 : memref<2064xi32, #tpu.memory_space<vmem>>[vector<16xi32>], vector<16xi32>, vector<16xi1>
      %all_reduce_population_count3A = tpu.all_reduce %le3A_370 {dim = 0 : i64, kind = #tpu.reduction_kind<sum>} : vector<16xi1> -> vector<16xi32>
      %add3A_384 = arith.addi %scan3A_361, %all_reduce_population_count3A : vector<16xi32>
      %mul3A_385 = arith.constant 4 : i32
      %mul3A_386 = arith.muli %scan3A_360, %mul3A_385 : i32
      %add3A_387 = arith.constant 1 : i32
      %add3A_388 = arith.addi %mul3A_386, %add3A_387 : i32
      %mul3A_389 = arith.constant 16 : i32
      %mul3A_390 = arith.muli %add3A_388, %mul3A_389 : i32
      %get3A_391 = arith.index_cast %mul3A_390 : i32 to index
      %get3A_392 = tpu.vector_load %arg8[%get3A_391] {strides = array<i32>} : memref<2048xf32, #tpu.memory_space<vmem>>, vector<16xf32>,
      %le3A_393 = arith.constant 2.500000e-01 : f32
      %le3A_394 = vector.broadcast %le3A_393 : f32 to vector<16xf32>
      %le3A_395 = arith.cmpf ole, %get3A_392, %le3A_394 : vector<16xf32>
      %jit3A_396 = arith.constant 1 : i32
      %jit3A_397 = arith.constant 0 : i32
      %broadcast_in_dim3A_398 = vector.broadcast %jit3A_396 : i32 to vector<16xi32>
      %broadcast_in_dim3A_399 = vector.broadcast %jit3A_397 : i32 to vector<16xi32>
      %select_n3A_400 = arith.select %le3A_395, %broadcast_in_dim3A_398, %broadcast_in_dim3A_399 : vector<16xi1>, vector<16xi32>
      %broadcast_in_dim3A_401 = arith.constant true
      %broadcast_in_dim3A_402 = vector.broadcast %broadcast_in_dim3A_401 : i1 to vector<16xi1>
      %masked_cumsum3A_403 = tpu.scan <sum>, %select_n3A_400 masked %broadcast_in_dim3A_402 : vector<16xi32>, vector<16xi1> -> vector<16xi32>
      %get3A_404 = arith.index_cast %mul3A_390 : i32 to index
      %get3A_405 = tpu.vector_load %arg6[%get3A_404] {strides = array<i32>} : memref<2048xi32, #tpu.memory_space<vmem>>, vector<16xi32>,
      %add3A_406 = arith.addi %add3A_384, %masked_cumsum3A_403 : vector<16xi32>
      %sub3A_407 = arith.constant 1 : i32
      %sub3A_408 = vector.broadcast %sub3A_407 : i32 to vector<16xi32>
      %sub3A_409 = arith.subi %add3A_406, %sub3A_408 : vector<16xi32>
      tpu.vector_store_idx %arg9[%sub3A_409], %get3A_405 masked %le3A_395 : memref<2064xi32, #tpu.memory_space<vmem>>[vector<16xi32>], vector<16xi32>, vector<16xi1>
      %all_reduce_population_count3A_410 = tpu.all_reduce %le3A_395 {dim = 0 : i64, kind = #tpu.reduction_kind<sum>} : vector<16xi1> -> vector<16xi32>
      %add3A_411 = arith.addi %add3A_384, %all_reduce_population_count3A_410 : vector<16xi32>
      %mul3A_412 = arith.constant 4 : i32
      %mul3A_413 = arith.muli %scan3A_360, %mul3A_412 : i32
      %add3A_414 = arith.constant 2 : i32
      %add3A_415 = arith.addi %mul3A_413, %add3A_414 : i32
      %mul3A_416 = arith.constant 16 : i32
      %mul3A_417 = arith.muli %add3A_415, %mul3A_416 : i32
      %get3A_418 = arith.index_cast %mul3A_417 : i32 to index
      %get3A_419 = tpu.vector_load %arg8[%get3A_418] {strides = array<i32>} : memref<2048xf32, #tpu.memory_space<vmem>>, vector<16xf32>,
      %le3A_420 = arith.constant 2.500000e-01 : f32
      %le3A_421 = vector.broadcast %le3A_420 : f32 to vector<16xf32>
      %le3A_422 = arith.cmpf ole, %get3A_419, %le3A_421 : vector<16xf32>
      %jit3A_423 = arith.constant 1 : i32
      %jit3A_424 = arith.constant 0 : i32
      %broadcast_in_dim3A_425 = vector.broadcast %jit3A_423 : i32 to vector<16xi32>
      %broadcast_in_dim3A_426 = vector.broadcast %jit3A_424 : i32 to vector<16xi32>
      %select_n3A_427 = arith.select %le3A_422, %broadcast_in_dim3A_425, %broadcast_in_dim3A_426 : vector<16xi1>, vector<16xi32>
      %broadcast_in_dim3A_428 = arith.constant true
      %broadcast_in_dim3A_429 = vector.broadcast %broadcast_in_dim3A_428 : i1 to vector<16xi1>
      %masked_cumsum3A_430 = tpu.scan <sum>, %select_n3A_427 masked %broadcast_in_dim3A_429 : vector<16xi32>, vector<16xi1> -> vector<16xi32>
      %get3A_431 = arith.index_cast %mul3A_417 : i32 to index
      %get3A_432 = tpu.vector_load %arg6[%get3A_431] {strides = array<i32>} : memref<2048xi32, #tpu.memory_space<vmem>>, vector<16xi32>,
      %add3A_433 = arith.addi %add3A_411, %masked_cumsum3A_430 : vector<16xi32>
      %sub3A_434 = arith.constant 1 : i32
      %sub3A_435 = vector.broadcast %sub3A_434 : i32 to vector<16xi32>
      %sub3A_436 = arith.subi %add3A_433, %sub3A_435 : vector<16xi32>
      tpu.vector_store_idx %arg9[%sub3A_436], %get3A_432 masked %le3A_422 : memref<2064xi32, #tpu.memory_space<vmem>>[vector<16xi32>], vector<16xi32>, vector<16xi1>
      %all_reduce_population_count3A_437 = tpu.all_reduce %le3A_422 {dim = 0 : i64, kind = #tpu.reduction_kind<sum>} : vector<16xi1> -> vector<16xi32>
      %add3A_438 = arith.addi %add3A_411, %all_reduce_population_count3A_437 : vector<16xi32>
      %mul3A_439 = arith.constant 4 : i32
      %mul3A_440 = arith.muli %scan3A_360, %mul3A_439 : i32
      %add3A_441 = arith.constant 3 : i32
      %add3A_442 = arith.addi %mul3A_440, %add3A_441 : i32
      %mul3A_443 = arith.constant 16 : i32
      %mul3A_444 = arith.muli %add3A_442, %mul3A_443 : i32
      %get3A_445 = arith.index_cast %mul3A_444 : i32 to index
      %get3A_446 = tpu.vector_load %arg8[%get3A_445] {strides = array<i32>} : memref<2048xf32, #tpu.memory_space<vmem>>, vector<16xf32>,
      %le3A_447 = arith.constant 2.500000e-01 : f32
      %le3A_448 = vector.broadcast %le3A_447 : f32 to vector<16xf32>
      %le3A_449 = arith.cmpf ole, %get3A_446, %le3A_448 : vector<16xf32>
      %jit3A_450 = arith.constant 1 : i32
      %jit3A_451 = arith.constant 0 : i32
      %broadcast_in_dim3A_452 = vector.broadcast %jit3A_450 : i32 to vector<16xi32>
      %broadcast_in_dim3A_453 = vector.broadcast %jit3A_451 : i32 to vector<16xi32>
      %select_n3A_454 = arith.select %le3A_449, %broadcast_in_dim3A_452, %broadcast_in_dim3A_453 : vector<16xi1>, vector<16xi32>
      %broadcast_in_dim3A_455 = arith.constant true
      %broadcast_in_dim3A_456 = vector.broadcast %broadcast_in_dim3A_455 : i1 to vector<16xi1>
      %masked_cumsum3A_457 = tpu.scan <sum>, %select_n3A_454 masked %broadcast_in_dim3A_456 : vector<16xi32>, vector<16xi1> -> vector<16xi32>
      %get3A_458 = arith.index_cast %mul3A_444 : i32 to index
      %get3A_459 = tpu.vector_load %arg6[%get3A_458] {strides = array<i32>} : memref<2048xi32, #tpu.memory_space<vmem>>, vector<16xi32>,
      %add3A_460 = arith.addi %add3A_438, %masked_cumsum3A_457 : vector<16xi32>
      %sub3A_461 = arith.constant 1 : i32
      %sub3A_462 = vector.broadcast %sub3A_461 : i32 to vector<16xi32>
      %sub3A_463 = arith.subi %add3A_460, %sub3A_462 : vector<16xi32>
      tpu.vector_store_idx %arg9[%sub3A_463], %get3A_459 masked %le3A_449 : memref<2064xi32, #tpu.memory_space<vmem>>[vector<16xi32>], vector<16xi32>, vector<16xi1>
      %all_reduce_population_count3A_464 = tpu.all_reduce %le3A_449 {dim = 0 : i64, kind = #tpu.reduction_kind<sum>} : vector<16xi1> -> vector<16xi32>
      %add3A_465 = arith.addi %add3A_438, %all_reduce_population_count3A_464 : vector<16xi32>
      scf.yield %add3A_465 : vector<16xi32>
    }
    %scan3A_272 = arith.constant 32 : i32
    %add3A_273 = arith.constant 0 : i32
    %add3A_274 = vector.broadcast %add3A_273 : i32 to vector<16xi32>
    %add3A_275 = arith.addi %iota3A, %add3A_274 : vector<16xi32>
    %lt3A_276 = arith.cmpi slt, %add3A_275, %scan3A_271 : vector<16xi32>
    %jit3A_277 = arith.constant 0 : i32
    %broadcast_in_dim3A_278 = vector.broadcast %jit3A_277 : i32 to vector<16xi32>
    %select_n3A_279 = arith.select %lt3A_276, %add3A_275, %broadcast_in_dim3A_278 : vector<16xi1>, vector<16xi32>
    %gather3A_280 = tpu.vector_load_idx %arg9[%select_n3A_279] : memref<2064xi32, #tpu.memory_space<vmem>>[vector<16xi32>], vector<16xi32>,
    %swap3A_281 = arith.constant 0 : index
    %swap3A_282 = tpu.vector_load %arg11[%swap3A_281] {strides = array<i32>} : memref<64xi32, #tpu.memory_space<vmem>>, vector<16xi32>,
    tpu.vector_store %arg11[%swap3A_281], %gather3A_280 {strides = array<i32>} : memref<64xi32, #tpu.memory_space<vmem>>, vector<16xi32>,
    %add3A_283 = arith.constant 16 : i32
    %add3A_284 = vector.broadcast %add3A_283 : i32 to vector<16xi32>
    %add3A_285 = arith.addi %iota3A, %add3A_284 : vector<16xi32>
    %lt3A_286 = arith.cmpi slt, %add3A_285, %scan3A_271 : vector<16xi32>
    %jit3A_287 = arith.constant 0 : i32
    %broadcast_in_dim3A_288 = vector.broadcast %jit3A_287 : i32 to vector<16xi32>
    %select_n3A_289 = arith.select %lt3A_286, %add3A_285, %broadcast_in_dim3A_288 : vector<16xi1>, vector<16xi32>
    %gather3A_290 = tpu.vector_load_idx %arg9[%select_n3A_289] : memref<2064xi32, #tpu.memory_space<vmem>>[vector<16xi32>], vector<16xi32>,
    %swap3A_291 = arith.constant 16 : index
    %swap3A_292 = tpu.vector_load %arg11[%swap3A_291] {strides = array<i32>} : memref<64xi32, #tpu.memory_space<vmem>>, vector<16xi32>,
    tpu.vector_store %arg11[%swap3A_291], %gather3A_290 {strides = array<i32>} : memref<64xi32, #tpu.memory_space<vmem>>, vector<16xi32>,
    %add3A_293 = arith.constant 32 : i32
    %add3A_294 = vector.broadcast %add3A_293 : i32 to vector<16xi32>
    %add3A_295 = arith.addi %iota3A, %add3A_294 : vector<16xi32>
    %lt3A_296 = arith.cmpi slt, %add3A_295, %scan3A_271 : vector<16xi32>
    %jit3A_297 = arith.constant 0 : i32
    %broadcast_in_dim3A_298 = vector.broadcast %jit3A_297 : i32 to vector<16xi32>
    %select_n3A_299 = arith.select %lt3A_296, %add3A_295, %broadcast_in_dim3A_298 : vector<16xi1>, vector<16xi32>
    %gather3A_300 = tpu.vector_load_idx %arg9[%select_n3A_299] : memref<2064xi32, #tpu.memory_space<vmem>>[vector<16xi32>], vector<16xi32>,
    %swap3A_301 = arith.constant 32 : index
    %swap3A_302 = tpu.vector_load %arg11[%swap3A_301] {strides = array<i32>} : memref<64xi32, #tpu.memory_space<vmem>>, vector<16xi32>,
    tpu.vector_store %arg11[%swap3A_301], %gather3A_300 {strides = array<i32>} : memref<64xi32, #tpu.memory_space<vmem>>, vector<16xi32>,
    %add3A_303 = arith.constant 48 : i32
    %add3A_304 = vector.broadcast %add3A_303 : i32 to vector<16xi32>
    %add3A_305 = arith.addi %iota3A, %add3A_304 : vector<16xi32>
    %lt3A_306 = arith.cmpi slt, %add3A_305, %scan3A_271 : vector<16xi32>
    %jit3A_307 = arith.constant 0 : i32
    %broadcast_in_dim3A_308 = vector.broadcast %jit3A_307 : i32 to vector<16xi32>
    %select_n3A_309 = arith.select %lt3A_306, %add3A_305, %broadcast_in_dim3A_308 : vector<16xi1>, vector<16xi32>
    %gather3A_310 = tpu.vector_load_idx %arg9[%select_n3A_309] : memref<2064xi32, #tpu.memory_space<vmem>>[vector<16xi32>], vector<16xi32>,
    %swap3A_311 = arith.constant 48 : index
    %swap3A_312 = tpu.vector_load %arg11[%swap3A_311] {strides = array<i32>} : memref<64xi32, #tpu.memory_space<vmem>>, vector<16xi32>,
    tpu.vector_store %arg11[%swap3A_311], %gather3A_310 {strides = array<i32>} : memref<64xi32, #tpu.memory_space<vmem>>, vector<16xi32>,
    %dma_wait3A_313 = arith.constant 0 : i32
    %dma_wait3A_314 = arith.constant 0 : i32
    %dma_wait3A_315 = tpu.memref_slice %arg4[%dma_wait3A_313, %dma_wait3A_314] : memref<16384x128xf32, #tpu.memory_space<hbm>> -> memref<16384x128xf32, #tpu.memory_space<hbm>>
    tpu.wait_indirect_dma semaphore(%arg16 : memref<!tpu.dma_semaphore, #tpu.memory_space<semaphore_mem>>) src(%dma_wait3A_315 : memref<16384x128xf32, #tpu.memory_space<hbm>>) dst(%arg12 : memref<64x128xf32, #tpu.memory_space<vmem>>)
    %mul3A_316 = arith.constant 64 : i32
    %mul3A_317 = arith.muli %sub3A_245, %mul3A_316 : i32
    %dma_start3A_318 = arith.constant 0 : i32
    %dma_start3A_319 = tpu.memref_slice %arg5[%mul3A_317, %dma_start3A_318] : memref<262144x128xf32, #tpu.memory_space<hbm>> -> memref<64x128xf32, #tpu.memory_space<hbm>>
    %dma_start3A_320 = arith.constant 0 : i32
    %dma_start3A_321 = tpu.memref_slice %arg5[%mul3A_317, %dma_start3A_320] : memref<262144x128xf32, #tpu.memory_space<hbm>> -> memref<64x128xf32, #tpu.memory_space<hbm>>
    tpu.enqueue_dma source(%arg12 : memref<64x128xf32, #tpu.memory_space<vmem>>) target(%dma_start3A_321 : memref<64x128xf32, #tpu.memory_space<hbm>>) target_semaphore(%arg17 : memref<!tpu.dma_semaphore, #tpu.memory_space<semaphore_mem>>)
    %sub3A_322 = arith.constant 1 : i32
    %sub3A_323 = arith.subi %add3A_4, %sub3A_322 : i32
    %sub3A_324 = arith.constant 2 : i32
    %sub3A_325 = arith.subi %sub3A_323, %sub3A_324 : i32
    %mul3A_326 = arith.constant 64 : i32
    %mul3A_327 = arith.muli %sub3A_325, %mul3A_326 : i32
    %dma_wait3A_328 = arith.constant 0 : i32
    %dma_wait3A_329 = tpu.memref_slice %arg5[%mul3A_327, %dma_wait3A_328] : memref<262144x128xf32, #tpu.memory_space<hbm>> -> memref<64x128xf32, #tpu.memory_space<hbm>>
    %dma_wait3A_330 = arith.constant 0 : i32
    %dma_wait3A_331 = tpu.memref_slice %arg5[%mul3A_327, %dma_wait3A_330] : memref<262144x128xf32, #tpu.memory_space<hbm>> -> memref<64x128xf32, #tpu.memory_space<hbm>>
    tpu.wait_dma2 semaphore(%arg18 : memref<!tpu.dma_semaphore, #tpu.memory_space<semaphore_mem>>) src(%arg13 : memref<64x128xf32, #tpu.memory_space<vmem>>) dst(%dma_wait3A_331 : memref<64x128xf32, #tpu.memory_space<hbm>>)
    %dma_start3A_332 = arith.constant 0 : i32
    %dma_start3A_333 = arith.constant 0 : i32
    %dma_start3A_334 = tpu.memref_slice %arg4[%dma_start3A_332, %dma_start3A_333] : memref<16384x128xf32, #tpu.memory_space<hbm>> -> memref<16384x128xf32, #tpu.memory_space<hbm>>
    tpu.enqueue_indirect_dma source(%dma_start3A_334 : memref<16384x128xf32, #tpu.memory_space<hbm>>) target(%arg13 : memref<64x128xf32, #tpu.memory_space<vmem>>) offsets(%arg11 : memref<64xi32, #tpu.memory_space<vmem>>) semaphore(%arg16 : memref<!tpu.dma_semaphore, #tpu.memory_space<semaphore_mem>>)
    %dma_wait3A_335 = arith.constant 0 : i32
    %dma_wait3A_336 = arith.constant 0 : i32
    %dma_wait3A_337 = tpu.memref_slice %arg4[%dma_wait3A_335, %dma_wait3A_336] : memref<16384x128xf32, #tpu.memory_space<hbm>> -> memref<16384x128xf32, #tpu.memory_space<hbm>>
    tpu.wait_indirect_dma semaphore(%arg16 : memref<!tpu.dma_semaphore, #tpu.memory_space<semaphore_mem>>) src(%dma_wait3A_337 : memref<16384x128xf32, #tpu.memory_space<hbm>>) dst(%arg13 : memref<64x128xf32, #tpu.memory_space<vmem>>)
    %mul3A_338 = arith.constant 64 : i32
    %mul3A_339 = arith.muli %sub3A_323, %mul3A_338 : i32
    %dma_start3A_340 = arith.constant 0 : i32
    %dma_start3A_341 = tpu.memref_slice %arg5[%mul3A_339, %dma_start3A_340] : memref<262144x128xf32, #tpu.memory_space<hbm>> -> memref<64x128xf32, #tpu.memory_space<hbm>>
    %dma_start3A_342 = arith.constant 0 : i32
    %dma_start3A_343 = tpu.memref_slice %arg5[%mul3A_339, %dma_start3A_342] : memref<262144x128xf32, #tpu.memory_space<hbm>> -> memref<64x128xf32, #tpu.memory_space<hbm>>
    tpu.enqueue_dma source(%arg13 : memref<64x128xf32, #tpu.memory_space<vmem>>) target(%dma_start3A_343 : memref<64x128xf32, #tpu.memory_space<hbm>>) target_semaphore(%arg18 : memref<!tpu.dma_semaphore, #tpu.memory_space<semaphore_mem>>)
    %sub3A_344 = arith.constant 2 : i32
    %sub3A_345 = arith.subi %add3A_4, %sub3A_344 : i32
    %mul3A_346 = arith.constant 64 : i32
    %mul3A_347 = arith.muli %sub3A_345, %mul3A_346 : i32
    %dma_wait3A_348 = arith.constant 0 : i32
    %dma_wait3A_349 = tpu.memref_slice %arg5[%mul3A_347, %dma_wait3A_348] : memref<262144x128xf32, #tpu.memory_space<hbm>> -> memref<64x128xf32, #tpu.memory_space<hbm>>
    %dma_wait3A_350 = arith.constant 0 : i32
    %dma_wait3A_351 = tpu.memref_slice %arg5[%mul3A_347, %dma_wait3A_350] : memref<262144x128xf32, #tpu.memory_space<hbm>> -> memref<64x128xf32, #tpu.memory_space<hbm>>
    tpu.wait_dma2 semaphore(%arg17 : memref<!tpu.dma_semaphore, #tpu.memory_space<semaphore_mem>>) src(%arg12 : memref<64x128xf32, #tpu.memory_space<vmem>>) dst(%dma_wait3A_351 : memref<64x128xf32, #tpu.memory_space<hbm>>)
    %sub3A_352 = arith.constant 1 : i32
    %sub3A_353 = arith.subi %add3A_4, %sub3A_352 : i32
    %mul3A_354 = arith.constant 64 : i32
    %mul3A_355 = arith.muli %sub3A_353, %mul3A_354 : i32
    %dma_wait3A_356 = arith.constant 0 : i32
    %dma_wait3A_357 = tpu.memref_slice %arg5[%mul3A_355, %dma_wait3A_356] : memref<262144x128xf32, #tpu.memory_space<hbm>> -> memref<64x128xf32, #tpu.memory_space<hbm>>
    %dma_wait3A_358 = arith.constant 0 : i32
    %dma_wait3A_359 = tpu.memref_slice %arg5[%mul3A_355, %dma_wait3A_358] : memref<262144x128xf32, #tpu.memory_space<hbm>> -> memref<64x128xf32, #tpu.memory_space<hbm>>
    tpu.wait_dma2 semaphore(%arg18 : memref<!tpu.dma_semaphore, #tpu.memory_space<semaphore_mem>>) src(%arg13 : memref<64x128xf32, #tpu.memory_space<vmem>>) dst(%dma_wait3A_359 : memref<64x128xf32, #tpu.memory_space<hbm>>)
    return
  }
}

module attributes {stable_mosaic.version = 14 : i64} {
  func.func @_prep_body(%arg0: i32, %arg1: memref<1x3x2048xf32, #tpu.memory_space<vmem>>, %arg2: memref<1x128x2048xf32, #tpu.memory_space<vmem>>, %arg3: memref<1x3x512xf32, #tpu.memory_space<vmem>>, %arg4: memref<128x131xf32, #tpu.memory_space<vmem>>, %arg5: memref<1x128xf32, #tpu.memory_space<vmem>>, %arg6: memref<1x512x2048xf32, #tpu.memory_space<vmem>>, %arg7: memref<1x2048x128xf32, #tpu.memory_space<vmem>>, %arg8: memref<1x512x128xf32, #tpu.memory_space<vmem>>) attributes {dimension_semantics = [#tpu.dimension_semantics<arbitrary>], iteration_bounds = array<i64: 8>, scalar_prefetch = 0 : i64, scratch_operands = 0 : i64, tpu.core_type = #tpu.core_type<tc>, window_params = [{transform_indices = @transform_0, window_bounds = array<i64: 1, 3, 2048>}, {transform_indices = @transform_1, window_bounds = array<i64: 1, 128, 2048>}, {transform_indices = @transform_2, window_bounds = array<i64: 1, 3, 512>}, {pipeline_mode = #tpu.pipeline_mode<synchronous>, transform_indices = @transform_3, window_bounds = array<i64: 128, 131>}, {pipeline_mode = #tpu.pipeline_mode<synchronous>, transform_indices = @transform_4, window_bounds = array<i64: 1, 128>}, {transform_indices = @transform_5, window_bounds = array<i64: 1, 512, 2048>}, {transform_indices = @transform_6, window_bounds = array<i64: 1, 2048, 128>}, {transform_indices = @transform_7, window_bounds = array<i64: 1, 512, 128>}]} {
    %get3A = arith.constant 0 : index
    %get3A_0 = arith.constant 0 : index
    %get3A_1 = arith.constant 0 : index
    %get3A_2 = vector.load %arg1[%get3A, %get3A_0, %get3A_1] : memref<1x3x2048xf32, #tpu.memory_space<vmem>>, vector<1x3x2048xf32>
    %get3A_3 = vector.shape_cast %get3A_2 : vector<1x3x2048xf32> to vector<3x2048xf32>
    %get3A_4 = arith.constant 0 : index
    %get3A_5 = arith.constant 0 : index
    %get3A_6 = arith.constant 0 : index
    %get3A_7 = vector.load %arg3[%get3A_4, %get3A_5, %get3A_6] : memref<1x3x512xf32, #tpu.memory_space<vmem>>, vector<1x3x512xf32>
    %get3A_8 = vector.shape_cast %get3A_7 : vector<1x3x512xf32> to vector<3x512xf32>
    %slice3A = vector.extract_strided_slice %get3A_3 {offsets = [0, 0], sizes = [1, 2048], strides = [1, 1]} : vector<3x2048xf32> to vector<1x2048xf32>
    %squeeze3A = vector.shape_cast %slice3A : vector<1x2048xf32> to vector<2048xf32>
    %slice3A_9 = vector.extract_strided_slice %get3A_3 {offsets = [0, 0], sizes = [1, 2048], strides = [1, 1]} : vector<3x2048xf32> to vector<1x2048xf32>
    %squeeze3A_10 = vector.shape_cast %slice3A_9 : vector<1x2048xf32> to vector<2048xf32>
    %mul3A = arith.mulf %squeeze3A, %squeeze3A_10 : vector<2048xf32>
    %slice3A_11 = vector.extract_strided_slice %get3A_3 {offsets = [1, 0], sizes = [1, 2048], strides = [1, 1]} : vector<3x2048xf32> to vector<1x2048xf32>
    %squeeze3A_12 = vector.shape_cast %slice3A_11 : vector<1x2048xf32> to vector<2048xf32>
    %slice3A_13 = vector.extract_strided_slice %get3A_3 {offsets = [1, 0], sizes = [1, 2048], strides = [1, 1]} : vector<3x2048xf32> to vector<1x2048xf32>
    %squeeze3A_14 = vector.shape_cast %slice3A_13 : vector<1x2048xf32> to vector<2048xf32>
    %mul3A_15 = arith.mulf %squeeze3A_12, %squeeze3A_14 : vector<2048xf32>
    %add3A = arith.addf %mul3A, %mul3A_15 : vector<2048xf32>
    %slice3A_16 = vector.extract_strided_slice %get3A_3 {offsets = [2, 0], sizes = [1, 2048], strides = [1, 1]} : vector<3x2048xf32> to vector<1x2048xf32>
    %squeeze3A_17 = vector.shape_cast %slice3A_16 : vector<1x2048xf32> to vector<2048xf32>
    %slice3A_18 = vector.extract_strided_slice %get3A_3 {offsets = [2, 0], sizes = [1, 2048], strides = [1, 1]} : vector<3x2048xf32> to vector<1x2048xf32>
    %squeeze3A_19 = vector.shape_cast %slice3A_18 : vector<1x2048xf32> to vector<2048xf32>
    %mul3A_20 = arith.mulf %squeeze3A_17, %squeeze3A_19 : vector<2048xf32>
    %add3A_21 = arith.addf %add3A, %mul3A_20 : vector<2048xf32>
    %slice3A_22 = vector.extract_strided_slice %get3A_8 {offsets = [0, 0], sizes = [1, 512], strides = [1, 1]} : vector<3x512xf32> to vector<1x512xf32>
    %squeeze3A_23 = vector.shape_cast %slice3A_22 : vector<1x512xf32> to vector<512xf32>
    %slice3A_24 = vector.extract_strided_slice %get3A_8 {offsets = [0, 0], sizes = [1, 512], strides = [1, 1]} : vector<3x512xf32> to vector<1x512xf32>
    %squeeze3A_25 = vector.shape_cast %slice3A_24 : vector<1x512xf32> to vector<512xf32>
    %mul3A_26 = arith.mulf %squeeze3A_23, %squeeze3A_25 : vector<512xf32>
    %slice3A_27 = vector.extract_strided_slice %get3A_8 {offsets = [1, 0], sizes = [1, 512], strides = [1, 1]} : vector<3x512xf32> to vector<1x512xf32>
    %squeeze3A_28 = vector.shape_cast %slice3A_27 : vector<1x512xf32> to vector<512xf32>
    %slice3A_29 = vector.extract_strided_slice %get3A_8 {offsets = [1, 0], sizes = [1, 512], strides = [1, 1]} : vector<3x512xf32> to vector<1x512xf32>
    %squeeze3A_30 = vector.shape_cast %slice3A_29 : vector<1x512xf32> to vector<512xf32>
    %mul3A_31 = arith.mulf %squeeze3A_28, %squeeze3A_30 : vector<512xf32>
    %add3A_32 = arith.addf %mul3A_26, %mul3A_31 : vector<512xf32>
    %slice3A_33 = vector.extract_strided_slice %get3A_8 {offsets = [2, 0], sizes = [1, 512], strides = [1, 1]} : vector<3x512xf32> to vector<1x512xf32>
    %squeeze3A_34 = vector.shape_cast %slice3A_33 : vector<1x512xf32> to vector<512xf32>
    %slice3A_35 = vector.extract_strided_slice %get3A_8 {offsets = [2, 0], sizes = [1, 512], strides = [1, 1]} : vector<3x512xf32> to vector<1x512xf32>
    %squeeze3A_36 = vector.shape_cast %slice3A_35 : vector<1x512xf32> to vector<512xf32>
    %mul3A_37 = arith.mulf %squeeze3A_34, %squeeze3A_36 : vector<512xf32>
    %add3A_38 = arith.addf %add3A_32, %mul3A_37 : vector<512xf32>
    %dot_general3A = arith.constant dense<0.000000e+00> : vector<512x2048xf32>
    %dot_general3A_39 = tpu.matmul %get3A_8, %get3A_3, %dot_general3A {dimension_numbers = #tpu.dot_dimension_numbers<[0], [0], [1], [1], [0, 1, 1, 1], [], []>, transpose_lhs_hint = false} : vector<3x512xf32>, vector<3x2048xf32>, vector<512x2048xf32> -> vector<512x2048xf32>
    %mul3A_40 = arith.constant -2.000000e+00 : f32
    %mul3A_41 = vector.broadcast %mul3A_40 : f32 to vector<512x2048xf32>
    %mul3A_42 = arith.mulf %mul3A_41, %dot_general3A_39 : vector<512x2048xf32>
    %broadcast_in_dim3A = vector.shape_cast %add3A_38 : vector<512xf32> to vector<512x1xf32>
    %add3A_43 = vector.broadcast %broadcast_in_dim3A : vector<512x1xf32> to vector<512x2048xf32>
    %add3A_44 = arith.addf %mul3A_42, %add3A_43 : vector<512x2048xf32>
    %broadcast_in_dim3A_45 = vector.shape_cast %add3A_21 : vector<2048xf32> to vector<1x2048xf32>
    %add3A_46 = vector.broadcast %broadcast_in_dim3A_45 : vector<1x2048xf32> to vector<512x2048xf32>
    %add3A_47 = arith.addf %add3A_44, %add3A_46 : vector<512x2048xf32>
    %swap3A = arith.constant 0 : index
    %swap3A_48 = arith.constant 0 : index
    %swap3A_49 = arith.constant 0 : index
    %swap3A_50 = vector.load %arg6[%swap3A, %swap3A_48, %swap3A_49] : memref<1x512x2048xf32, #tpu.memory_space<vmem>>, vector<1x512x2048xf32>
    %swap3A_51 = vector.shape_cast %swap3A_50 : vector<1x512x2048xf32> to vector<512x2048xf32>
    %swap3A_52 = vector.shape_cast %add3A_47 : vector<512x2048xf32> to vector<1x512x2048xf32>
    tpu.vector_store %arg6[%swap3A, %swap3A_48, %swap3A_49], %swap3A_52 {strides = array<i32>} : memref<1x512x2048xf32, #tpu.memory_space<vmem>>, vector<1x512x2048xf32>,
    %get3A_53 = arith.constant 0 : index
    %get3A_54 = arith.constant 0 : index
    %get3A_55 = arith.constant 0 : index
    %get3A_56 = vector.load %arg2[%get3A_53, %get3A_54, %get3A_55] : memref<1x128x2048xf32, #tpu.memory_space<vmem>>, vector<1x128x2048xf32>
    %get3A_57 = vector.shape_cast %get3A_56 : vector<1x128x2048xf32> to vector<128x2048xf32>
    %concatenate3A = tpu.concatenate %get3A_3, %get3A_57 in 0 : vector<3x2048xf32>, vector<128x2048xf32> -> vector<131x2048xf32>
    %get3A_58 = arith.constant 0 : index
    %get3A_59 = arith.constant 0 : index
    %get3A_60 = vector.load %arg4[%get3A_58, %get3A_59] : memref<128x131xf32, #tpu.memory_space<vmem>>, vector<128x131xf32>
    %dot_general3A_61 = arith.constant dense<0.000000e+00> : vector<2048x128xf32>
    %dot_general3A_62 = tpu.matmul %concatenate3A, %get3A_60, %dot_general3A_61 {dimension_numbers = #tpu.dot_dimension_numbers<[0], [1], [1], [0], [0, 1, 1, 0], [], []>, precision = #tpu.contract_precision<fp32>, transpose_lhs_hint = false} : vector<131x2048xf32>, vector<128x131xf32>, vector<2048x128xf32> -> vector<2048x128xf32>
    %get3A_63 = arith.constant 0 : index
    %get3A_64 = arith.constant 0 : index
    %get3A_65 = vector.load %arg5[%get3A_63, %get3A_64] : memref<1x128xf32, #tpu.memory_space<vmem>>, vector<1x128xf32>
    %add3A_66 = vector.broadcast %get3A_65 : vector<1x128xf32> to vector<2048x128xf32>
    %add3A_67 = arith.addf %dot_general3A_62, %add3A_66 : vector<2048x128xf32>
    %swap3A_68 = arith.constant 0 : index
    %swap3A_69 = arith.constant 0 : index
    %swap3A_70 = arith.constant 0 : index
    %swap3A_71 = vector.load %arg7[%swap3A_68, %swap3A_69, %swap3A_70] : memref<1x2048x128xf32, #tpu.memory_space<vmem>>, vector<1x2048x128xf32>
    %swap3A_72 = vector.shape_cast %swap3A_71 : vector<1x2048x128xf32> to vector<2048x128xf32>
    %swap3A_73 = vector.shape_cast %add3A_67 : vector<2048x128xf32> to vector<1x2048x128xf32>
    tpu.vector_store %arg7[%swap3A_68, %swap3A_69, %swap3A_70], %swap3A_73 {strides = array<i32>} : memref<1x2048x128xf32, #tpu.memory_space<vmem>>, vector<1x2048x128xf32>,
    %slice3A_74 = vector.extract_strided_slice %get3A_60 {offsets = [0, 0], sizes = [128, 3], strides = [1, 1]} : vector<128x131xf32> to vector<128x3xf32>
    %dot_general3A_75 = arith.constant dense<0.000000e+00> : vector<512x128xf32>
    %dot_general3A_76 = tpu.matmul %get3A_8, %slice3A_74, %dot_general3A_75 {dimension_numbers = #tpu.dot_dimension_numbers<[0], [1], [1], [0], [0, 1, 1, 0], [], []>, precision = #tpu.contract_precision<fp32>, transpose_lhs_hint = false} : vector<3x512xf32>, vector<128x3xf32>, vector<512x128xf32> -> vector<512x128xf32>
    %swap3A_77 = arith.constant 0 : index
    %swap3A_78 = arith.constant 0 : index
    %swap3A_79 = arith.constant 0 : index
    %swap3A_80 = vector.load %arg8[%swap3A_77, %swap3A_78, %swap3A_79] : memref<1x512x128xf32, #tpu.memory_space<vmem>>, vector<1x512x128xf32>
    %swap3A_81 = vector.shape_cast %swap3A_80 : vector<1x512x128xf32> to vector<512x128xf32>
    %swap3A_82 = vector.shape_cast %dot_general3A_76 : vector<512x128xf32> to vector<1x512x128xf32>
    tpu.vector_store %arg8[%swap3A_77, %swap3A_78, %swap3A_79], %swap3A_82 {strides = array<i32>} : memref<1x512x128xf32, #tpu.memory_space<vmem>>, vector<1x512x128xf32>,
    return
  }
  func.func @transform_0(%arg0: i32) -> (i32, i32, i32) {
    %c0_i32 = arith.constant 0 : i32
    %c0_i32_0 = arith.constant 0 : i32
    %c0_i32_1 = arith.constant 0 : i32
    return %arg0, %c0_i32, %c0_i32_0 : i32, i32, i32
  }
  func.func @transform_1(%arg0: i32) -> (i32, i32, i32) {
    %c0_i32 = arith.constant 0 : i32
    %c0_i32_0 = arith.constant 0 : i32
    %c0_i32_1 = arith.constant 0 : i32
    return %arg0, %c0_i32, %c0_i32_0 : i32, i32, i32
  }
  func.func @transform_2(%arg0: i32) -> (i32, i32, i32) {
    %c0_i32 = arith.constant 0 : i32
    %c0_i32_0 = arith.constant 0 : i32
    %c0_i32_1 = arith.constant 0 : i32
    return %arg0, %c0_i32, %c0_i32_0 : i32, i32, i32
  }
  func.func @transform_3(%arg0: i32) -> (i32, i32) {
    %c0_i32 = arith.constant 0 : i32
    %c0_i32_0 = arith.constant 0 : i32
    %c0_i32_1 = arith.constant 0 : i32
    return %c0_i32, %c0_i32_0 : i32, i32
  }
  func.func @transform_4(%arg0: i32) -> (i32, i32) {
    %c0_i32 = arith.constant 0 : i32
    %c0_i32_0 = arith.constant 0 : i32
    %c0_i32_1 = arith.constant 0 : i32
    return %c0_i32, %c0_i32_0 : i32, i32
  }
  func.func @transform_5(%arg0: i32) -> (i32, i32, i32) {
    %c0_i32 = arith.constant 0 : i32
    %c0_i32_0 = arith.constant 0 : i32
    %c0_i32_1 = arith.constant 0 : i32
    return %arg0, %c0_i32, %c0_i32_0 : i32, i32, i32
  }
  func.func @transform_6(%arg0: i32) -> (i32, i32, i32) {
    %c0_i32 = arith.constant 0 : i32
    %c0_i32_0 = arith.constant 0 : i32
    %c0_i32_1 = arith.constant 0 : i32
    return %arg0, %c0_i32, %c0_i32_0 : i32, i32, i32
  }
  func.func @transform_7(%arg0: i32) -> (i32, i32, i32) {
    %c0_i32 = arith.constant 0 : i32
    %c0_i32_0 = arith.constant 0 : i32
    %c0_i32_1 = arith.constant 0 : i32
    return %arg0, %c0_i32, %c0_i32_0 : i32, i32, i32
  }
}

module attributes {stable_mosaic.version = 14 : i64} {
  func.func @_fps_body(%arg0: memref<8x3x2048xf32, #tpu.memory_space<vmem>>, %arg1: memref<8x3x512xf32, #tpu.memory_space<vmem>>) attributes {dimension_semantics = [], scalar_prefetch = 0 : i64, scratch_operands = 0 : i64, tpu.core_type = #tpu.core_type<tc>} {
    %get3A = arith.constant 0 : index
    %get3A_0 = arith.constant 0 : index
    %get3A_1 = arith.constant 0 : index
    %get3A_2 = vector.load %arg0[%get3A, %get3A_0, %get3A_1] : memref<8x3x2048xf32, #tpu.memory_space<vmem>>, vector<8x1x2048xf32>
    %get3A_3 = vector.shape_cast %get3A_2 : vector<8x1x2048xf32> to vector<8x2048xf32>
    %get3A_4 = arith.constant 0 : index
    %get3A_5 = arith.constant 1 : index
    %get3A_6 = arith.constant 0 : index
    %get3A_7 = vector.load %arg0[%get3A_4, %get3A_5, %get3A_6] : memref<8x3x2048xf32, #tpu.memory_space<vmem>>, vector<8x1x2048xf32>
    %get3A_8 = vector.shape_cast %get3A_7 : vector<8x1x2048xf32> to vector<8x2048xf32>
    %get3A_9 = arith.constant 0 : index
    %get3A_10 = arith.constant 2 : index
    %get3A_11 = arith.constant 0 : index
    %get3A_12 = vector.load %arg0[%get3A_9, %get3A_10, %get3A_11] : memref<8x3x2048xf32, #tpu.memory_space<vmem>>, vector<8x1x2048xf32>
    %get3A_13 = vector.shape_cast %get3A_12 : vector<8x1x2048xf32> to vector<8x2048xf32>
    %iota3A = tpu.iota {dimensions = array<i32: 1>} : vector<8x2048xi32>
    %iota3A_14 = tpu.iota {dimensions = array<i32: 1>} : vector<8x512xi32>
    %broadcast_in_dim3A = arith.constant 1.000000e+10 : f32
    %broadcast_in_dim3A_15 = vector.broadcast %broadcast_in_dim3A : f32 to vector<8x2048xf32>
    %broadcast_in_dim3A_16 = arith.constant 0 : i32
    %broadcast_in_dim3A_17 = vector.broadcast %broadcast_in_dim3A_16 : i32 to vector<8x1xi32>
    %broadcast_in_dim3A_18 = arith.constant 0.000000e+00 : f32
    %broadcast_in_dim3A_19 = vector.broadcast %broadcast_in_dim3A_18 : f32 to vector<8x512xf32>
    %scan3A = arith.constant 0 : i32
    %scan3A_20 = arith.constant 512 : i32
    %scan3A_21 = arith.addi %scan3A, %scan3A_20 : i32
    %scan3A_22 = arith.constant 1 : i32
    %scan3A_23:5 = scf.for %scan3A_42 = %scan3A to %scan3A_21 step %scan3A_22 iter_args(%scan3A_43 = %broadcast_in_dim3A_15, %scan3A_44 = %broadcast_in_dim3A_17, %scan3A_45 = %broadcast_in_dim3A_19, %scan3A_46 = %broadcast_in_dim3A_19, %scan3A_47 = %broadcast_in_dim3A_19) -> (vector<8x2048xf32>, vector<8x1xi32>, vector<8x512xf32>, vector<8x512xf32>, vector<8x512xf32>)  : i32 {
      %eq3A = vector.broadcast %scan3A_44 : vector<8x1xi32> to vector<8x2048xi32>
      %eq3A_48 = arith.cmpi eq, %iota3A, %eq3A : vector<8x2048xi32>
      %jit3A = arith.constant 0.000000e+00 : f32
      %broadcast_in_dim3A_49 = vector.broadcast %jit3A : f32 to vector<8x2048xf32>
      %select_n3A = arith.select %eq3A_48, %get3A_3, %broadcast_in_dim3A_49 : vector<8x2048xi1>, vector<8x2048xf32>
      %reduce_sum3A = arith.constant dense<0.000000e+00> : vector<8xf32>
      %reduce_sum3A_50 = vector.multi_reduction <add>, %select_n3A, %reduce_sum3A [1] : vector<8x2048xf32> to vector<8xf32>
      %broadcast_in_dim3A_51 = vector.shape_cast %reduce_sum3A_50 : vector<8xf32> to vector<8x1xf32>
      %jit3A_52 = arith.constant 0.000000e+00 : f32
      %broadcast_in_dim3A_53 = vector.broadcast %jit3A_52 : f32 to vector<8x2048xf32>
      %select_n3A_54 = arith.select %eq3A_48, %get3A_8, %broadcast_in_dim3A_53 : vector<8x2048xi1>, vector<8x2048xf32>
      %reduce_sum3A_55 = arith.constant dense<0.000000e+00> : vector<8xf32>
      %reduce_sum3A_56 = vector.multi_reduction <add>, %select_n3A_54, %reduce_sum3A_55 [1] : vector<8x2048xf32> to vector<8xf32>
      %broadcast_in_dim3A_57 = vector.shape_cast %reduce_sum3A_56 : vector<8xf32> to vector<8x1xf32>
      %jit3A_58 = arith.constant 0.000000e+00 : f32
      %broadcast_in_dim3A_59 = vector.broadcast %jit3A_58 : f32 to vector<8x2048xf32>
      %select_n3A_60 = arith.select %eq3A_48, %get3A_13, %broadcast_in_dim3A_59 : vector<8x2048xi1>, vector<8x2048xf32>
      %reduce_sum3A_61 = arith.constant dense<0.000000e+00> : vector<8xf32>
      %reduce_sum3A_62 = vector.multi_reduction <add>, %select_n3A_60, %reduce_sum3A_61 [1] : vector<8x2048xf32> to vector<8xf32>
      %broadcast_in_dim3A_63 = vector.shape_cast %reduce_sum3A_62 : vector<8xf32> to vector<8x1xf32>
      %eq3A_64 = vector.broadcast %scan3A_42 : i32 to vector<8x512xi32>
      %eq3A_65 = arith.cmpi eq, %iota3A_14, %eq3A_64 : vector<8x512xi32>
      %broadcast_in_dim3A_66 = vector.shape_cast %broadcast_in_dim3A_51 : vector<8x1xf32> to vector<8x1xf32>
      %broadcast_in_dim3A_67 = vector.broadcast %broadcast_in_dim3A_66 : vector<8x1xf32> to vector<8x512xf32>
      %select_n3A_68 = arith.select %eq3A_65, %broadcast_in_dim3A_67, %scan3A_45 : vector<8x512xi1>, vector<8x512xf32>
      %broadcast_in_dim3A_69 = vector.shape_cast %broadcast_in_dim3A_57 : vector<8x1xf32> to vector<8x1xf32>
      %broadcast_in_dim3A_70 = vector.broadcast %broadcast_in_dim3A_69 : vector<8x1xf32> to vector<8x512xf32>
      %select_n3A_71 = arith.select %eq3A_65, %broadcast_in_dim3A_70, %scan3A_46 : vector<8x512xi1>, vector<8x512xf32>
      %broadcast_in_dim3A_72 = vector.shape_cast %broadcast_in_dim3A_63 : vector<8x1xf32> to vector<8x1xf32>
      %broadcast_in_dim3A_73 = vector.broadcast %broadcast_in_dim3A_72 : vector<8x1xf32> to vector<8x512xf32>
      %select_n3A_74 = arith.select %eq3A_65, %broadcast_in_dim3A_73, %scan3A_47 : vector<8x512xi1>, vector<8x512xf32>
      %sub3A = vector.broadcast %broadcast_in_dim3A_51 : vector<8x1xf32> to vector<8x2048xf32>
      %sub3A_75 = arith.subf %get3A_3, %sub3A : vector<8x2048xf32>
      %sub3A_76 = vector.broadcast %broadcast_in_dim3A_57 : vector<8x1xf32> to vector<8x2048xf32>
      %sub3A_77 = arith.subf %get3A_8, %sub3A_76 : vector<8x2048xf32>
      %sub3A_78 = vector.broadcast %broadcast_in_dim3A_63 : vector<8x1xf32> to vector<8x2048xf32>
      %sub3A_79 = arith.subf %get3A_13, %sub3A_78 : vector<8x2048xf32>
      %mul3A = arith.mulf %sub3A_77, %sub3A_77 : vector<8x2048xf32>
      %mul3A_80 = arith.mulf %sub3A_75, %sub3A_75 : vector<8x2048xf32>
      %mul3A_81 = arith.mulf %sub3A_79, %sub3A_79 : vector<8x2048xf32>
      %add3A = arith.addf %mul3A_80, %mul3A_81 : vector<8x2048xf32>
      %add3A_82 = arith.addf %mul3A, %add3A : vector<8x2048xf32>
      %min3A = arith.minimumf %scan3A_43, %add3A_82 : vector<8x2048xf32>
      %reduce_max3A = arith.constant dense<0xFF800000> : vector<8xf32>
      %reduce_max3A_83 = vector.multi_reduction <maximumf>, %min3A, %reduce_max3A [1] : vector<8x2048xf32> to vector<8xf32>
      %broadcast_in_dim3A_84 = vector.shape_cast %reduce_max3A_83 : vector<8xf32> to vector<8x1xf32>
      %eq3A_85 = vector.broadcast %broadcast_in_dim3A_84 : vector<8x1xf32> to vector<8x2048xf32>
      %eq3A_86 = arith.cmpf oeq, %min3A, %eq3A_85 : vector<8x2048xf32>
      %jit3A_87 = arith.constant 2048 : i32
      %broadcast_in_dim3A_88 = vector.broadcast %jit3A_87 : i32 to vector<8x2048xi32>
      %select_n3A_89 = arith.select %eq3A_86, %iota3A, %broadcast_in_dim3A_88 : vector<8x2048xi1>, vector<8x2048xi32>
      %reduce_min3A = arith.constant dense<2147483647> : vector<8xi32>
      %reduce_min3A_90 = vector.multi_reduction <minsi>, %select_n3A_89, %reduce_min3A [1] : vector<8x2048xi32> to vector<8xi32>
      %broadcast_in_dim3A_91 = vector.shape_cast %reduce_min3A_90 : vector<8xi32> to vector<8x1xi32>
      scf.yield %min3A, %broadcast_in_dim3A_91, %select_n3A_68, %select_n3A_71, %select_n3A_74 : vector<8x2048xf32>, vector<8x1xi32>, vector<8x512xf32>, vector<8x512xf32>, vector<8x512xf32>
    }
    %scan3A_24 = arith.constant 512 : i32
    %swap3A = arith.constant 0 : index
    %swap3A_25 = arith.constant 0 : index
    %swap3A_26 = arith.constant 0 : index
    %swap3A_27 = vector.load %arg1[%swap3A, %swap3A_25, %swap3A_26] : memref<8x3x512xf32, #tpu.memory_space<vmem>>, vector<8x1x512xf32>
    %swap3A_28 = vector.shape_cast %swap3A_27 : vector<8x1x512xf32> to vector<8x512xf32>
    %swap3A_29 = vector.shape_cast %scan3A_23#2 : vector<8x512xf32> to vector<8x1x512xf32>
    tpu.vector_store %arg1[%swap3A, %swap3A_25, %swap3A_26], %swap3A_29 {strides = array<i32>} : memref<8x3x512xf32, #tpu.memory_space<vmem>>, vector<8x1x512xf32>,
    %swap3A_30 = arith.constant 0 : index
    %swap3A_31 = arith.constant 1 : index
    %swap3A_32 = arith.constant 0 : index
    %swap3A_33 = vector.load %arg1[%swap3A_30, %swap3A_31, %swap3A_32] : memref<8x3x512xf32, #tpu.memory_space<vmem>>, vector<8x1x512xf32>
    %swap3A_34 = vector.shape_cast %swap3A_33 : vector<8x1x512xf32> to vector<8x512xf32>
    %swap3A_35 = vector.shape_cast %scan3A_23#3 : vector<8x512xf32> to vector<8x1x512xf32>
    tpu.vector_store %arg1[%swap3A_30, %swap3A_31, %swap3A_32], %swap3A_35 {strides = array<i32>} : memref<8x3x512xf32, #tpu.memory_space<vmem>>, vector<8x1x512xf32>,
    %swap3A_36 = arith.constant 0 : index
    %swap3A_37 = arith.constant 2 : index
    %swap3A_38 = arith.constant 0 : index
    %swap3A_39 = vector.load %arg1[%swap3A_36, %swap3A_37, %swap3A_38] : memref<8x3x512xf32, #tpu.memory_space<vmem>>, vector<8x1x512xf32>
    %swap3A_40 = vector.shape_cast %swap3A_39 : vector<8x1x512xf32> to vector<8x512xf32>
    %swap3A_41 = vector.shape_cast %scan3A_23#4 : vector<8x512xf32> to vector<8x1x512xf32>
    tpu.vector_store %arg1[%swap3A_36, %swap3A_37, %swap3A_38], %swap3A_41 {strides = array<i32>} : memref<8x3x512xf32, #tpu.memory_space<vmem>>, vector<8x1x512xf32>,
    return
  }
}

module attributes {stable_mosaic.version = 14 : i64} {
  func.func @_l2_body(%arg0: i32, %arg1: memref<2048x128xf32, #tpu.memory_space<vmem>>, %arg2: memref<32x128xf32, #tpu.memory_space<vmem>>, %arg3: memref<2x128xf32, #tpu.memory_space<vmem>>, %arg4: memref<256x128xf32, #tpu.memory_space<vmem>>, %arg5: memref<1x256xf32, #tpu.memory_space<vmem>>, %arg6: memref<2x256xf32, #tpu.memory_space<vmem>>) attributes {dimension_semantics = [#tpu.dimension_semantics<arbitrary>], iteration_bounds = array<i64: 128>, scalar_prefetch = 0 : i64, scratch_operands = 0 : i64, tpu.core_type = #tpu.core_type<tc>, window_params = [{transform_indices = @transform_0, window_bounds = array<i64: 2048, 128>}, {transform_indices = @transform_1, window_bounds = array<i64: 32, 128>}, {pipeline_mode = #tpu.pipeline_mode<synchronous>, transform_indices = @transform_2, window_bounds = array<i64: 2, 128>}, {pipeline_mode = #tpu.pipeline_mode<synchronous>, transform_indices = @transform_3, window_bounds = array<i64: 256, 128>}, {pipeline_mode = #tpu.pipeline_mode<synchronous>, transform_indices = @transform_4, window_bounds = array<i64: 1, 256>}, {pipeline_mode = #tpu.pipeline_mode<synchronous>, transform_indices = @transform_5, window_bounds = array<i64: 2, 256>}]} {
    %eq3A = arith.constant 0 : i32
    %eq3A_0 = arith.cmpi eq, %arg0, %eq3A : i32
    %convert_element_type3A = arith.extui %eq3A_0 : i1 to i32
    %cond3A = arith.constant 0 : i32
    %cond3A_1 = arith.cmpi ne, %convert_element_type3A, %cond3A : i32
    scf.if %cond3A_1 {
      %broadcast_in_dim3A_57 = arith.constant 0.000000e+00 : f32
      %broadcast_in_dim3A_58 = vector.broadcast %broadcast_in_dim3A_57 : f32 to vector<2x256xf32>
      %swap3A_59 = arith.constant 0 : index
      %swap3A_60 = arith.constant 0 : index
      %swap3A_61 = vector.load %arg6[%swap3A_59, %swap3A_60] : memref<2x256xf32, #tpu.memory_space<vmem>>, vector<2x256xf32>
      tpu.vector_store %arg6[%swap3A_59, %swap3A_60], %broadcast_in_dim3A_58 {strides = array<i32>} : memref<2x256xf32, #tpu.memory_space<vmem>>, vector<2x256xf32>,
    } else {
    }
    %get3A = arith.constant 0 : index
    %get3A_2 = arith.constant 0 : index
    %get3A_3 = vector.load %arg1[%get3A, %get3A_2] : memref<2048x128xf32, #tpu.memory_space<vmem>>, vector<2048x128xf32>
    %reshape3A = vector.shape_cast %get3A_3 : vector<2048x128xf32> to vector<32x64x128xf32>
    %get3A_4 = arith.constant 0 : index
    %get3A_5 = arith.constant 0 : index
    %get3A_6 = vector.load %arg2[%get3A_4, %get3A_5] : memref<32x128xf32, #tpu.memory_space<vmem>>, vector<32x128xf32>
    %broadcast_in_dim3A = vector.shape_cast %get3A_6 : vector<32x128xf32> to vector<32x1x128xf32>
    %sub3A = vector.broadcast %broadcast_in_dim3A : vector<32x1x128xf32> to vector<32x64x128xf32>
    %sub3A_7 = arith.subf %reshape3A, %sub3A : vector<32x64x128xf32>
    %get3A_8 = arith.constant 0 : index
    %get3A_9 = arith.constant 0 : index
    %get3A_10 = vector.load %arg3[%get3A_8, %get3A_9] : memref<2x128xf32, #tpu.memory_space<vmem>>, vector<1x128xf32>
    %get3A_11 = vector.shape_cast %get3A_10 : vector<1x128xf32> to vector<128xf32>
    %broadcast_in_dim3A_12 = vector.shape_cast %get3A_11 : vector<128xf32> to vector<1x1x128xf32>
    %mul3A = vector.broadcast %broadcast_in_dim3A_12 : vector<1x1x128xf32> to vector<32x64x128xf32>
    %mul3A_13 = arith.mulf %sub3A_7, %mul3A : vector<32x64x128xf32>
    %get3A_14 = arith.constant 1 : index
    %get3A_15 = arith.constant 0 : index
    %get3A_16 = vector.load %arg3[%get3A_14, %get3A_15] : memref<2x128xf32, #tpu.memory_space<vmem>>, vector<1x128xf32>
    %get3A_17 = vector.shape_cast %get3A_16 : vector<1x128xf32> to vector<128xf32>
    %broadcast_in_dim3A_18 = vector.shape_cast %get3A_17 : vector<128xf32> to vector<1x1x128xf32>
    %add3A = vector.broadcast %broadcast_in_dim3A_18 : vector<1x1x128xf32> to vector<32x64x128xf32>
    %add3A_19 = arith.addf %mul3A_13, %add3A : vector<32x64x128xf32>
    %max3A = arith.constant 0.000000e+00 : f32
    %max3A_20 = vector.broadcast %max3A : f32 to vector<32x64x128xf32>
    %max3A_21 = arith.maximumf %add3A_19, %max3A_20 : vector<32x64x128xf32>
    %reshape3A_22 = vector.shape_cast %max3A_21 : vector<32x64x128xf32> to vector<2048x128xf32>
    %convert_element_type3A_23 = arith.truncf %reshape3A_22 : vector<2048x128xf32> to vector<2048x128xbf16>
    %get3A_24 = arith.constant 0 : index
    %get3A_25 = arith.constant 0 : index
    %get3A_26 = vector.load %arg4[%get3A_24, %get3A_25] : memref<256x128xf32, #tpu.memory_space<vmem>>, vector<256x128xf32>
    %convert_element_type3A_27 = arith.truncf %get3A_26 : vector<256x128xf32> to vector<256x128xbf16>
    %dot_general3A = arith.constant dense<0.000000e+00> : vector<2048x256xf32>
    %dot_general3A_28 = tpu.matmul %convert_element_type3A_23, %convert_element_type3A_27, %dot_general3A {dimension_numbers = #tpu.dot_dimension_numbers<[1], [1], [0], [0], [0, 0, 1, 0], [], []>, transpose_lhs_hint = false} : vector<2048x128xbf16>, vector<256x128xbf16>, vector<2048x256xf32> -> vector<2048x256xf32>
    %get3A_29 = arith.constant 0 : index
    %get3A_30 = arith.constant 0 : index
    %get3A_31 = vector.load %arg5[%get3A_29, %get3A_30] : memref<1x256xf32, #tpu.memory_space<vmem>>, vector<1x256xf32>
    %add3A_32 = vector.broadcast %get3A_31 : vector<1x256xf32> to vector<2048x256xf32>
    %add3A_33 = arith.addf %dot_general3A_28, %add3A_32 : vector<2048x256xf32>
    %get3A_34 = arith.constant 0 : index
    %get3A_35 = arith.constant 0 : index
    %get3A_36 = vector.load %arg6[%get3A_34, %get3A_35] : memref<2x256xf32, #tpu.memory_space<vmem>>, vector<1x256xf32>
    %get3A_37 = vector.shape_cast %get3A_36 : vector<1x256xf32> to vector<256xf32>
    %reduce_sum3A = arith.constant dense<0.000000e+00> : vector<256xf32>
    %reduce_sum3A_38 = vector.multi_reduction <add>, %add3A_33, %reduce_sum3A [0] : vector<2048x256xf32> to vector<256xf32>
    %add3A_39 = arith.addf %get3A_37, %reduce_sum3A_38 : vector<256xf32>
    %swap3A = arith.constant 0 : index
    %swap3A_40 = arith.constant 0 : index
    %swap3A_41 = vector.load %arg6[%swap3A, %swap3A_40] : memref<2x256xf32, #tpu.memory_space<vmem>>, vector<1x256xf32>
    %swap3A_42 = vector.shape_cast %swap3A_41 : vector<1x256xf32> to vector<256xf32>
    %swap3A_43 = vector.shape_cast %add3A_39 : vector<256xf32> to vector<1x256xf32>
    tpu.vector_store %arg6[%swap3A, %swap3A_40], %swap3A_43 {strides = array<i32>} : memref<2x256xf32, #tpu.memory_space<vmem>>, vector<1x256xf32>,
    %get3A_44 = arith.constant 1 : index
    %get3A_45 = arith.constant 0 : index
    %get3A_46 = vector.load %arg6[%get3A_44, %get3A_45] : memref<2x256xf32, #tpu.memory_space<vmem>>, vector<1x256xf32>
    %get3A_47 = vector.shape_cast %get3A_46 : vector<1x256xf32> to vector<256xf32>
    %mul3A_48 = arith.mulf %add3A_33, %add3A_33 : vector<2048x256xf32>
    %reduce_sum3A_49 = arith.constant dense<0.000000e+00> : vector<256xf32>
    %reduce_sum3A_50 = vector.multi_reduction <add>, %mul3A_48, %reduce_sum3A_49 [0] : vector<2048x256xf32> to vector<256xf32>
    %add3A_51 = arith.addf %get3A_47, %reduce_sum3A_50 : vector<256xf32>
    %swap3A_52 = arith.constant 1 : index
    %swap3A_53 = arith.constant 0 : index
    %swap3A_54 = vector.load %arg6[%swap3A_52, %swap3A_53] : memref<2x256xf32, #tpu.memory_space<vmem>>, vector<1x256xf32>
    %swap3A_55 = vector.shape_cast %swap3A_54 : vector<1x256xf32> to vector<256xf32>
    %swap3A_56 = vector.shape_cast %add3A_51 : vector<256xf32> to vector<1x256xf32>
    tpu.vector_store %arg6[%swap3A_52, %swap3A_53], %swap3A_56 {strides = array<i32>} : memref<2x256xf32, #tpu.memory_space<vmem>>, vector<1x256xf32>,
    return
  }
  func.func @transform_0(%arg0: i32) -> (i32, i32) {
    %c0_i32 = arith.constant 0 : i32
    %c0_i32_0 = arith.constant 0 : i32
    return %arg0, %c0_i32 : i32, i32
  }
  func.func @transform_1(%arg0: i32) -> (i32, i32) {
    %c0_i32 = arith.constant 0 : i32
    %c0_i32_0 = arith.constant 0 : i32
    return %arg0, %c0_i32 : i32, i32
  }
  func.func @transform_2(%arg0: i32) -> (i32, i32) {
    %c0_i32 = arith.constant 0 : i32
    %c0_i32_0 = arith.constant 0 : i32
    %c0_i32_1 = arith.constant 0 : i32
    return %c0_i32, %c0_i32_0 : i32, i32
  }
  func.func @transform_3(%arg0: i32) -> (i32, i32) {
    %c0_i32 = arith.constant 0 : i32
    %c0_i32_0 = arith.constant 0 : i32
    %c0_i32_1 = arith.constant 0 : i32
    return %c0_i32, %c0_i32_0 : i32, i32
  }
  func.func @transform_4(%arg0: i32) -> (i32, i32) {
    %c0_i32 = arith.constant 0 : i32
    %c0_i32_0 = arith.constant 0 : i32
    %c0_i32_1 = arith.constant 0 : i32
    return %c0_i32, %c0_i32_0 : i32, i32
  }
  func.func @transform_5(%arg0: i32) -> (i32, i32) {
    %c0_i32 = arith.constant 0 : i32
    %c0_i32_0 = arith.constant 0 : i32
    %c0_i32_1 = arith.constant 0 : i32
    return %c0_i32, %c0_i32_0 : i32, i32
  }
}

module attributes {stable_mosaic.version = 14 : i64} {
  func.func @_stats1_body(%arg0: i32, %arg1: memref<2048x128xf32, #tpu.memory_space<vmem>>, %arg2: memref<32x128xf32, #tpu.memory_space<vmem>>, %arg3: memref<2x128xf32, #tpu.memory_space<vmem>>) attributes {dimension_semantics = [#tpu.dimension_semantics<arbitrary>], iteration_bounds = array<i64: 128>, scalar_prefetch = 0 : i64, scratch_operands = 0 : i64, tpu.core_type = #tpu.core_type<tc>, window_params = [{transform_indices = @transform_0, window_bounds = array<i64: 2048, 128>}, {transform_indices = @transform_1, window_bounds = array<i64: 32, 128>}, {pipeline_mode = #tpu.pipeline_mode<synchronous>, transform_indices = @transform_2, window_bounds = array<i64: 2, 128>}]} {
    %eq3A = arith.constant 0 : i32
    %eq3A_0 = arith.cmpi eq, %arg0, %eq3A : i32
    %convert_element_type3A = arith.extui %eq3A_0 : i1 to i32
    %cond3A = arith.constant 0 : i32
    %cond3A_1 = arith.cmpi ne, %convert_element_type3A, %cond3A : i32
    scf.if %cond3A_1 {
      %broadcast_in_dim3A_29 = arith.constant 0.000000e+00 : f32
      %broadcast_in_dim3A_30 = vector.broadcast %broadcast_in_dim3A_29 : f32 to vector<2x128xf32>
      %swap3A_31 = arith.constant 0 : index
      %swap3A_32 = arith.constant 0 : index
      %swap3A_33 = vector.load %arg3[%swap3A_31, %swap3A_32] : memref<2x128xf32, #tpu.memory_space<vmem>>, vector<2x128xf32>
      tpu.vector_store %arg3[%swap3A_31, %swap3A_32], %broadcast_in_dim3A_30 {strides = array<i32>} : memref<2x128xf32, #tpu.memory_space<vmem>>, vector<2x128xf32>,
    } else {
    }
    %get3A = arith.constant 0 : index
    %get3A_2 = arith.constant 0 : index
    %get3A_3 = vector.load %arg1[%get3A, %get3A_2] : memref<2048x128xf32, #tpu.memory_space<vmem>>, vector<2048x128xf32>
    %reshape3A = vector.shape_cast %get3A_3 : vector<2048x128xf32> to vector<32x64x128xf32>
    %get3A_4 = arith.constant 0 : index
    %get3A_5 = arith.constant 0 : index
    %get3A_6 = vector.load %arg2[%get3A_4, %get3A_5] : memref<32x128xf32, #tpu.memory_space<vmem>>, vector<32x128xf32>
    %broadcast_in_dim3A = vector.shape_cast %get3A_6 : vector<32x128xf32> to vector<32x1x128xf32>
    %sub3A = vector.broadcast %broadcast_in_dim3A : vector<32x1x128xf32> to vector<32x64x128xf32>
    %sub3A_7 = arith.subf %reshape3A, %sub3A : vector<32x64x128xf32>
    %reduce_sum3A = arith.constant dense<0.000000e+00> : vector<128xf32>
    %reduce_sum3A_8 = vector.multi_reduction <add>, %sub3A_7, %reduce_sum3A [0, 1] : vector<32x64x128xf32> to vector<128xf32>
    %mul3A = arith.mulf %sub3A_7, %sub3A_7 : vector<32x64x128xf32>
    %reduce_sum3A_9 = arith.constant dense<0.000000e+00> : vector<128xf32>
    %reduce_sum3A_10 = vector.multi_reduction <add>, %mul3A, %reduce_sum3A_9 [0, 1] : vector<32x64x128xf32> to vector<128xf32>
    %get3A_11 = arith.constant 0 : index
    %get3A_12 = arith.constant 0 : index
    %get3A_13 = vector.load %arg3[%get3A_11, %get3A_12] : memref<2x128xf32, #tpu.memory_space<vmem>>, vector<1x128xf32>
    %get3A_14 = vector.shape_cast %get3A_13 : vector<1x128xf32> to vector<128xf32>
    %add3A = arith.addf %get3A_14, %reduce_sum3A_8 : vector<128xf32>
    %swap3A = arith.constant 0 : index
    %swap3A_15 = arith.constant 0 : index
    %swap3A_16 = vector.load %arg3[%swap3A, %swap3A_15] : memref<2x128xf32, #tpu.memory_space<vmem>>, vector<1x128xf32>
    %swap3A_17 = vector.shape_cast %swap3A_16 : vector<1x128xf32> to vector<128xf32>
    %swap3A_18 = vector.shape_cast %add3A : vector<128xf32> to vector<1x128xf32>
    tpu.vector_store %arg3[%swap3A, %swap3A_15], %swap3A_18 {strides = array<i32>} : memref<2x128xf32, #tpu.memory_space<vmem>>, vector<1x128xf32>,
    %get3A_19 = arith.constant 1 : index
    %get3A_20 = arith.constant 0 : index
    %get3A_21 = vector.load %arg3[%get3A_19, %get3A_20] : memref<2x128xf32, #tpu.memory_space<vmem>>, vector<1x128xf32>
    %get3A_22 = vector.shape_cast %get3A_21 : vector<1x128xf32> to vector<128xf32>
    %add3A_23 = arith.addf %get3A_22, %reduce_sum3A_10 : vector<128xf32>
    %swap3A_24 = arith.constant 1 : index
    %swap3A_25 = arith.constant 0 : index
    %swap3A_26 = vector.load %arg3[%swap3A_24, %swap3A_25] : memref<2x128xf32, #tpu.memory_space<vmem>>, vector<1x128xf32>
    %swap3A_27 = vector.shape_cast %swap3A_26 : vector<1x128xf32> to vector<128xf32>
    %swap3A_28 = vector.shape_cast %add3A_23 : vector<128xf32> to vector<1x128xf32>
    tpu.vector_store %arg3[%swap3A_24, %swap3A_25], %swap3A_28 {strides = array<i32>} : memref<2x128xf32, #tpu.memory_space<vmem>>, vector<1x128xf32>,
    return
  }
  func.func @transform_0(%arg0: i32) -> (i32, i32) {
    %c0_i32 = arith.constant 0 : i32
    %c0_i32_0 = arith.constant 0 : i32
    return %arg0, %c0_i32 : i32, i32
  }
  func.func @transform_1(%arg0: i32) -> (i32, i32) {
    %c0_i32 = arith.constant 0 : i32
    %c0_i32_0 = arith.constant 0 : i32
    return %arg0, %c0_i32 : i32, i32
  }
  func.func @transform_2(%arg0: i32) -> (i32, i32) {
    %c0_i32 = arith.constant 0 : i32
    %c0_i32_0 = arith.constant 0 : i32
    %c0_i32_1 = arith.constant 0 : i32
    return %c0_i32, %c0_i32_0 : i32, i32
  }
}

module attributes {stable_mosaic.version = 14 : i64} {
  func.func @_l3_body(%arg0: i32, %arg1: memref<2048x128xf32, #tpu.memory_space<vmem>>, %arg2: memref<32x128xf32, #tpu.memory_space<vmem>>, %arg3: memref<2x128xf32, #tpu.memory_space<vmem>>, %arg4: memref<256x128xf32, #tpu.memory_space<vmem>>, %arg5: memref<1x256xf32, #tpu.memory_space<vmem>>, %arg6: memref<2x256xf32, #tpu.memory_space<vmem>>, %arg7: memref<512x256xf32, #tpu.memory_space<vmem>>, %arg8: memref<1x512xf32, #tpu.memory_space<vmem>>, %arg9: memref<32x512xf32, #tpu.memory_space<vmem>>, %arg10: memref<32x512xf32, #tpu.memory_space<vmem>>, %arg11: memref<2x512xf32, #tpu.memory_space<vmem>>) attributes {dimension_semantics = [#tpu.dimension_semantics<arbitrary>], iteration_bounds = array<i64: 128>, scalar_prefetch = 0 : i64, scratch_operands = 0 : i64, tpu.core_type = #tpu.core_type<tc>, window_params = [{transform_indices = @transform_0, window_bounds = array<i64: 2048, 128>}, {transform_indices = @transform_1, window_bounds = array<i64: 32, 128>}, {pipeline_mode = #tpu.pipeline_mode<synchronous>, transform_indices = @transform_2, window_bounds = array<i64: 2, 128>}, {pipeline_mode = #tpu.pipeline_mode<synchronous>, transform_indices = @transform_3, window_bounds = array<i64: 256, 128>}, {pipeline_mode = #tpu.pipeline_mode<synchronous>, transform_indices = @transform_4, window_bounds = array<i64: 1, 256>}, {pipeline_mode = #tpu.pipeline_mode<synchronous>, transform_indices = @transform_5, window_bounds = array<i64: 2, 256>}, {pipeline_mode = #tpu.pipeline_mode<synchronous>, transform_indices = @transform_6, window_bounds = array<i64: 512, 256>}, {pipeline_mode = #tpu.pipeline_mode<synchronous>, transform_indices = @transform_7, window_bounds = array<i64: 1, 512>}, {transform_indices = @transform_8, window_bounds = array<i64: 32, 512>}, {transform_indices = @transform_9, window_bounds = array<i64: 32, 512>}, {pipeline_mode = #tpu.pipeline_mode<synchronous>, transform_indices = @transform_10, window_bounds = array<i64: 2, 512>}]} {
    %eq3A = arith.constant 0 : i32
    %eq3A_0 = arith.cmpi eq, %arg0, %eq3A : i32
    %convert_element_type3A = arith.extui %eq3A_0 : i1 to i32
    %cond3A = arith.constant 0 : i32
    %cond3A_1 = arith.cmpi ne, %convert_element_type3A, %cond3A : i32
    scf.if %cond3A_1 {
      %broadcast_in_dim3A_95 = arith.constant 0.000000e+00 : f32
      %broadcast_in_dim3A_96 = vector.broadcast %broadcast_in_dim3A_95 : f32 to vector<2x512xf32>
      %swap3A_97 = arith.constant 0 : index
      %swap3A_98 = arith.constant 0 : index
      %swap3A_99 = vector.load %arg11[%swap3A_97, %swap3A_98] : memref<2x512xf32, #tpu.memory_space<vmem>>, vector<2x512xf32>
      tpu.vector_store %arg11[%swap3A_97, %swap3A_98], %broadcast_in_dim3A_96 {strides = array<i32>} : memref<2x512xf32, #tpu.memory_space<vmem>>, vector<2x512xf32>,
    } else {
    }
    %get3A = arith.constant 0 : index
    %get3A_2 = arith.constant 0 : index
    %get3A_3 = vector.load %arg1[%get3A, %get3A_2] : memref<2048x128xf32, #tpu.memory_space<vmem>>, vector<2048x128xf32>
    %reshape3A = vector.shape_cast %get3A_3 : vector<2048x128xf32> to vector<32x64x128xf32>
    %get3A_4 = arith.constant 0 : index
    %get3A_5 = arith.constant 0 : index
    %get3A_6 = vector.load %arg2[%get3A_4, %get3A_5] : memref<32x128xf32, #tpu.memory_space<vmem>>, vector<32x128xf32>
    %broadcast_in_dim3A = vector.shape_cast %get3A_6 : vector<32x128xf32> to vector<32x1x128xf32>
    %sub3A = vector.broadcast %broadcast_in_dim3A : vector<32x1x128xf32> to vector<32x64x128xf32>
    %sub3A_7 = arith.subf %reshape3A, %sub3A : vector<32x64x128xf32>
    %get3A_8 = arith.constant 0 : index
    %get3A_9 = arith.constant 0 : index
    %get3A_10 = vector.load %arg3[%get3A_8, %get3A_9] : memref<2x128xf32, #tpu.memory_space<vmem>>, vector<1x128xf32>
    %get3A_11 = vector.shape_cast %get3A_10 : vector<1x128xf32> to vector<128xf32>
    %broadcast_in_dim3A_12 = vector.shape_cast %get3A_11 : vector<128xf32> to vector<1x1x128xf32>
    %mul3A = vector.broadcast %broadcast_in_dim3A_12 : vector<1x1x128xf32> to vector<32x64x128xf32>
    %mul3A_13 = arith.mulf %sub3A_7, %mul3A : vector<32x64x128xf32>
    %get3A_14 = arith.constant 1 : index
    %get3A_15 = arith.constant 0 : index
    %get3A_16 = vector.load %arg3[%get3A_14, %get3A_15] : memref<2x128xf32, #tpu.memory_space<vmem>>, vector<1x128xf32>
    %get3A_17 = vector.shape_cast %get3A_16 : vector<1x128xf32> to vector<128xf32>
    %broadcast_in_dim3A_18 = vector.shape_cast %get3A_17 : vector<128xf32> to vector<1x1x128xf32>
    %add3A = vector.broadcast %broadcast_in_dim3A_18 : vector<1x1x128xf32> to vector<32x64x128xf32>
    %add3A_19 = arith.addf %mul3A_13, %add3A : vector<32x64x128xf32>
    %max3A = arith.constant 0.000000e+00 : f32
    %max3A_20 = vector.broadcast %max3A : f32 to vector<32x64x128xf32>
    %max3A_21 = arith.maximumf %add3A_19, %max3A_20 : vector<32x64x128xf32>
    %reshape3A_22 = vector.shape_cast %max3A_21 : vector<32x64x128xf32> to vector<2048x128xf32>
    %convert_element_type3A_23 = arith.truncf %reshape3A_22 : vector<2048x128xf32> to vector<2048x128xbf16>
    %get3A_24 = arith.constant 0 : index
    %get3A_25 = arith.constant 0 : index
    %get3A_26 = vector.load %arg4[%get3A_24, %get3A_25] : memref<256x128xf32, #tpu.memory_space<vmem>>, vector<256x128xf32>
    %convert_element_type3A_27 = arith.truncf %get3A_26 : vector<256x128xf32> to vector<256x128xbf16>
    %dot_general3A = arith.constant dense<0.000000e+00> : vector<2048x256xf32>
    %dot_general3A_28 = tpu.matmul %convert_element_type3A_23, %convert_element_type3A_27, %dot_general3A {dimension_numbers = #tpu.dot_dimension_numbers<[1], [1], [0], [0], [0, 0, 1, 0], [], []>, transpose_lhs_hint = false} : vector<2048x128xbf16>, vector<256x128xbf16>, vector<2048x256xf32> -> vector<2048x256xf32>
    %get3A_29 = arith.constant 0 : index
    %get3A_30 = arith.constant 0 : index
    %get3A_31 = vector.load %arg5[%get3A_29, %get3A_30] : memref<1x256xf32, #tpu.memory_space<vmem>>, vector<1x256xf32>
    %add3A_32 = vector.broadcast %get3A_31 : vector<1x256xf32> to vector<2048x256xf32>
    %add3A_33 = arith.addf %dot_general3A_28, %add3A_32 : vector<2048x256xf32>
    %get3A_34 = arith.constant 0 : index
    %get3A_35 = arith.constant 0 : index
    %get3A_36 = vector.load %arg6[%get3A_34, %get3A_35] : memref<2x256xf32, #tpu.memory_space<vmem>>, vector<1x256xf32>
    %get3A_37 = vector.shape_cast %get3A_36 : vector<1x256xf32> to vector<256xf32>
    %broadcast_in_dim3A_38 = vector.shape_cast %get3A_37 : vector<256xf32> to vector<1x256xf32>
    %mul3A_39 = vector.broadcast %broadcast_in_dim3A_38 : vector<1x256xf32> to vector<2048x256xf32>
    %mul3A_40 = arith.mulf %add3A_33, %mul3A_39 : vector<2048x256xf32>
    %get3A_41 = arith.constant 1 : index
    %get3A_42 = arith.constant 0 : index
    %get3A_43 = vector.load %arg6[%get3A_41, %get3A_42] : memref<2x256xf32, #tpu.memory_space<vmem>>, vector<1x256xf32>
    %get3A_44 = vector.shape_cast %get3A_43 : vector<1x256xf32> to vector<256xf32>
    %broadcast_in_dim3A_45 = vector.shape_cast %get3A_44 : vector<256xf32> to vector<1x256xf32>
    %add3A_46 = vector.broadcast %broadcast_in_dim3A_45 : vector<1x256xf32> to vector<2048x256xf32>
    %add3A_47 = arith.addf %mul3A_40, %add3A_46 : vector<2048x256xf32>
    %max3A_48 = arith.constant 0.000000e+00 : f32
    %max3A_49 = vector.broadcast %max3A_48 : f32 to vector<2048x256xf32>
    %max3A_50 = arith.maximumf %add3A_47, %max3A_49 : vector<2048x256xf32>
    %convert_element_type3A_51 = arith.truncf %max3A_50 : vector<2048x256xf32> to vector<2048x256xbf16>
    %get3A_52 = arith.constant 0 : index
    %get3A_53 = arith.constant 0 : index
    %get3A_54 = vector.load %arg7[%get3A_52, %get3A_53] : memref<512x256xf32, #tpu.memory_space<vmem>>, vector<512x256xf32>
    %convert_element_type3A_55 = arith.truncf %get3A_54 : vector<512x256xf32> to vector<512x256xbf16>
    %dot_general3A_56 = arith.constant dense<0.000000e+00> : vector<2048x512xf32>
    %dot_general3A_57 = tpu.matmul %convert_element_type3A_51, %convert_element_type3A_55, %dot_general3A_56 {dimension_numbers = #tpu.dot_dimension_numbers<[1], [1], [0], [0], [0, 0, 1, 0], [], []>, transpose_lhs_hint = false} : vector<2048x256xbf16>, vector<512x256xbf16>, vector<2048x512xf32> -> vector<2048x512xf32>
    %get3A_58 = arith.constant 0 : index
    %get3A_59 = arith.constant 0 : index
    %get3A_60 = vector.load %arg8[%get3A_58, %get3A_59] : memref<1x512xf32, #tpu.memory_space<vmem>>, vector<1x512xf32>
    %add3A_61 = vector.broadcast %get3A_60 : vector<1x512xf32> to vector<2048x512xf32>
    %add3A_62 = arith.addf %dot_general3A_57, %add3A_61 : vector<2048x512xf32>
    %get3A_63 = arith.constant 0 : index
    %get3A_64 = arith.constant 0 : index
    %get3A_65 = vector.load %arg11[%get3A_63, %get3A_64] : memref<2x512xf32, #tpu.memory_space<vmem>>, vector<1x512xf32>
    %get3A_66 = vector.shape_cast %get3A_65 : vector<1x512xf32> to vector<512xf32>
    %reduce_sum3A = arith.constant dense<0.000000e+00> : vector<512xf32>
    %reduce_sum3A_67 = vector.multi_reduction <add>, %add3A_62, %reduce_sum3A [0] : vector<2048x512xf32> to vector<512xf32>
    %add3A_68 = arith.addf %get3A_66, %reduce_sum3A_67 : vector<512xf32>
    %swap3A = arith.constant 0 : index
    %swap3A_69 = arith.constant 0 : index
    %swap3A_70 = vector.load %arg11[%swap3A, %swap3A_69] : memref<2x512xf32, #tpu.memory_space<vmem>>, vector<1x512xf32>
    %swap3A_71 = vector.shape_cast %swap3A_70 : vector<1x512xf32> to vector<512xf32>
    %swap3A_72 = vector.shape_cast %add3A_68 : vector<512xf32> to vector<1x512xf32>
    tpu.vector_store %arg11[%swap3A, %swap3A_69], %swap3A_72 {strides = array<i32>} : memref<2x512xf32, #tpu.memory_space<vmem>>, vector<1x512xf32>,
    %get3A_73 = arith.constant 1 : index
    %get3A_74 = arith.constant 0 : index
    %get3A_75 = vector.load %arg11[%get3A_73, %get3A_74] : memref<2x512xf32, #tpu.memory_space<vmem>>, vector<1x512xf32>
    %get3A_76 = vector.shape_cast %get3A_75 : vector<1x512xf32> to vector<512xf32>
    %mul3A_77 = arith.mulf %add3A_62, %add3A_62 : vector<2048x512xf32>
    %reduce_sum3A_78 = arith.constant dense<0.000000e+00> : vector<512xf32>
    %reduce_sum3A_79 = vector.multi_reduction <add>, %mul3A_77, %reduce_sum3A_78 [0] : vector<2048x512xf32> to vector<512xf32>
    %add3A_80 = arith.addf %get3A_76, %reduce_sum3A_79 : vector<512xf32>
    %swap3A_81 = arith.constant 1 : index
    %swap3A_82 = arith.constant 0 : index
    %swap3A_83 = vector.load %arg11[%swap3A_81, %swap3A_82] : memref<2x512xf32, #tpu.memory_space<vmem>>, vector<1x512xf32>
    %swap3A_84 = vector.shape_cast %swap3A_83 : vector<1x512xf32> to vector<512xf32>
    %swap3A_85 = vector.shape_cast %add3A_80 : vector<512xf32> to vector<1x512xf32>
    tpu.vector_store %arg11[%swap3A_81, %swap3A_82], %swap3A_85 {strides = array<i32>} : memref<2x512xf32, #tpu.memory_space<vmem>>, vector<1x512xf32>,
    %reshape3A_86 = vector.shape_cast %add3A_62 : vector<2048x512xf32> to vector<32x64x512xf32>
    %reduce_max3A = arith.constant dense<0xFF800000> : vector<32x512xf32>
    %reduce_max3A_87 = vector.multi_reduction <maximumf>, %reshape3A_86, %reduce_max3A [1] : vector<32x64x512xf32> to vector<32x512xf32>
    %swap3A_88 = arith.constant 0 : index
    %swap3A_89 = arith.constant 0 : index
    %swap3A_90 = vector.load %arg9[%swap3A_88, %swap3A_89] : memref<32x512xf32, #tpu.memory_space<vmem>>, vector<32x512xf32>
    tpu.vector_store %arg9[%swap3A_88, %swap3A_89], %reduce_max3A_87 {strides = array<i32>} : memref<32x512xf32, #tpu.memory_space<vmem>>, vector<32x512xf32>,
    %reduce_min3A = arith.constant dense<0x7F800000> : vector<32x512xf32>
    %reduce_min3A_91 = vector.multi_reduction <minimumf>, %reshape3A_86, %reduce_min3A [1] : vector<32x64x512xf32> to vector<32x512xf32>
    %swap3A_92 = arith.constant 0 : index
    %swap3A_93 = arith.constant 0 : index
    %swap3A_94 = vector.load %arg10[%swap3A_92, %swap3A_93] : memref<32x512xf32, #tpu.memory_space<vmem>>, vector<32x512xf32>
    tpu.vector_store %arg10[%swap3A_92, %swap3A_93], %reduce_min3A_91 {strides = array<i32>} : memref<32x512xf32, #tpu.memory_space<vmem>>, vector<32x512xf32>,
    return
  }
  func.func @transform_0(%arg0: i32) -> (i32, i32) {
    %c0_i32 = arith.constant 0 : i32
    %c0_i32_0 = arith.constant 0 : i32
    return %arg0, %c0_i32 : i32, i32
  }
  func.func @transform_1(%arg0: i32) -> (i32, i32) {
    %c0_i32 = arith.constant 0 : i32
    %c0_i32_0 = arith.constant 0 : i32
    return %arg0, %c0_i32 : i32, i32
  }
  func.func @transform_2(%arg0: i32) -> (i32, i32) {
    %c0_i32 = arith.constant 0 : i32
    %c0_i32_0 = arith.constant 0 : i32
    %c0_i32_1 = arith.constant 0 : i32
    return %c0_i32, %c0_i32_0 : i32, i32
  }
  func.func @transform_3(%arg0: i32) -> (i32, i32) {
    %c0_i32 = arith.constant 0 : i32
    %c0_i32_0 = arith.constant 0 : i32
    %c0_i32_1 = arith.constant 0 : i32
    return %c0_i32, %c0_i32_0 : i32, i32
  }
  func.func @transform_4(%arg0: i32) -> (i32, i32) {
    %c0_i32 = arith.constant 0 : i32
    %c0_i32_0 = arith.constant 0 : i32
    %c0_i32_1 = arith.constant 0 : i32
    return %c0_i32, %c0_i32_0 : i32, i32
  }
  func.func @transform_5(%arg0: i32) -> (i32, i32) {
    %c0_i32 = arith.constant 0 : i32
    %c0_i32_0 = arith.constant 0 : i32
    %c0_i32_1 = arith.constant 0 : i32
    return %c0_i32, %c0_i32_0 : i32, i32
  }
  func.func @transform_6(%arg0: i32) -> (i32, i32) {
    %c0_i32 = arith.constant 0 : i32
    %c0_i32_0 = arith.constant 0 : i32
    %c0_i32_1 = arith.constant 0 : i32
    return %c0_i32, %c0_i32_0 : i32, i32
  }
  func.func @transform_7(%arg0: i32) -> (i32, i32) {
    %c0_i32 = arith.constant 0 : i32
    %c0_i32_0 = arith.constant 0 : i32
    %c0_i32_1 = arith.constant 0 : i32
    return %c0_i32, %c0_i32_0 : i32, i32
  }
  func.func @transform_8(%arg0: i32) -> (i32, i32) {
    %c0_i32 = arith.constant 0 : i32
    %c0_i32_0 = arith.constant 0 : i32
    return %arg0, %c0_i32 : i32, i32
  }
  func.func @transform_9(%arg0: i32) -> (i32, i32) {
    %c0_i32 = arith.constant 0 : i32
    %c0_i32_0 = arith.constant 0 : i32
    return %arg0, %c0_i32 : i32, i32
  }
  func.func @transform_10(%arg0: i32) -> (i32, i32) {
    %c0_i32 = arith.constant 0 : i32
    %c0_i32_0 = arith.constant 0 : i32
    %c0_i32_1 = arith.constant 0 : i32
    return %c0_i32, %c0_i32_0 : i32, i32
  }
}

module attributes {stable_mosaic.version = 14 : i64} {
  func.func @_fin_body(%arg0: i32, %arg1: memref<512x512xf32, #tpu.memory_space<vmem>>, %arg2: memref<512x512xf32, #tpu.memory_space<vmem>>, %arg3: memref<2x512xf32, #tpu.memory_space<vmem>>, %arg4: memref<1x512x512xf32, #tpu.memory_space<vmem>>) attributes {dimension_semantics = [#tpu.dimension_semantics<arbitrary>], iteration_bounds = array<i64: 8>, scalar_prefetch = 0 : i64, scratch_operands = 0 : i64, tpu.core_type = #tpu.core_type<tc>, window_params = [{transform_indices = @transform_0, window_bounds = array<i64: 512, 512>}, {transform_indices = @transform_1, window_bounds = array<i64: 512, 512>}, {pipeline_mode = #tpu.pipeline_mode<synchronous>, transform_indices = @transform_2, window_bounds = array<i64: 2, 512>}, {transform_indices = @transform_3, window_bounds = array<i64: 1, 512, 512>}]} {
    %get3A = arith.constant 0 : index
    %get3A_0 = arith.constant 0 : index
    %get3A_1 = vector.load %arg3[%get3A, %get3A_0] : memref<2x512xf32, #tpu.memory_space<vmem>>, vector<1x512xf32>
    %get3A_2 = vector.shape_cast %get3A_1 : vector<1x512xf32> to vector<512xf32>
    %broadcast_in_dim3A = vector.shape_cast %get3A_2 : vector<512xf32> to vector<1x512xf32>
    %get3A_3 = arith.constant 1 : index
    %get3A_4 = arith.constant 0 : index
    %get3A_5 = vector.load %arg3[%get3A_3, %get3A_4] : memref<2x512xf32, #tpu.memory_space<vmem>>, vector<1x512xf32>
    %get3A_6 = vector.shape_cast %get3A_5 : vector<1x512xf32> to vector<512xf32>
    %broadcast_in_dim3A_7 = vector.shape_cast %get3A_6 : vector<512xf32> to vector<1x512xf32>
    %gt3A = arith.constant 0.000000e+00 : f32
    %gt3A_8 = vector.broadcast %gt3A : f32 to vector<1x512xf32>
    %gt3A_9 = arith.cmpf ogt, %broadcast_in_dim3A, %gt3A_8 : vector<1x512xf32>
    %get3A_10 = arith.constant 0 : index
    %get3A_11 = arith.constant 0 : index
    %get3A_12 = vector.load %arg1[%get3A_10, %get3A_11] : memref<512x512xf32, #tpu.memory_space<vmem>>, vector<512x512xf32>
    %get3A_13 = arith.constant 0 : index
    %get3A_14 = arith.constant 0 : index
    %get3A_15 = vector.load %arg2[%get3A_13, %get3A_14] : memref<512x512xf32, #tpu.memory_space<vmem>>, vector<512x512xf32>
    %broadcast_in_dim3A_16 = vector.shape_cast %gt3A_9 : vector<1x512xi1> to vector<1x512xi1>
    %broadcast_in_dim3A_17 = vector.broadcast %broadcast_in_dim3A_16 : vector<1x512xi1> to vector<512x512xi1>
    %select_n3A = arith.select %broadcast_in_dim3A_17, %get3A_12, %get3A_15 : vector<512x512xi1>, vector<512x512xf32>
    %mul3A = vector.broadcast %broadcast_in_dim3A : vector<1x512xf32> to vector<512x512xf32>
    %mul3A_18 = arith.mulf %select_n3A, %mul3A : vector<512x512xf32>
    %add3A = vector.broadcast %broadcast_in_dim3A_7 : vector<1x512xf32> to vector<512x512xf32>
    %add3A_19 = arith.addf %mul3A_18, %add3A : vector<512x512xf32>
    %max3A = arith.constant 0.000000e+00 : f32
    %max3A_20 = vector.broadcast %max3A : f32 to vector<512x512xf32>
    %max3A_21 = arith.maximumf %add3A_19, %max3A_20 : vector<512x512xf32>
    %transpose3A = tpu.transpose %max3A_21, [1, 0] : vector<512x512xf32> -> vector<512x512xf32>
    %swap3A = arith.constant 0 : index
    %swap3A_22 = arith.constant 0 : index
    %swap3A_23 = arith.constant 0 : index
    %swap3A_24 = vector.load %arg4[%swap3A, %swap3A_22, %swap3A_23] : memref<1x512x512xf32, #tpu.memory_space<vmem>>, vector<1x512x512xf32>
    %swap3A_25 = vector.shape_cast %swap3A_24 : vector<1x512x512xf32> to vector<512x512xf32>
    %swap3A_26 = vector.shape_cast %transpose3A : vector<512x512xf32> to vector<1x512x512xf32>
    tpu.vector_store %arg4[%swap3A, %swap3A_22, %swap3A_23], %swap3A_26 {strides = array<i32>} : memref<1x512x512xf32, #tpu.memory_space<vmem>>, vector<1x512x512xf32>,
    return
  }
  func.func @transform_0(%arg0: i32) -> (i32, i32) {
    %c0_i32 = arith.constant 0 : i32
    %c0_i32_0 = arith.constant 0 : i32
    return %arg0, %c0_i32 : i32, i32
  }
  func.func @transform_1(%arg0: i32) -> (i32, i32) {
    %c0_i32 = arith.constant 0 : i32
    %c0_i32_0 = arith.constant 0 : i32
    return %arg0, %c0_i32 : i32, i32
  }
  func.func @transform_2(%arg0: i32) -> (i32, i32) {
    %c0_i32 = arith.constant 0 : i32
    %c0_i32_0 = arith.constant 0 : i32
    %c0_i32_1 = arith.constant 0 : i32
    return %c0_i32, %c0_i32_0 : i32, i32
  }
  func.func @transform_3(%arg0: i32) -> (i32, i32, i32) {
    %c0_i32 = arith.constant 0 : i32
    %c0_i32_0 = arith.constant 0 : i32
    %c0_i32_1 = arith.constant 0 : i32
    return %arg0, %c0_i32, %c0_i32_0 : i32, i32, i32
  }
}

</mosaic_0001>

<sc_bundles>
// kernel: kernel.9.cloned.1.call-start
scs
__scs_entry_jumppad:
0x0: {  	(pc) =	sbr.rel $0x88, $3  }
0x1: {  	(tag) =	ssettag $0x0;
	lr =	simm.s32 $0x1  }
0x2: {  	[smem:$0x3F93] =	sst lr;
	_ =	strace $0xD0000000  }
0x3: {  	_ = 	snop  }
0x4: {  	_ = 	snop  }
0x5: {  	_ = 	snop  }
0x6: {  	_ = 	snop  }
0x7: {  	_ = 	snop  }
__scs_overlays_trampoline_lowered:
0x8: {  	[smem:$0x3FA2] =	sst s0  }
0x9: {  	[smem:$0x3FA3] =	sst s1  }
0xa: {  	[smem:$0x3FA4] =	sst s2  }
0xb: {  	[smem:$0x3FA5] =	sst s3  }
0xc: {  	[smem:$0x3FA6] =	sst s4  }
0xd: {  	[smem:$0x3FA7] =	sst s5  }
0xe: {  	[smem:$0x3FA8] =	sst s6  }
0xf: {  	[smem:$0x3FA9] =	sst s7  }
0x10: {  	[smem:$0x3FAA] =	sst s8  }
0x11: {  	[smem:$0x3FAB] =	sst s9;
	s0 =	simm.s32 @!p0 $0x0  }
0x12: {  	s1 =	sld [smem:$0x3F91];
	s0 =	simm.s32 @p0 $0x1  }
0x13: {  	[smem:$0x3FAC] =	sst s0;
	s0 =	simm.s32 @!p1 $0x0  }
0x14: {  	s2 =	sld [smem:$0x3F90];
	s0 =	simm.s32 @p1 $0x1  }
0x15: {  	[smem:$0x3FAD] =	sst s0;
	s0 =	simm.s32 @!p2 $0x0  }
0x16: {  	s3 =	sld [smem:$0x3FDB];
	s0 =	simm.s32 @p2 $0x1  }
0x17: {  	s4 =	simm.s32 $0x1BF5;
	[smem:$0x3FAF] =	sst s0  }
0x18: {  	s0 =	sld [smem:$0x3F92];
	_ =	swait.ge [sflag:s4], $0x0  }
0x19: {  	s7 =	sld [smem:$0x3F93]  }
0x1a: {  	s8 =	sadd.s32 $0xFFFFE003, lr  }
0x1b: {  	s9 =	sadd.s32 $0xFFFFFEF7, lr;
	s5 =	simm.s32 $0xFFFFFFFF;
	p2 =	slt.u32 s8, $0xFFFFF086  }
0x1c: {  	p1 =	slt.u32 s9, $0xF7A;
	s5 =	simm.s32 @!p2 $0x0  }
0x1d: {  	s5 =	simm.s32 @p1 $0x1;
	p0 =	seq.s32 s7, s2  }
0x1e: {  	s7 =	smul.u32 @!p0 $0xF7A, s2;
	p2 =	seq.s32 @!p0 s5, $0x0  }
0x1f: {  	s9 =	smul.u32 $0xF7A, s1;
	s8 =	simm.s32 @!p0 $0x1BF5;
	p2 =	por !p2, p0  }
0x20: {  	[sflag:s8] =	ssyncset.s32 @!p0 $0xFFFFF086;
	s6 =	sadd.s32 @!p0 s3, s7;
	s7 =	simm.s32 @!p0 $0x108  }
0x21: {  	s3 =	sadd.s32 s3, s9;
	s6 =	sadd.s32 @!p0 $0x88, s6;
	s7 =	simm.s32 @p2 $0x1082  }
0x22: {  	[simem:s7], [sflag:s8] =	dma.local @!p0 [hbm:s6], $0xF7A  }
0x23: {  	s9 =	sor.u32 $0xD0000000, s2;
	s6 =	simm.s32 $0x108;
	_ =	swait.ge @!p0 [sflag:s8], $0x0  }
0x24: {  	s3 =	sadd.s32 $0x88, s3;
	s6 =	simm.s32 @!p1 $0x1082;
	[sflag:s4] =	ssyncset.s32 $0xFFFFF086  }
0x25: {  	[simem:s6], [sflag:s4] =	dma.local [hbm:s3], $0xF7A  }
0x26: {  	[smem:$0x3F93] =	sst s1;
	(tag) =	ssettag s2;
	_ =	strace s9  }
0x27: {  	s1 =	sld [smem:$0x3FA3]  }
0x28: {  	s2 =	sld [smem:$0x3FA4]  }
0x29: {  	s4 =	sld [smem:$0x3FA6]  }
0x2a: {  	p0 =	seq.s32 s5, $0x0;
	s5 =	sld [smem:$0x3FA7]  }
0x2b: {  	s6 =	sld [smem:$0x3FA8]  }
0x2c: {  	s7 =	sld [smem:$0x3FA9]  }
0x2d: {  	s3 =	simm.s32 $0x108;
	s8 =	sld [smem:$0x3FAA]  }
0x2e: {  	s3 =	simm.s32 @!p0 $0x1082;
	s9 =	sld [smem:$0x3FAB]  }
0x2f: {  	lr =	sadd.s32 s0, s3;
	s0 =	sld [smem:$0x3FA2]  }
0x30: {  	s3 =	sld [smem:$0x3FA5]  }
0x31: {  	[smem:$0x3FAE] =	sst s10  }
0x32: {  	s10 =	sld [smem:$0x3FAC];
	_ =	sdelay $0x3  }
0x33: {  	p0 =	seq.s32 s10, $0x1;
	s10 =	sld [smem:$0x3FAE];
	_ =	sdelay $0x3  }
0x34: {  	[smem:$0x3FAE] =	sst s10  }
0x35: {  	s10 =	sld [smem:$0x3FAD];
	_ =	sdelay $0x3  }
0x36: {  	p1 =	seq.s32 s10, $0x1;
	s10 =	sld [smem:$0x3FAE];
	_ =	sdelay $0x3  }
0x37: {  	[smem:$0x3FAE] =	sst s10  }
0x38: {  	s10 =	sld [smem:$0x3FAF]  }
0x39: {  	_ = 	snop;
	(pc) =	sbr.ind lr, $3  }
0x3a: {  	_ = 	snop  }
0x3b: {  	_ = 	snop  }
0x3c: {  	p2 =	seq.s32 s10, $0x1;
	s10 =	sld [smem:$0x3FAE]  }
0x3d: {  	_ =	shalt  }
0x3e: {  	_ =	shalt  }
0x3f: {  	_ =	shalt  }
0x40: {  	_ =	shalt  }
0x41: {  	_ =	shalt  }
0x42: {  	_ =	shalt  }
0x43: {  	_ =	shalt  }
0x44: {  	_ =	shalt  }
0x45: {  	_ =	shalt  }
0x46: {  	_ =	shalt  }
0x47: {  	_ =	shalt  }
0x48: {  	_ =	shalt  }
0x49: {  	_ =	shalt  }
0x4a: {  	_ =	shalt  }
0x4b: {  	_ =	shalt  }
0x4c: {  	_ =	shalt  }
0x4d: {  	_ =	shalt  }
0x4e: {  	_ =	shalt  }
0x4f: {  	_ =	shalt  }
0x50: {  	_ =	shalt  }
0x51: {  	_ =	shalt  }
0x52: {  	_ =	shalt  }
0x53: {  	_ =	shalt  }
0x54: {  	_ =	shalt  }
0x55: {  	_ =	shalt  }
0x56: {  	_ =	shalt  }
0x57: {  	_ =	shalt  }
0x58: {  	_ =	shalt  }
0x59: {  	_ =	shalt  }
0x5a: {  	_ =	shalt  }
0x5b: {  	_ =	shalt  }
0x5c: {  	_ =	shalt  }
0x5d: {  	_ =	shalt  }
0x5e: {  	_ =	shalt  }
0x5f: {  	_ =	shalt  }
0x60: {  	_ =	shalt  }
0x61: {  	_ =	shalt  }
0x62: {  	_ =	shalt  }
0x63: {  	_ =	shalt  }
0x64: {  	_ =	shalt  }
0x65: {  	_ =	shalt  }
0x66: {  	_ =	shalt  }
0x67: {  	_ =	shalt  }
0x68: {  	_ =	shalt  }
0x69: {  	_ =	shalt  }
0x6a: {  	_ =	shalt  }
0x6b: {  	_ =	shalt  }
0x6c: {  	_ =	shalt  }
0x6d: {  	_ =	shalt  }
0x6e: {  	_ =	shalt  }
0x6f: {  	_ =	shalt  }
0x70: {  	_ =	shalt  }
0x71: {  	_ =	shalt  }
0x72: {  	_ =	shalt  }
0x73: {  	_ =	shalt  }
0x74: {  	_ =	shalt  }
0x75: {  	_ =	shalt  }
0x76: {  	_ =	shalt  }
0x77: {  	_ =	shalt  }
0x78: {  	_ =	shalt  }
0x79: {  	_ =	shalt  }
0x7a: {  	_ =	shalt  }
0x7b: {  	_ =	shalt  }
0x7c: {  	_ =	shalt  }
0x7d: {  	_ =	shalt  }
0x7e: {  	_ =	shalt  }
0x7f: {  	_ =	shalt  }
0x80: {  	_ =	shalt  }
0x81: {  	_ =	shalt  }
0x82: {  	_ =	shalt  }
0x83: {  	_ =	shalt  }
0x84: {  	_ =	shalt  }
0x85: {  	_ =	shalt  }
0x86: {  	_ =	shalt  }
0x87: {  	_ =	shalt  }
.Lfunc_end0:
.L_simem_size_0:
called_computation_lowered:
.L_overlay_start_0:
0x88: {  	s2 =	sld [smem:$0x3FD9]  }
0x89: {  	s3 =	sld [smem:$0x3FFE];
	_ =	sdelay $0x1  }
0x8a: {  	s1 =	srdreg.scid  }
0x8b: {  	s0 =	sand.u32 $0x1, s1  }
0x8c: {  	s14 =	sshll.u32 s0, $0xA;
	s2 =	sadd.s32 s3, s2  }
0x8d: {  	s2 =	sadd.s32 s2, s14  }
0x8e: {  	[smem:$0x3FBA] =	sst s2  }
0x8f: {  	_ = 	snop  }
0x90: {  	s2 =	sld [smem:$0x3FD0];
	_ =	sdelay $0x2  }
0x91: {  	s15 =	simm.s32 $0xA;
	s4 =	simm.s32 $0x10  }
0x92: {  	[smem:s4], [sflag:s15] =	dma.local [hbm:s2], $0x1  }
0x93: {  	_ =	swait.eq [sflag:s15], $0x1  }
0x94: {  	[sflag:s15] =	ssyncset.done $0x0  }
0x95: {  	[sflag:s15] =	ssyncadd.s32 $0xFFFFFFFF  }
0x96: {  	s16 =	sld [smem:$0x11];
	(tm) =	ssettm $0x1  }
0x97: {  	s17 =	sld [smem:$0x3FFB];
	_ =	sdelay $0x3  }
0x98: {  	_ =	strace s17  }
0x99: {  	s3 =	sld [smem:$0x3FFC];
	_ =	sdelay $0x3  }
0x9a: {  	_ =	strace s3  }
0x9b: {  	s3 =	sld [smem:$0x3FFD];
	_ =	sdelay $0x3  }
0x9c: {  	_ =	strace s3  }
0x9d: {  	_ =	strace $0x8FFFFFFF  }
0x9e: {  	s18 =	sld [smem:$0x3FDB];
	_ =	sdelay $0x1  }
0x9f: {  	s19 =	simm.s32 $_scs_section_size  }
0xa0: {  	s5 =	simm.s32 $_size__tile_overlayer_lowered;
	s6 =	simm.s32 $_tile_overlayer_lowered  }
0xa1: {  	s22 =	simm.s32 $0x1BFF;
	s21 =	sshll.u32 s6, $0x1;
	s3 =	sadd.s32 s19, s18  }
0xa2: {  	s7 =	simm.s32 $0x0;
	s20 =	sshll.u32 s5, $0x1;
	s5 =	sadd.s32 s21, s3  }
0xa3: {  	[timem:s7], [sflag:s22] =	dma.local [hbm:s5], s20  }
0xa4: {  	_ =	swait.ge [sflag:s22], s20  }
0xa5: {  	s4 =	ssub.s32 $0x0, s20;
	[sflag:s22] =	ssyncset.done $0x0  }
0xa6: {  	[sflag:s22] =	ssyncadd.s32 s4;
	_ =	sdelay $0x1  }
0xa7: {  	s23 =	simm.s32 $0x1B8B  }
0xa8: {  	_ =	swait.ge [sflag:s23], $0x1  }
0xa9: {  	[sflag:s23] =	ssyncset.done $0x0  }
0xaa: {  	s25 =	simm.s32 $0x1B8E;
	s24 =	sld [smem:$0x3FFE];
	[sflag:s23] =	ssyncadd.s32 $0xFFFFFFFF  }
0xab: {  	s26 =	simm.s32 $execute0_lowered;
	[smem:$0x3FD2] =	sst s25  }
0xac: {  	s5 =	sshll.u32 s26, $0x1;
	_ =	strace $0x80000046;
	[dreg:$0x1] =	wrdreg $0xFFFFFFFF  }
0xad: {  	s28 =	simm.s32 $_size_execute0_lowered;
	s3 =	sadd.s32 s3, s5;
	[dreg:$0x0] =	wrdreg $0x0  }
0xae: {  	s5 =	sshll.u32 s28, $0x1;
	[dreg:$0x2] =	wrdreg s3  }
0xaf: {  	[dreg:$0x3] =	wrdreg s5  }
0xb0: {  	[dreg:$0x4] =	wrdreg $0xC0  }
0xb1: {  	_ =	task [dreg:s7], $0x5FFFF  }
0xb2: {  	[dreg:$0x1] =	wrdreg $0xFFFFFFFF  }
0xb3: {  	[dreg:$0x0] =	wrdreg $0x60  }
0xb4: {  	[dreg:$0x2] =	wrdreg s24  }
0xb5: {  	[dreg:$0x3] =	wrdreg s16  }
0xb6: {  	[dreg:$0x4] =	wrdreg $0x9  }
0xb7: {  	_ =	task.clear_ibuf [dreg:s7], $0x5FFFF;
	_ =	strace $0x90000046  }
0xb8: {  	s29 =	simm.s32 $0x9;
	_ =	strace $0x80000048  }
0xb9: {  	_ =	swait.ge [sflag:s29], $0x1  }
0xba: {  	[sflag:s29] =	ssyncadd.s32 $0xFFFFFFFF  }
0xbb: {  	_ =	strace $0x90000048  }
0xbc: {  	_ =	sfence  }
0xbd: {  	s30 =	sld [smem:$0x0];
	_ =	sdelay $0x2  }
0xbe: {  	s31 =	sshll.u32 s1, $0xD;
	s1 =	sshrl.u32 s1, $0x2  }
0xbf: {  	s3 =	sand.u32 $0x4000, s31;
	s1 =	sadd.s32 s1, s30  }
0xc0: {  	s0 =	sor.u32 s3, s0;
	s1 =	sshll.u32 s1, $0x11  }
0xc1: {  	s0 =	sor.u32 s1, s0  }
0xc2: {  	s0 =	sadd.s32 $0x8F2B, s0  }
0xc3: {  	[sflag:s0] =	ssyncadd.remote.s32 $0x1  }
0xc4: {  	_ =	sfence.sel $0xFFFF  }
0xc5: {  	[dreg:$0x0] =	wrdreg $0xFFFFFFFF;
	(pc) =	sbr.abs _section_cstart, $3  }
0xc6: {  	[dreg:$0x1] =	wrdreg $0xFFFFFFFF  }
0xc7: {  	_ =	task.clear_ibuf [dreg:s7], $0x2FFFF;
	_ =	strace $0x9FFFFFFF  }
0xc8: {  	(tm) =	ssettm $0x7FFFFFFF  }
0xc9: {  	_ =	shalt  }
tec
execute0_lowered:
.L_overlay_start_1:
0x0: {  	(tag) =	ssettag $0x1  }
0x1: {  	s0 =	rddreg [dreg:$0x0]  }
0x2: {  	s1 =	rddreg [dreg:$0x1]  }
0x3: {  	s3 =	simm.s32 $0x0;
	s7 =	stileid.u32;
	s2 =	srdreg.scid  }
0x4: {  	s18 =	simm.s32 $0x6;
	s19 =	simm.s32 $0x80;
	s20 =	simm.s32 $0x400  }
0x5: {  	s28 =	simm.s32 $0x2180;
	s29 =	simm.s32 $0x2;
	s30 =	simm.s32 $0x3  }
0x6: {  	s31 =	simm.s32 $0x2100;
	[smem:$0x7FF] =	sst s3;
	s4 =	sadd.s32 $0x3A00, s0  }
0x7: {  	s5 =	sshll.u32 s7, $0x7;
	s2 =	sand.u32 $0x1, s2;
	s13 =	sadd.s32 $0x114600, s0  }
0x8: {  	s7 =	sshll.u32 s7, $0x1;
	_ =	strace $0x80000047;
	s5 =	sand.u32 $0x700, s5  }
0x9: {  	s6 =	ssub.s32 $0x2, s2;
	s2 =	sor.u32 s2, s7;
	s7 =	simm.s32 $0x5  }
0xa: {  	s8 =	sadd.s32 s5, s0;
	s9 =	sshrl.u32 s6, $0x1;
	s5 =	sadd.s32 $0x114200, s0  }
0xb: {  	s22 =	sshll.u32 s2, $0xF;
	s21 =	ssub.s32 s6, s9;
	s8 =	sadd.s32 $0x113A00, s8  }
0xc: {  	s6 =	sshll.u32 s2, $0x7;
	s2 =	sshll.u32 s2, $0x11;
	[dreg:$0x3] =	wrdreg s8  }
0xd: {  	s8 =	sadd.s32 s4, s22;
	s11 =	sadd.s32 s5, s2;
	s0 =	sadd.s32 s2, s13  }
0xe: {  	s17 =	smax.u32 s21, $0x1;
	s9 =	sadd.s32 $0x10, s8;
	[dreg:$0x7] =	wrdreg s0  }
0xf: {  	s21 =	simm.s32 $0x800;
	s23 =	sadd.s32 $0x20, s8;
	[dreg:$0x4] =	wrdreg s9  }
0x10: {  	s22 =	simm.s32 $0x1;
	s24 =	sadd.s32 $0x30, s8;
	[dreg:$0x5] =	wrdreg s23  }
0x11: {  	s2 =	simm.s32 $0x4;
	s25 =	sadd.s32 $0x1F800, s11;
	[dreg:$0x6] =	wrdreg s24  }
0x12: {  	s26 =	sadd.s32 $0x1FC00, s11;
	s0 =	simm.s32 $0x4180;
	[dreg:$0x8] =	wrdreg s25  }
0x13: {  	v0 =	vimm.s32 $0x0;
	v1 =	vlaneseq.u32;
	[dreg:$0x9] =	wrdreg s26;
	s23 =	simm.s32 $0x1000;
	s24 =	simm.s32 $0x1800  }
0x14: {  	v2 =	vor.u32 $0x10, v1;
	v3 =	vor.u32 $0x20, v1;
	v4 =	vor.u32 $0x30, v1;
	s25 =	simm.s32 $0x40;
	s26 =	simm.s32 $0x2080;
	s9 =	simm.s32 $0x0  }
.LBB2_1:
0x15: {  	s10 =	rddreg [dreg:$0x3]  }
0x16: {  	[tilespmem:s3], [sflag:$0x6] =	stream.linear.gather [hbm4b:s10+s3], $0x800, $0x38;
	[tilespmem:$0x6180] =	vst v63  }
0x17: {  	_ =	swait.ge [sflag:s18], $0x800  }
0x18: {  	[sflag:s18] =	ssyncset.done $0x0  }
0x19: {  	[sflag:s18] =	ssyncadd.s32 $0xFFFFF800  }
0x1a: {  	[tilespmem:s21], [sflag:$0x1] =	stream.strided.gather [hbm4b:s8+s19], $0x800, s20, s19, $0x38;
	[tilespmem:$0x6180] =	vst v63  }
0x1b: {  	_ =	swait.ge [sflag:s22], $0x800  }
0x1c: {  	[sflag:s22] =	ssyncset.done $0x0  }
0x1d: {  	s10 =	simm.s32 $0x0;
	s16 =	rddreg [dreg:$0x4];
	[sflag:s22] =	ssyncadd.s32 $0xFFFFF800  }
0x1e: {  	v5 =	vimm.s32 $0x0;
	[tilespmem:s23], [sflag:$0x2] =	stream.strided.gather [hbm4b:s16+s19], $0x800, s20, s19, $0x38;
	[tilespmem:$0x6180] =	vst v63  }
.LBB2_2:
0x1f: {  	s12 =	sshra.s32 s10, $0x2  }
0x20: {  	v6 =	vld [tilespmem:s12+$0x800];
	_ =	sdelay $0x4  }
0x21: {  	vm0 =	vle.f32 v6, $2.500000000e-01  }
0x22: {  	v6 =	vsel vm0, $0x1, v0  }
0x23: {  	(xrf0) =	vadd.scan.msk.s32 $0xffff, v6;
	_ =	sdelay $0x5  }
0x24: {  	v6, _, _ =	vpop (xrf0)  }
0x25: {  	v6 =	vadd.s32 v6, v5  }
0x26: {  	v7 =	vld [tilespmem:s12+$0x0];
	v6 =	vadd.s32 $0xFFFFFFFF, v6;
	_ =	sdelay $0x4  }
0x27: {  	[tilespmem:v6+s24+$0x0] =	vst.idx.msk vm0, v7  }
0x28: {  	v6 =	vld [tilespmem:s12+$0x810];
	_ =	sdelay $0x4  }
0x29: {  	vm1 =	vle.f32 v6, $2.500000000e-01  }
0x2a: {  	v6 =	vsel vm1, $0x1, v0  }
0x2b: {  	(xrf0) =	vadd.scan.msk.s32 $0xffff, v6;
	_ =	sdelay $0x1  }
0x2c: {  	v6 =	vmpcnt.ones.xlane vm0;
	_ =	sdelay $0x3  }
0x2d: {  	v5 =	vadd.s32 v5, v6;
	v6, _, _ =	vpop (xrf0)  }
0x2e: {  	v6 =	vadd.s32 v6, v5  }
0x2f: {  	v7 =	vld [tilespmem:s12+$0x10];
	v6 =	vadd.s32 $0xFFFFFFFF, v6;
	_ =	sdelay $0x4  }
0x30: {  	[tilespmem:v6+s24+$0x0] =	vst.idx.msk vm1, v7  }
0x31: {  	v6 =	vld [tilespmem:s12+$0x820];
	_ =	sdelay $0x4  }
0x32: {  	vm14 =	vle.f32 v6, $2.500000000e-01  }
0x33: {  	v6 =	vsel vm14, $0x1, v0  }
0x34: {  	(xrf0) =	vadd.scan.msk.s32 $0xffff, v6;
	_ =	sdelay $0x1  }
0x35: {  	v6 =	vmpcnt.ones.xlane vm1;
	_ =	sdelay $0x3  }
0x36: {  	v5 =	vadd.s32 v5, v6;
	v6, _, _ =	vpop (xrf0)  }
0x37: {  	v6 =	vadd.s32 v6, v5  }
0x38: {  	v7 =	vld [tilespmem:s12+$0x20];
	v6 =	vadd.s32 $0xFFFFFFFF, v6;
	_ =	sdelay $0x4  }
0x39: {  	[tilespmem:v6+s24+$0x0] =	vst.idx.msk vm14, v7  }
0x3a: {  	v6 =	vld [tilespmem:s12+$0x830];
	_ =	sdelay $0x4  }
0x3b: {  	vm15 =	vle.f32 v6, $2.500000000e-01  }
0x3c: {  	v6 =	vsel vm15, $0x1, v0  }
0x3d: {  	(xrf0) =	vadd.scan.msk.s32 $0xffff, v6;
	_ =	sdelay $0x1  }
0x3e: {  	v6 =	vmpcnt.ones.xlane vm14;
	_ =	sdelay $0x3  }
0x3f: {  	v5 =	vadd.s32 v5, v6;
	v6, _, _ =	vpop (xrf0)  }
0x40: {  	v6 =	vadd.s32 v6, v5  }
0x41: {  	p0 =	sne.s32 s10, $0x1F00;
	v7 =	vld [tilespmem:s12+$0x30];
	v6 =	vadd.s32 $0xFFFFFFFF, v6  }
.Ltmp0:
0x42: {  	_ = 	snop;
	(pc) =	sbr.rel @p0 .LBB2_2-.Ltmp0, $3  }
0x43: {  	_ = 	snop  }
0x44: {  	v8 =	vmpcnt.ones.xlane vm15;
	_ =	sdelay $0x1  }
0x45: {  	s10 =	sadd.s32 $0x100, s10;
	v5 =	vadd.s32 v5, v8;
	[tilespmem:v6+s24+$0x0] =	vst.idx.msk vm15, v7  }
0x46: {  	vm0 =	vgt.s32 v5, v1  }
0x47: {  	v6 =	vnsel vm0, $0x0, v1;
	_ =	sdelay $0x4  }
0x48: {  	vm13 =	vgt.s32 v5, v2;
	v6 =	vld.idx.msk [tilespmem:v6+s24+$0x0], $0xffff  }
0x49: {  	v7 =	vnsel vm13, $0x0, v2;
	_ =	sdelay $0x3  }
0x4a: {  	[tilespmem:$0x2080] =	vst v6  }
0x4b: {  	vm14 =	vgt.s32 v5, v3;
	v6 =	vld.idx.msk [tilespmem:v7+s24+$0x0], $0xffff  }
0x4c: {  	v7 =	vnsel vm14, $0x0, v3;
	_ =	sdelay $0x3  }
0x4d: {  	[tilespmem:$0x2090] =	vst v6  }
0x4e: {  	vm15 =	vgt.s32 v5, v4;
	v6 =	vld.idx.msk [tilespmem:v7+s24+$0x0], $0xffff  }
0x4f: {  	v5 =	vnsel vm15, $0x0, v4;
	_ =	sdelay $0x3  }
0x50: {  	[tilespmem:$0x20A0] =	vst v6  }
0x51: {  	v5 =	vld.idx.msk [tilespmem:v5+s24+$0x0], $0xffff;
	_ =	sdelay $0x4  }
0x52: {  	[tilespmem:$0x20B0] =	vst v5  }
0x53: {  	[tilespmem:s28], [sflag:$0x3] =	stream.indirect.gather [hbm4b:s1+s25], $0x80, s26, s25, $0xb8;
	[tilespmem:$0x6180] =	vst v63  }
0x54: {  	_ =	swait.ge [sflag:s29], $0x800  }
0x55: {  	[sflag:s29] =	ssyncset.done $0x0  }
0x56: {  	s10 =	rddreg [dreg:$0x5];
	[sflag:s29] =	ssyncadd.s32 $0xFFFFF800  }
0x57: {  	[tilespmem:s21], [sflag:$0x1] =	stream.strided.gather [hbm4b:s10+s19], $0x800, s20, s19, $0x38;
	[tilespmem:$0x6180] =	vst v63  }
0x58: {  	v5 =	vimm.s32 $0x0;
	s10 =	simm.s32 $0x0  }
.LBB2_4:
0x59: {  	s12 =	sshra.s32 s10, $0x2  }
0x5a: {  	v6 =	vld [tilespmem:s12+$0x1000];
	_ =	sdelay $0x4  }
0x5b: {  	vm0 =	vle.f32 v6, $2.500000000e-01  }
0x5c: {  	v6 =	vsel vm0, $0x1, v0  }
0x5d: {  	(xrf0) =	vadd.scan.msk.s32 $0xffff, v6;
	_ =	sdelay $0x5  }
0x5e: {  	v6, _, _ =	vpop (xrf0)  }
0x5f: {  	v6 =	vadd.s32 v6, v5  }
0x60: {  	v7 =	vld [tilespmem:s12+$0x0];
	v6 =	vadd.s32 $0xFFFFFFFF, v6;
	_ =	sdelay $0x4  }
0x61: {  	[tilespmem:v6+s24+$0x0] =	vst.idx.msk vm0, v7  }
0x62: {  	v6 =	vld [tilespmem:s12+$0x1010];
	_ =	sdelay $0x4  }
0x63: {  	vm1 =	vle.f32 v6, $2.500000000e-01  }
0x64: {  	v6 =	vsel vm1, $0x1, v0  }
0x65: {  	(xrf0) =	vadd.scan.msk.s32 $0xffff, v6;
	_ =	sdelay $0x1  }
0x66: {  	v6 =	vmpcnt.ones.xlane vm0;
	_ =	sdelay $0x3  }
0x67: {  	v5 =	vadd.s32 v5, v6;
	v6, _, _ =	vpop (xrf0)  }
0x68: {  	v6 =	vadd.s32 v6, v5  }
0x69: {  	v7 =	vld [tilespmem:s12+$0x10];
	v6 =	vadd.s32 $0xFFFFFFFF, v6;
	_ =	sdelay $0x4  }
0x6a: {  	[tilespmem:v6+s24+$0x0] =	vst.idx.msk vm1, v7  }
0x6b: {  	v6 =	vld [tilespmem:s12+$0x1020];
	_ =	sdelay $0x4  }
0x6c: {  	vm14 =	vle.f32 v6, $2.500000000e-01  }
0x6d: {  	v6 =	vsel vm14, $0x1, v0  }
0x6e: {  	(xrf0) =	vadd.scan.msk.s32 $0xffff, v6;
	_ =	sdelay $0x1  }
0x6f: {  	v6 =	vmpcnt.ones.xlane vm1;
	_ =	sdelay $0x3  }
0x70: {  	v5 =	vadd.s32 v5, v6;
	v6, _, _ =	vpop (xrf0)  }
0x71: {  	v6 =	vadd.s32 v6, v5  }
0x72: {  	v7 =	vld [tilespmem:s12+$0x20];
	v6 =	vadd.s32 $0xFFFFFFFF, v6;
	_ =	sdelay $0x4  }
0x73: {  	[tilespmem:v6+s24+$0x0] =	vst.idx.msk vm14, v7  }
0x74: {  	v6 =	vld [tilespmem:s12+$0x1030];
	_ =	sdelay $0x4  }
0x75: {  	vm15 =	vle.f32 v6, $2.500000000e-01  }
0x76: {  	v6 =	vsel vm15, $0x1, v0  }
0x77: {  	(xrf0) =	vadd.scan.msk.s32 $0xffff, v6;
	_ =	sdelay $0x1  }
0x78: {  	v6 =	vmpcnt.ones.xlane vm14;
	_ =	sdelay $0x3  }
0x79: {  	v5 =	vadd.s32 v5, v6;
	v6, _, _ =	vpop (xrf0)  }
0x7a: {  	v6 =	vadd.s32 v6, v5  }
0x7b: {  	p0 =	sne.s32 s10, $0x1F00;
	v7 =	vld [tilespmem:s12+$0x30];
	v6 =	vadd.s32 $0xFFFFFFFF, v6  }
.Ltmp1:
0x7c: {  	_ = 	snop;
	(pc) =	sbr.rel @p0 .LBB2_4-.Ltmp1, $3  }
0x7d: {  	_ = 	snop  }
0x7e: {  	v8 =	vmpcnt.ones.xlane vm15;
	_ =	sdelay $0x1  }
0x7f: {  	s10 =	sadd.s32 $0x100, s10;
	v5 =	vadd.s32 v5, v8;
	[tilespmem:v6+s24+$0x0] =	vst.idx.msk vm15, v7  }
0x80: {  	vm0 =	vgt.s32 v5, v1  }
0x81: {  	v6 =	vnsel vm0, $0x0, v1;
	_ =	sdelay $0x4  }
0x82: {  	vm13 =	vgt.s32 v5, v2;
	v6 =	vld.idx.msk [tilespmem:v6+s24+$0x0], $0xffff  }
0x83: {  	v7 =	vnsel vm13, $0x0, v2;
	_ =	sdelay $0x3  }
0x84: {  	[tilespmem:$0x2100] =	vst v6  }
0x85: {  	vm14 =	vgt.s32 v5, v3;
	v6 =	vld.idx.msk [tilespmem:v7+s24+$0x0], $0xffff  }
0x86: {  	v7 =	vnsel vm14, $0x0, v3;
	_ =	sdelay $0x3  }
0x87: {  	[tilespmem:$0x2110] =	vst v6  }
0x88: {  	vm15 =	vgt.s32 v5, v4;
	v6 =	vld.idx.msk [tilespmem:v7+s24+$0x0], $0xffff  }
0x89: {  	v5 =	vnsel vm15, $0x0, v4;
	_ =	sdelay $0x3  }
0x8a: {  	[tilespmem:$0x2120] =	vst v6  }
0x8b: {  	v5 =	vld.idx.msk [tilespmem:v5+s24+$0x0], $0xffff;
	_ =	sdelay $0x4  }
0x8c: {  	[tilespmem:$0x2130] =	vst v5  }
0x8d: {  	_ =	swait.ge [sflag:s30], $0x2000  }
0x8e: {  	[sflag:s30] =	ssyncset.done $0x0  }
0x8f: {  	s10 =	simm.s32 $0x0;
	[sflag:s30] =	ssyncadd.s32 $0xFFFFE000  }
0x90: {  	[hbm4b:s11+s10] =	stream.linear.scatter [tilespmem:s28], [sflag:$0x4], $0x2000, $0x38;
	[tilespmem:$0x6180] =	vst v63  }
0x91: {  	_ = 	snop  }
0x92: {  	[tilespmem:s0], [sflag:$0x3] =	stream.indirect.gather [hbm4b:s1+s25], $0x80, s31, s25, $0xb8;
	[tilespmem:$0x6180] =	vst v63  }
0x93: {  	_ =	swait.ge [sflag:s22], $0x800  }
0x94: {  	[sflag:s22] =	ssyncset.done $0x0  }
0x95: {  	s12 =	rddreg [dreg:$0x6];
	[sflag:s22] =	ssyncadd.s32 $0xFFFFF800  }
0x96: {  	v5 =	vimm.s32 $0x0;
	[tilespmem:s23], [sflag:$0x2] =	stream.strided.gather [hbm4b:s12+s19], $0x800, s20, s19, $0x38;
	[tilespmem:$0x6180] =	vst v63  }
.LBB2_6:
0x97: {  	s12 =	sshra.s32 s10, $0x2  }
0x98: {  	v6 =	vld [tilespmem:s12+$0x800];
	_ =	sdelay $0x4  }
0x99: {  	vm0 =	vle.f32 v6, $2.500000000e-01  }
0x9a: {  	v6 =	vsel vm0, $0x1, v0  }
0x9b: {  	(xrf0) =	vadd.scan.msk.s32 $0xffff, v6;
	_ =	sdelay $0x5  }
0x9c: {  	v6, _, _ =	vpop (xrf0)  }
0x9d: {  	v6 =	vadd.s32 v6, v5  }
0x9e: {  	v7 =	vld [tilespmem:s12+$0x0];
	v6 =	vadd.s32 $0xFFFFFFFF, v6;
	_ =	sdelay $0x4  }
0x9f: {  	[tilespmem:v6+s24+$0x0] =	vst.idx.msk vm0, v7  }
0xa0: {  	v6 =	vld [tilespmem:s12+$0x810];
	_ =	sdelay $0x4  }
0xa1: {  	vm1 =	vle.f32 v6, $2.500000000e-01  }
0xa2: {  	v6 =	vsel vm1, $0x1, v0  }
0xa3: {  	(xrf0) =	vadd.scan.msk.s32 $0xffff, v6;
	_ =	sdelay $0x1  }
0xa4: {  	v6 =	vmpcnt.ones.xlane vm0;
	_ =	sdelay $0x3  }
0xa5: {  	v5 =	vadd.s32 v5, v6;
	v6, _, _ =	vpop (xrf0)  }
0xa6: {  	v6 =	vadd.s32 v6, v5  }
0xa7: {  	v7 =	vld [tilespmem:s12+$0x10];
	v6 =	vadd.s32 $0xFFFFFFFF, v6;
	_ =	sdelay $0x4  }
0xa8: {  	[tilespmem:v6+s24+$0x0] =	vst.idx.msk vm1, v7  }
0xa9: {  	v6 =	vld [tilespmem:s12+$0x820];
	_ =	sdelay $0x4  }
0xaa: {  	vm14 =	vle.f32 v6, $2.500000000e-01  }
0xab: {  	v6 =	vsel vm14, $0x1, v0  }
0xac: {  	(xrf0) =	vadd.scan.msk.s32 $0xffff, v6;
	_ =	sdelay $0x1  }
0xad: {  	v6 =	vmpcnt.ones.xlane vm1;
	_ =	sdelay $0x3  }
0xae: {  	v5 =	vadd.s32 v5, v6;
	v6, _, _ =	vpop (xrf0)  }
0xaf: {  	v6 =	vadd.s32 v6, v5  }
0xb0: {  	v7 =	vld [tilespmem:s12+$0x20];
	v6 =	vadd.s32 $0xFFFFFFFF, v6;
	_ =	sdelay $0x4  }
0xb1: {  	[tilespmem:v6+s24+$0x0] =	vst.idx.msk vm14, v7  }
0xb2: {  	v6 =	vld [tilespmem:s12+$0x830];
	_ =	sdelay $0x4  }
0xb3: {  	vm15 =	vle.f32 v6, $2.500000000e-01  }
0xb4: {  	v6 =	vsel vm15, $0x1, v0  }
0xb5: {  	(xrf0) =	vadd.scan.msk.s32 $0xffff, v6;
	_ =	sdelay $0x1  }
0xb6: {  	v6 =	vmpcnt.ones.xlane vm14;
	_ =	sdelay $0x3  }
0xb7: {  	v5 =	vadd.s32 v5, v6;
	v6, _, _ =	vpop (xrf0)  }
0xb8: {  	v6 =	vadd.s32 v6, v5  }
0xb9: {  	p0 =	sne.s32 s10, $0x1F00;
	v7 =	vld [tilespmem:s12+$0x30];
	v6 =	vadd.s32 $0xFFFFFFFF, v6  }
.Ltmp2:
0xba: {  	_ = 	snop;
	(pc) =	sbr.rel @p0 .LBB2_6-.Ltmp2, $3  }
0xbb: {  	_ = 	snop  }
0xbc: {  	v8 =	vmpcnt.ones.xlane vm15;
	_ =	sdelay $0x1  }
0xbd: {  	s10 =	sadd.s32 $0x100, s10;
	v5 =	vadd.s32 v5, v8;
	[tilespmem:v6+s24+$0x0] =	vst.idx.msk vm15, v7  }
0xbe: {  	vm0 =	vgt.s32 v5, v1  }
0xbf: {  	v6 =	vnsel vm0, $0x0, v1;
	_ =	sdelay $0x4  }
0xc0: {  	vm13 =	vgt.s32 v5, v2;
	v6 =	vld.idx.msk [tilespmem:v6+s24+$0x0], $0xffff  }
0xc1: {  	v7 =	vnsel vm13, $0x0, v2;
	_ =	sdelay $0x3  }
0xc2: {  	[tilespmem:$0x2080] =	vst v6  }
0xc3: {  	vm14 =	vgt.s32 v5, v3;
	v6 =	vld.idx.msk [tilespmem:v7+s24+$0x0], $0xffff  }
0xc4: {  	v7 =	vnsel vm14, $0x0, v3;
	_ =	sdelay $0x3  }
0xc5: {  	[tilespmem:$0x2090] =	vst v6  }
0xc6: {  	vm15 =	vgt.s32 v5, v4;
	v6 =	vld.idx.msk [tilespmem:v7+s24+$0x0], $0xffff  }
0xc7: {  	v5 =	vnsel vm15, $0x0, v4;
	_ =	sdelay $0x3  }
0xc8: {  	[tilespmem:$0x20A0] =	vst v6  }
0xc9: {  	v5 =	vld.idx.msk [tilespmem:v5+s24+$0x0], $0xffff;
	_ =	sdelay $0x4  }
0xca: {  	[tilespmem:$0x20B0] =	vst v5  }
0xcb: {  	_ =	swait.ge [sflag:s30], $0x2000  }
0xcc: {  	[sflag:s30] =	ssyncset.done $0x0  }
0xcd: {  	s10 =	rddreg [dreg:$0x7];
	[sflag:s30] =	ssyncadd.s32 $0xFFFFE000  }
0xce: {  	[hbm4b:s10+s3] =	stream.linear.scatter [tilespmem:s0], [sflag:$0x5], $0x2000, $0x38;
	[tilespmem:$0x6180] =	vst v63  }
0xcf: {  	s10 =	simm.s32 $0x1  }
.LBB2_8:
0xd0: {  	_ =	swait.ge [sflag:s2], $0x2000;
	s12 =	sshll.u32 s10, $0x1  }
0xd1: {  	[sflag:s2] =	ssyncset.done $0x0;
	s12 =	sadd.s32 s6, s12  }
0xd2: {  	[sflag:s2] =	ssyncadd.s32 $0xFFFFE000;
	s14 =	sadd.s32 $0x2, s12  }
0xd3: {  	[tilespmem:s28], [sflag:$0x3] =	stream.indirect.gather [hbm4b:s1+s25], $0x80, s26, s25, $0xb8;
	[tilespmem:$0x6180] =	vst v63  }
0xd4: {  	s15 =	sshll.u32 s14, $0x4  }
0xd5: {  	s14 =	sshll.u32 s14, $0x8;
	_ =	swait.ge [sflag:s29], $0x800;
	s15 =	sand.u32 $0x60, s15  }
0xd6: {  	s14 =	sand.u32 $0xFFFF800, s14;
	[sflag:s29] =	ssyncset.done $0x0;
	s15 =	sadd.s32 s4, s15  }
0xd7: {  	[sflag:s29] =	ssyncadd.s32 $0xFFFFF800;
	s14 =	sadd.s32 s14, s15  }
0xd8: {  	[tilespmem:s21], [sflag:$0x1] =	stream.strided.gather [hbm4b:s14+s19], $0x800, s20, s19, $0x38;
	[tilespmem:$0x6180] =	vst v63  }
0xd9: {  	v5 =	vimm.s32 $0x0;
	s14 =	simm.s32 $0x0  }
.LBB2_9:
0xda: {  	s15 =	sshra.s32 s14, $0x2  }
0xdb: {  	v6 =	vld [tilespmem:s15+$0x1000];
	_ =	sdelay $0x4  }
0xdc: {  	vm0 =	vle.f32 v6, $2.500000000e-01  }
0xdd: {  	v6 =	vsel vm0, $0x1, v0  }
0xde: {  	(xrf0) =	vadd.scan.msk.s32 $0xffff, v6;
	_ =	sdelay $0x5  }
0xdf: {  	v6, _, _ =	vpop (xrf0)  }
0xe0: {  	v6 =	vadd.s32 v6, v5  }
0xe1: {  	v7 =	vld [tilespmem:s15+$0x0];
	v6 =	vadd.s32 $0xFFFFFFFF, v6;
	_ =	sdelay $0x4  }
0xe2: {  	[tilespmem:v6+s24+$0x0] =	vst.idx.msk vm0, v7  }
0xe3: {  	v6 =	vld [tilespmem:s15+$0x1010];
	_ =	sdelay $0x4  }
0xe4: {  	vm1 =	vle.f32 v6, $2.500000000e-01  }
0xe5: {  	v6 =	vsel vm1, $0x1, v0  }
0xe6: {  	(xrf0) =	vadd.scan.msk.s32 $0xffff, v6;
	_ =	sdelay $0x1  }
0xe7: {  	v6 =	vmpcnt.ones.xlane vm0;
	_ =	sdelay $0x3  }
0xe8: {  	v5 =	vadd.s32 v5, v6;
	v6, _, _ =	vpop (xrf0)  }
0xe9: {  	v6 =	vadd.s32 v6, v5  }
0xea: {  	v7 =	vld [tilespmem:s15+$0x10];
	v6 =	vadd.s32 $0xFFFFFFFF, v6;
	_ =	sdelay $0x4  }
0xeb: {  	[tilespmem:v6+s24+$0x0] =	vst.idx.msk vm1, v7  }
0xec: {  	v6 =	vld [tilespmem:s15+$0x1020];
	_ =	sdelay $0x4  }
0xed: {  	vm14 =	vle.f32 v6, $2.500000000e-01  }
0xee: {  	v6 =	vsel vm14, $0x1, v0  }
0xef: {  	(xrf0) =	vadd.scan.msk.s32 $0xffff, v6;
	_ =	sdelay $0x1  }
0xf0: {  	v6 =	vmpcnt.ones.xlane vm1;
	_ =	sdelay $0x3  }
0xf1: {  	v5 =	vadd.s32 v5, v6;
	v6, _, _ =	vpop (xrf0)  }
0xf2: {  	v6 =	vadd.s32 v6, v5  }
0xf3: {  	v7 =	vld [tilespmem:s15+$0x20];
	v6 =	vadd.s32 $0xFFFFFFFF, v6;
	_ =	sdelay $0x4  }
0xf4: {  	[tilespmem:v6+s24+$0x0] =	vst.idx.msk vm14, v7  }
0xf5: {  	v6 =	vld [tilespmem:s15+$0x1030];
	_ =	sdelay $0x4  }
0xf6: {  	vm15 =	vle.f32 v6, $2.500000000e-01  }
0xf7: {  	v6 =	vsel vm15, $0x1, v0  }
0xf8: {  	(xrf0) =	vadd.scan.msk.s32 $0xffff, v6;
	_ =	sdelay $0x1  }
0xf9: {  	v6 =	vmpcnt.ones.xlane vm14;
	_ =	sdelay $0x3  }
0xfa: {  	v5 =	vadd.s32 v5, v6;
	v6, _, _ =	vpop (xrf0)  }
0xfb: {  	v6 =	vadd.s32 v6, v5  }
0xfc: {  	p0 =	sne.s32 s14, $0x1F00;
	v7 =	vld [tilespmem:s15+$0x30];
	v6 =	vadd.s32 $0xFFFFFFFF, v6  }
.Ltmp3:
0xfd: {  	_ = 	snop;
	(pc) =	sbr.rel @p0 .LBB2_9-.Ltmp3, $3  }
0xfe: {  	_ = 	snop  }
0xff: {  	v8 =	vmpcnt.ones.xlane vm15;
	_ =	sdelay $0x1  }
0x100: {  	s14 =	sadd.s32 $0x100, s14;
	v5 =	vadd.s32 v5, v8;
	[tilespmem:v6+s24+$0x0] =	vst.idx.msk vm15, v7  }
0x101: {  	vm0 =	vgt.s32 v5, v1  }
0x102: {  	v6 =	vnsel vm0, $0x0, v1;
	_ =	sdelay $0x4  }
0x103: {  	vm13 =	vgt.s32 v5, v2;
	v6 =	vld.idx.msk [tilespmem:v6+s24+$0x0], $0xffff  }
0x104: {  	v7 =	vnsel vm13, $0x0, v2;
	_ =	sdelay $0x3  }
0x105: {  	[tilespmem:$0x2100] =	vst v6  }
0x106: {  	vm14 =	vgt.s32 v5, v3;
	v6 =	vld.idx.msk [tilespmem:v7+s24+$0x0], $0xffff  }
0x107: {  	v7 =	vnsel vm14, $0x0, v3;
	_ =	sdelay $0x3  }
0x108: {  	[tilespmem:$0x2110] =	vst v6  }
0x109: {  	vm15 =	vgt.s32 v5, v4;
	v6 =	vld.idx.msk [tilespmem:v7+s24+$0x0], $0xffff  }
0x10a: {  	v5 =	vnsel vm15, $0x0, v4;
	_ =	sdelay $0x3  }
0x10b: {  	[tilespmem:$0x2120] =	vst v6  }
0x10c: {  	v5 =	vld.idx.msk [tilespmem:v5+s24+$0x0], $0xffff;
	_ =	sdelay $0x4  }
0x10d: {  	[tilespmem:$0x2130] =	vst v5  }
0x10e: {  	s14 =	sshll.u32 s12, $0xA;
	_ =	swait.ge [sflag:s30], $0x2000  }
0x10f: {  	s14 =	sand.u32 $0x1FFFF800, s14;
	[sflag:s30] =	ssyncset.done $0x0  }
0x110: {  	s15 =	simm.s32 $0x0;
	s16 =	sadd.s32 s5, s14;
	[sflag:s30] =	ssyncadd.s32 $0xFFFFE000  }
0x111: {  	[hbm4b:s16+s15] =	stream.linear.scatter [tilespmem:s28], [sflag:$0x4], $0x2000, $0x38;
	[tilespmem:$0x6180] =	vst v63  }
0x112: {  	_ =	swait.ge [sflag:s7], $0x2000  }
0x113: {  	s12 =	sadd.s32 $0x3, s12;
	[sflag:s7] =	ssyncset.done $0x0  }
0x114: {  	s16 =	sshll.u32 s12, $0x4;
	[sflag:s7] =	ssyncadd.s32 $0xFFFFE000  }
0x115: {  	[tilespmem:s0], [sflag:$0x3] =	stream.indirect.gather [hbm4b:s1+s25], $0x80, s31, s25, $0xb8;
	[tilespmem:$0x6180] =	vst v63  }
0x116: {  	s12 =	sshll.u32 s12, $0x8;
	s16 =	sand.u32 $0x70, s16;
	_ =	swait.ge [sflag:s22], $0x800  }
0x117: {  	s12 =	sand.u32 $0xFFFF800, s12;
	s16 =	sadd.s32 s4, s16;
	[sflag:s22] =	ssyncset.done $0x0  }
0x118: {  	s12 =	sadd.s32 s12, s16;
	[sflag:s22] =	ssyncadd.s32 $0xFFFFF800  }
0x119: {  	v5 =	vimm.s32 $0x0;
	[tilespmem:s23], [sflag:$0x2] =	stream.strided.gather [hbm4b:s12+s19], $0x800, s20, s19, $0x38;
	[tilespmem:$0x6180] =	vst v63  }
.LBB2_11:
0x11a: {  	s12 =	sshra.s32 s15, $0x2  }
0x11b: {  	v6 =	vld [tilespmem:s12+$0x800];
	_ =	sdelay $0x4  }
0x11c: {  	vm0 =	vle.f32 v6, $2.500000000e-01  }
0x11d: {  	v6 =	vsel vm0, $0x1, v0  }
0x11e: {  	(xrf0) =	vadd.scan.msk.s32 $0xffff, v6;
	_ =	sdelay $0x5  }
0x11f: {  	v6, _, _ =	vpop (xrf0)  }
0x120: {  	v6 =	vadd.s32 v6, v5  }
0x121: {  	v7 =	vld [tilespmem:s12+$0x0];
	v6 =	vadd.s32 $0xFFFFFFFF, v6;
	_ =	sdelay $0x4  }
0x122: {  	[tilespmem:v6+s24+$0x0] =	vst.idx.msk vm0, v7  }
0x123: {  	v6 =	vld [tilespmem:s12+$0x810];
	_ =	sdelay $0x4  }
0x124: {  	vm1 =	vle.f32 v6, $2.500000000e-01  }
0x125: {  	v6 =	vsel vm1, $0x1, v0  }
0x126: {  	(xrf0) =	vadd.scan.msk.s32 $0xffff, v6;
	_ =	sdelay $0x1  }
0x127: {  	v6 =	vmpcnt.ones.xlane vm0;
	_ =	sdelay $0x3  }
0x128: {  	v5 =	vadd.s32 v5, v6;
	v6, _, _ =	vpop (xrf0)  }
0x129: {  	v6 =	vadd.s32 v6, v5  }
0x12a: {  	v7 =	vld [tilespmem:s12+$0x10];
	v6 =	vadd.s32 $0xFFFFFFFF, v6;
	_ =	sdelay $0x4  }
0x12b: {  	[tilespmem:v6+s24+$0x0] =	vst.idx.msk vm1, v7  }
0x12c: {  	v6 =	vld [tilespmem:s12+$0x820];
	_ =	sdelay $0x4  }
0x12d: {  	vm14 =	vle.f32 v6, $2.500000000e-01  }
0x12e: {  	v6 =	vsel vm14, $0x1, v0  }
0x12f: {  	(xrf0) =	vadd.scan.msk.s32 $0xffff, v6;
	_ =	sdelay $0x1  }
0x130: {  	v6 =	vmpcnt.ones.xlane vm1;
	_ =	sdelay $0x3  }
0x131: {  	v5 =	vadd.s32 v5, v6;
	v6, _, _ =	vpop (xrf0)  }
0x132: {  	v6 =	vadd.s32 v6, v5  }
0x133: {  	v7 =	vld [tilespmem:s12+$0x20];
	v6 =	vadd.s32 $0xFFFFFFFF, v6;
	_ =	sdelay $0x4  }
0x134: {  	[tilespmem:v6+s24+$0x0] =	vst.idx.msk vm14, v7  }
0x135: {  	v6 =	vld [tilespmem:s12+$0x830];
	_ =	sdelay $0x4  }
0x136: {  	vm15 =	vle.f32 v6, $2.500000000e-01  }
0x137: {  	v6 =	vsel vm15, $0x1, v0  }
0x138: {  	(xrf0) =	vadd.scan.msk.s32 $0xffff, v6;
	_ =	sdelay $0x1  }
0x139: {  	v6 =	vmpcnt.ones.xlane vm14;
	_ =	sdelay $0x3  }
0x13a: {  	v5 =	vadd.s32 v5, v6;
	v6, _, _ =	vpop (xrf0)  }
0x13b: {  	v6 =	vadd.s32 v6, v5  }
0x13c: {  	p0 =	sne.s32 s15, $0x1F00;
	v7 =	vld [tilespmem:s12+$0x30];
	v6 =	vadd.s32 $0xFFFFFFFF, v6  }
.Ltmp4:
0x13d: {  	_ = 	snop;
	(pc) =	sbr.rel @p0 .LBB2_11-.Ltmp4, $3  }
0x13e: {  	_ = 	snop  }
0x13f: {  	v8 =	vmpcnt.ones.xlane vm15;
	_ =	sdelay $0x1  }
0x140: {  	s15 =	sadd.s32 $0x100, s15;
	v5 =	vadd.s32 v5, v8;
	[tilespmem:v6+s24+$0x0] =	vst.idx.msk vm15, v7  }
0x141: {  	vm0 =	vgt.s32 v5, v1  }
0x142: {  	v6 =	vnsel vm0, $0x0, v1;
	_ =	sdelay $0x4  }
0x143: {  	vm13 =	vgt.s32 v5, v2;
	v6 =	vld.idx.msk [tilespmem:v6+s24+$0x0], $0xffff  }
0x144: {  	v7 =	vnsel vm13, $0x0, v2;
	_ =	sdelay $0x3  }
0x145: {  	[tilespmem:$0x2080] =	vst v6  }
0x146: {  	vm14 =	vgt.s32 v5, v3;
	v6 =	vld.idx.msk [tilespmem:v7+s24+$0x0], $0xffff  }
0x147: {  	v7 =	vnsel vm14, $0x0, v3;
	_ =	sdelay $0x3  }
0x148: {  	[tilespmem:$0x2090] =	vst v6  }
0x149: {  	vm15 =	vgt.s32 v5, v4;
	v6 =	vld.idx.msk [tilespmem:v7+s24+$0x0], $0xffff  }
0x14a: {  	v5 =	vnsel vm15, $0x0, v4;
	_ =	sdelay $0x3  }
0x14b: {  	[tilespmem:$0x20A0] =	vst v6  }
0x14c: {  	v5 =	vld.idx.msk [tilespmem:v5+s24+$0x0], $0xffff;
	_ =	sdelay $0x2  }
0x14d: {  	s10 =	sadd.s32 $0x1, s10  }
0x14e: {  	p0 =	sne.s32 s10, $0x3F  }
.Ltmp5:
0x14f: {  	[tilespmem:$0x20B0] =	vst v5;
	(pc) =	sbr.rel @p0 .LBB2_8-.Ltmp5, $4  }
0x150: {  	_ =	swait.ge [sflag:s30], $0x2000  }
0x151: {  	[sflag:s30] =	ssyncset.done $0x0  }
0x152: {  	s12 =	sadd.s32 s14, s13;
	[sflag:s30] =	ssyncadd.s32 $0xFFFFE000  }
0x153: {  	[hbm4b:s12+s3] =	stream.linear.scatter [tilespmem:s0], [sflag:$0x5], $0x2000, $0x38;
	[tilespmem:$0x6180] =	vst v63  }
0x154: {  	_ =	swait.ge [sflag:s2], $0x2000  }
0x155: {  	[sflag:s2] =	ssyncset.done $0x0  }
0x156: {  	[sflag:s2] =	ssyncadd.s32 $0xFFFFE000  }
0x157: {  	[tilespmem:s28], [sflag:$0x3] =	stream.indirect.gather [hbm4b:s1+s25], $0x80, s26, s25, $0xb8;
	[tilespmem:$0x6180] =	vst v63  }
0x158: {  	_ =	swait.ge [sflag:s29], $0x800  }
0x159: {  	[sflag:s29] =	ssyncset.done $0x0  }
0x15a: {  	v5 =	vimm.s32 $0x0;
	s10 =	simm.s32 $0x0;
	[sflag:s29] =	ssyncadd.s32 $0xFFFFF800  }
.LBB2_14:
0x15b: {  	s12 =	sshra.s32 s10, $0x2  }
0x15c: {  	v6 =	vld [tilespmem:s12+$0x1000];
	_ =	sdelay $0x4  }
0x15d: {  	vm0 =	vle.f32 v6, $2.500000000e-01  }
0x15e: {  	v6 =	vsel vm0, $0x1, v0  }
0x15f: {  	(xrf0) =	vadd.scan.msk.s32 $0xffff, v6;
	_ =	sdelay $0x5  }
0x160: {  	v6, _, _ =	vpop (xrf0)  }
0x161: {  	v6 =	vadd.s32 v6, v5  }
0x162: {  	v7 =	vld [tilespmem:s12+$0x0];
	v6 =	vadd.s32 $0xFFFFFFFF, v6;
	_ =	sdelay $0x4  }
0x163: {  	[tilespmem:v6+s24+$0x0] =	vst.idx.msk vm0, v7  }
0x164: {  	v6 =	vld [tilespmem:s12+$0x1010];
	_ =	sdelay $0x4  }
0x165: {  	vm1 =	vle.f32 v6, $2.500000000e-01  }
0x166: {  	v6 =	vsel vm1, $0x1, v0  }
0x167: {  	(xrf0) =	vadd.scan.msk.s32 $0xffff, v6;
	_ =	sdelay $0x1  }
0x168: {  	v6 =	vmpcnt.ones.xlane vm0;
	_ =	sdelay $0x3  }
0x169: {  	v5 =	vadd.s32 v5, v6;
	v6, _, _ =	vpop (xrf0)  }
0x16a: {  	v6 =	vadd.s32 v6, v5  }
0x16b: {  	v7 =	vld [tilespmem:s12+$0x10];
	v6 =	vadd.s32 $0xFFFFFFFF, v6;
	_ =	sdelay $0x4  }
0x16c: {  	[tilespmem:v6+s24+$0x0] =	vst.idx.msk vm1, v7  }
0x16d: {  	v6 =	vld [tilespmem:s12+$0x1020];
	_ =	sdelay $0x4  }
0x16e: {  	vm14 =	vle.f32 v6, $2.500000000e-01  }
0x16f: {  	v6 =	vsel vm14, $0x1, v0  }
0x170: {  	(xrf0) =	vadd.scan.msk.s32 $0xffff, v6;
	_ =	sdelay $0x1  }
0x171: {  	v6 =	vmpcnt.ones.xlane vm1;
	_ =	sdelay $0x3  }
0x172: {  	v5 =	vadd.s32 v5, v6;
	v6, _, _ =	vpop (xrf0)  }
0x173: {  	v6 =	vadd.s32 v6, v5  }
0x174: {  	v7 =	vld [tilespmem:s12+$0x20];
	v6 =	vadd.s32 $0xFFFFFFFF, v6;
	_ =	sdelay $0x4  }
0x175: {  	[tilespmem:v6+s24+$0x0] =	vst.idx.msk vm14, v7  }
0x176: {  	v6 =	vld [tilespmem:s12+$0x1030];
	_ =	sdelay $0x4  }
0x177: {  	vm15 =	vle.f32 v6, $2.500000000e-01  }
0x178: {  	v6 =	vsel vm15, $0x1, v0  }
0x179: {  	(xrf0) =	vadd.scan.msk.s32 $0xffff, v6;
	_ =	sdelay $0x1  }
0x17a: {  	v6 =	vmpcnt.ones.xlane vm14;
	_ =	sdelay $0x3  }
0x17b: {  	v5 =	vadd.s32 v5, v6;
	v6, _, _ =	vpop (xrf0)  }
0x17c: {  	v6 =	vadd.s32 v6, v5  }
0x17d: {  	p0 =	sne.s32 s10, $0x1F00;
	v7 =	vld [tilespmem:s12+$0x30];
	v6 =	vadd.s32 $0xFFFFFFFF, v6  }
.Ltmp6:
0x17e: {  	_ = 	snop;
	(pc) =	sbr.rel @p0 .LBB2_14-.Ltmp6, $3  }
0x17f: {  	_ = 	snop  }
0x180: {  	v8 =	vmpcnt.ones.xlane vm15;
	_ =	sdelay $0x1  }
0x181: {  	s10 =	sadd.s32 $0x100, s10;
	v5 =	vadd.s32 v5, v8;
	[tilespmem:v6+s24+$0x0] =	vst.idx.msk vm15, v7  }
0x182: {  	vm0 =	vgt.s32 v5, v1  }
0x183: {  	v6 =	vnsel vm0, $0x0, v1;
	_ =	sdelay $0x4  }
0x184: {  	vm13 =	vgt.s32 v5, v2;
	v6 =	vld.idx.msk [tilespmem:v6+s24+$0x0], $0xffff  }
0x185: {  	v7 =	vnsel vm13, $0x0, v2;
	_ =	sdelay $0x3  }
0x186: {  	[tilespmem:$0x2100] =	vst v6  }
0x187: {  	vm14 =	vgt.s32 v5, v3;
	v6 =	vld.idx.msk [tilespmem:v7+s24+$0x0], $0xffff  }
0x188: {  	v7 =	vnsel vm14, $0x0, v3;
	_ =	sdelay $0x3  }
0x189: {  	[tilespmem:$0x2110] =	vst v6  }
0x18a: {  	vm15 =	vgt.s32 v5, v4;
	v6 =	vld.idx.msk [tilespmem:v7+s24+$0x0], $0xffff  }
0x18b: {  	v5 =	vnsel vm15, $0x0, v4;
	_ =	sdelay $0x3  }
0x18c: {  	[tilespmem:$0x2120] =	vst v6  }
0x18d: {  	v5 =	vld.idx.msk [tilespmem:v5+s24+$0x0], $0xffff;
	_ =	sdelay $0x4  }
0x18e: {  	[tilespmem:$0x2130] =	vst v5  }
0x18f: {  	_ =	swait.ge [sflag:s30], $0x2000  }
0x190: {  	[sflag:s30] =	ssyncset.done $0x0  }
0x191: {  	s10 =	rddreg [dreg:$0x8];
	[sflag:s30] =	ssyncadd.s32 $0xFFFFE000  }
0x192: {  	[hbm4b:s10+s3] =	stream.linear.scatter [tilespmem:s28], [sflag:$0x4], $0x2000, $0x38;
	[tilespmem:$0x6180] =	vst v63  }
0x193: {  	_ =	swait.ge [sflag:s7], $0x2000  }
0x194: {  	[sflag:s7] =	ssyncset.done $0x0  }
0x195: {  	[sflag:s7] =	ssyncadd.s32 $0xFFFFE000  }
0x196: {  	[tilespmem:s0], [sflag:$0x3] =	stream.indirect.gather [hbm4b:s1+s25], $0x80, s31, s25, $0xb8;
	[tilespmem:$0x6180] =	vst v63  }
0x197: {  	_ =	swait.ge [sflag:s30], $0x2000  }
0x198: {  	[sflag:s30] =	ssyncset.done $0x0  }
0x199: {  	s9 =	sadd.s32 $0x1, s9;
	s16 =	rddreg [dreg:$0x9];
	[sflag:s30] =	ssyncadd.s32 $0xFFFFE000  }
0x19a: {  	[hbm4b:s16+s3] =	stream.linear.scatter [tilespmem:s0], [sflag:$0x5], $0x2000, $0x38;
	[tilespmem:$0x6180] =	vst v63  }
0x19b: {  	p0 =	sne.s32 s9, s17;
	_ =	swait.ge [sflag:s2], $0x2000  }
.Ltmp7:
0x19c: {  	[sflag:s2] =	ssyncset.done $0x0;
	(pc) =	sbr.rel @p0 .LBB2_1-.Ltmp7, $4  }
0x19d: {  	[sflag:s2] =	ssyncadd.s32 $0xFFFFE000  }
0x19e: {  	_ =	swait.ge [sflag:s7], $0x2000  }
0x19f: {  	[sflag:s7] =	ssyncset.done $0x0  }
0x1a0: {  	[sflag:s7] =	ssyncadd.s32 $0xFFFFE000  }
0x1a1: {  	_ =	sfence.sel $0x180000  }
0x1a2: {  	[bflag:$0x0] =	sbarrier.arrive $0xFFFF  }
0x1a3: {  	_ =	strace $0x90000047  }
0x1a4: {  	s0 =	stileid.u32;
	[bflag:$0x2] =	sbarrier.arrive $0xFFFF  }
0x1a5: {  	p0 =	sne.s32 s0, $0x0;
	s0 =	rddreg [dreg:$0x2]  }
0x1a6: {  	s0 =	sadd.s32 @!p0 $0x100000, s0  }
0x1a7: {  	[sflag:s0] =	ssyncadd.tile.s32 @!p0 $0x1;
	_ =	shalt  }
.Lfunc_end2:
_tile_overlayer_lowered:
.L_overlay_start_2:
0x1a8: {  	(tag) =	ssettag $0x2  }
0x1a9: {  	s0 =	rddreg [dreg:$0x0];
	s2 =	stileid.u32  }
0x1aa: {  	s1 =	rddreg [dreg:$0x1];
	p0 =	sne.s32 s2, $0x0  }
0x1ab: {  	s3 =	rddreg [dreg:$0x2];
	[bflag:$0x3] =	sbarrier.arrive $0xFFFF;
	s2 =	simm.s32 @!p0 $0x1C06  }
0x1ac: {  	[timem:s3], [sflag:s2] =	dma.local @!p0 [hbm:s0], s1  }
0x1ad: {  	s0 =	simm.s32 @!p0 $0x6  }
0x1ae: {  	_ =	swait.ge @!p0 [sflag:s0], s1  }
0x1af: {  	s1 =	ssub.s32 @!p0 $0x0, s1;
	[sflag:s0] =	ssyncset.done @!p0 $0x0  }
0x1b0: {  	[sflag:s0] =	ssyncadd.s32 @!p0 s1  }
0x1b1: {  	[bflag:$0x3] =	sbarrier.arrive $0xFFFF  }
0x1b2: {  	_ =	shalt  }

</sc_bundles>
